<compile_context>
chip_gen: v7x
topology: tpu7x:2x2x1
jax: 0.10.2.dev20260603
libtpu: 0.0.44.dev20260713+nightly
codegen_flags: <defaults>
</compile_context>

<pallas_src>
import functools

import jax
import jax.numpy as jnp
from jax import lax
from jax.experimental import pallas as pl
from jax.experimental.pallas import tpu as pltpu
from jax.experimental.pallas import tpu_sc as plsc

N_NODES = 10000
N_FEAT = 128
N_EDGES = 320000
N_CLASS = 40

NC = 2
NS = 16
EDGES_PER_TILE = N_EDGES // (NC * NS)
CHUNK = 80
NCHUNK = EDGES_PER_TILE // CHUNK
NSEG = 5
SEGCHUNK = NCHUNK // NSEG
ROWS_PER_TILE = 624
TAIL_ROWS = N_NODES - NS * ROWS_PER_TILE
ZROWS = 24


def _sc_segment_sum(x, idx6):
    mesh = plsc.VectorSubcoreMesh(core_axis_name="c", subcore_axis_name="s")

    @functools.partial(
        pl.kernel,
        mesh=mesh,
        compiler_params=pltpu.CompilerParams(use_tc_tiling_on_sc=False),
        out_type=jax.ShapeDtypeStruct((NC, N_NODES, N_FEAT), jnp.float32),
        scratch_types=[
            pltpu.VMEM((2, SEGCHUNK, CHUNK), jnp.int32),
            pltpu.VMEM((2, SEGCHUNK, CHUNK), jnp.int32),
            pltpu.VMEM((CHUNK, N_FEAT), jnp.float32),
            pltpu.VMEM((CHUNK, N_FEAT), jnp.float32),
            pltpu.VMEM((CHUNK, N_FEAT), jnp.float32),
            pltpu.VMEM_SHARED((N_NODES, N_FEAT), jnp.float32),
            pltpu.SemaphoreType.DMA,
            pltpu.SemaphoreType.DMA,
            pltpu.SemaphoreType.DMA,
            pltpu.SemaphoreType.DMA,
            pltpu.SemaphoreType.DMA,
        ],
    )
    def seg_kernel(x_hbm, idx_hbm, out_hbm,
                   srcv, dstv, bufa, bufb, bufc, aggs,
                   sema, semb, semc, semi0, semi1):
        c = lax.axis_index("c")
        s = lax.axis_index("s")
        row0 = s * ROWS_PER_TILE

        @pl.when(c == 0)
        def _():
            pltpu.sync_copy(x_hbm.at[pl.ds(row0, ROWS_PER_TILE)],
                            aggs.at[pl.ds(row0, ROWS_PER_TILE)])

            @pl.when(s == 0)
            def _():
                pltpu.sync_copy(x_hbm.at[pl.ds(NS * ROWS_PER_TILE, TAIL_ROWS)],
                                aggs.at[pl.ds(NS * ROWS_PER_TILE, TAIL_ROWS)])

        @pl.when(c == 1)
        def _():
            def zstore(k, carry):
                r = k // (N_FEAT // 16)
                col = (k % (N_FEAT // 16)) * 16
                bufa[r, pl.ds(col, 16)] = jnp.zeros((16,), jnp.float32)
                return carry
            lax.fori_loop(0, ZROWS * (N_FEAT // 16), zstore, 0)

            def zcopy(i, carry):
                pltpu.sync_copy(bufa.at[pl.ds(0, ZROWS)],
                                aggs.at[pl.ds(row0 + i * ZROWS, ZROWS)])
                return carry
            lax.fori_loop(0, ROWS_PER_TILE // ZROWS, zcopy, 0)

            @pl.when(s == 0)
            def _():
                pltpu.sync_copy(bufa.at[pl.ds(0, TAIL_ROWS)],
                                aggs.at[pl.ds(NS * ROWS_PER_TILE, TAIL_ROWS)])

        pltpu.sync_copy(idx_hbm.at[0, c, s, 0], srcv.at[0])
        pltpu.sync_copy(idx_hbm.at[1, c, s, 0], dstv.at[0])
        pltpu.make_async_copy(idx_hbm.at[0, c, s, 1], srcv.at[1], semi1).start()
        pltpu.make_async_copy(idx_hbm.at[1, c, s, 1], dstv.at[1], semi1).start()
        plsc.subcore_barrier()

        bufs = (bufa, bufb, bufc)
        sems = (sema, semb, semc)

        def seg(g, carry):
            p = g % 2
            sv = srcv.at[p]
            dv = dstv.at[p]

            @pl.when((g > 0) & (p == 0))
            def _():
                pltpu.make_async_copy(idx_hbm.at[0, c, s, g], sv, semi0).wait()
                pltpu.make_async_copy(idx_hbm.at[1, c, s, g], dv, semi0).wait()

            @pl.when((g > 0) & (p == 1))
            def _():
                pltpu.make_async_copy(idx_hbm.at[0, c, s, g], sv, semi1).wait()
                pltpu.make_async_copy(idx_hbm.at[1, c, s, g], dv, semi1).wait()

            pltpu.make_async_copy(x_hbm.at[sv.at[0]], bufs[0], sems[0]).start()
            pltpu.make_async_copy(x_hbm.at[sv.at[1]], bufs[1], sems[1]).start()
            for j in range(SEGCHUNK):
                b = j % 3
                pltpu.make_async_copy(x_hbm.at[sv.at[j]], bufs[b], sems[b]).wait()
                pltpu.make_async_copy(
                    bufs[b], aggs.at[dv.at[j]], sems[b]).start(add=True)
                if j + 2 < SEGCHUNK:
                    b2 = (j + 2) % 3
                    if j >= 1:
                        pltpu.make_async_copy(
                            bufs[b2], aggs.at[dv.at[j - 1]], sems[b2]).wait()
                    pltpu.make_async_copy(
                        x_hbm.at[sv.at[j + 2]], bufs[b2], sems[b2]).start()
            for j in range(SEGCHUNK - 3, SEGCHUNK):
                b = j % 3
                pltpu.make_async_copy(
                    bufs[b], aggs.at[dv.at[j]], sems[b]).wait()

            @pl.when((g + 2 < NSEG) & (p == 0))
            def _():
                pltpu.make_async_copy(idx_hbm.at[0, c, s, g + 2], srcv.at[p], semi0).start()
                pltpu.make_async_copy(idx_hbm.at[1, c, s, g + 2], dstv.at[p], semi0).start()

            @pl.when((g + 2 < NSEG) & (p == 1))
            def _():
                pltpu.make_async_copy(idx_hbm.at[0, c, s, g + 2], srcv.at[p], semi1).start()
                pltpu.make_async_copy(idx_hbm.at[1, c, s, g + 2], dstv.at[p], semi1).start()
            return carry
        lax.fori_loop(0, NSEG, seg, 0)

        plsc.subcore_barrier()
        pltpu.sync_copy(aggs.at[pl.ds(row0, ROWS_PER_TILE)],
                        out_hbm.at[c, pl.ds(row0, ROWS_PER_TILE)])

        @pl.when(s == 0)
        def _():
            pltpu.sync_copy(aggs.at[pl.ds(NS * ROWS_PER_TILE, TAIL_ROWS)],
                            out_hbm.at[c, pl.ds(NS * ROWS_PER_TILE, TAIL_ROWS)])

    return seg_kernel(x, idx6)


def _tc_mlp(parts, w1t, b1, gamma, beta, w2t, b2, wfct, bfc):
    BLK = 5000
    G = N_NODES // BLK
    inv_n = 1.0 / N_NODES

    def k(p_r, w1_r, b1_r, g_r, be_r, w2_r, b2_r, wf_r, bf_r,
          out_r, h1_s, sums_s):
        t = pl.program_id(0)
        i = pl.program_id(1)

        @pl.when(t == 0)
        def _():
            h = p_r[0] + p_r[1]
            h1 = lax.dot_general(h, w1_r[...], (((1,), (1,)), ((), ())),
                                 preferred_element_type=jnp.float32) + b1_r[...]
            h1 = jnp.maximum(h1, 0.0)
            h1_s[pl.ds(i * BLK, BLK), :] = h1

            @pl.when(i == 0)
            def _():
                sums_s[...] = jnp.zeros_like(sums_s)
            sums_s[0:1, :] += jnp.sum(h1, axis=0, keepdims=True)
            sums_s[1:2, :] += jnp.sum(h1 * h1, axis=0, keepdims=True)

        @pl.when(t == 1)
        def _():
            mean = sums_s[0:1, :] * inv_n
            var = sums_s[1:2, :] * inv_n - mean * mean
            sc = g_r[...] * lax.rsqrt(var + 1e-5)
            sh = be_r[...] - mean * sc
            ws = lax.dot_general(w2_r[...], wf_r[...], (((0,), (1,)), ((), ())),
                                 preferred_element_type=jnp.float32)
            bs = lax.dot_general(b2_r[...], wf_r[...], (((1,), (1,)), ((), ())),
                                 preferred_element_type=jnp.float32) + bf_r[...]
            hn = h1_s[pl.ds(i * BLK, BLK), :] * sc + sh
            out_r[...] = jnp.dot(hn, ws, preferred_element_type=jnp.float32) + bs

    def part_map(t, i):
        return (0, jnp.where(t == 0, i, 0), 0)

    return pl.pallas_call(
        k,
        grid=(2, G),
        in_specs=[
            pl.BlockSpec((NC, BLK, N_FEAT), part_map),
            pl.BlockSpec((N_FEAT, N_FEAT), lambda t, i: (0, 0)),
            pl.BlockSpec((1, N_FEAT), lambda t, i: (0, 0)),
            pl.BlockSpec((1, N_FEAT), lambda t, i: (0, 0)),
            pl.BlockSpec((1, N_FEAT), lambda t, i: (0, 0)),
            pl.BlockSpec((N_FEAT, N_FEAT), lambda t, i: (0, 0)),
            pl.BlockSpec((1, N_FEAT), lambda t, i: (0, 0)),
            pl.BlockSpec((N_CLASS, N_FEAT), lambda t, i: (0, 0)),
            pl.BlockSpec((1, N_CLASS), lambda t, i: (0, 0)),
        ],
        out_specs=pl.BlockSpec((BLK, N_CLASS), lambda t, i: (i, 0)),
        out_shape=jax.ShapeDtypeStruct((N_NODES, N_CLASS), jnp.float32),
        scratch_shapes=[
            pltpu.VMEM((N_NODES, N_FEAT), jnp.float32),
            pltpu.VMEM((2, N_FEAT), jnp.float32),
        ],
    )(parts, w1t, b1, gamma, beta, w2t, b2, wfct, bfc)


def kernel(x, edge_index, W1, b1, gamma, beta, W2, b2, Wfc, bfc):
    idx6 = edge_index.astype(jnp.int32).reshape(2, NC, NS, NSEG, SEGCHUNK, CHUNK)
    parts = _sc_segment_sum(x, idx6)
    out = _tc_mlp(parts, W1, b1.reshape(1, N_FEAT),
                  gamma.reshape(1, N_FEAT), beta.reshape(1, N_FEAT),
                  W2, b2.reshape(1, N_FEAT), Wfc, bfc.reshape(1, N_CLASS))
    return out

# --- scband reference (transcript-rebuilt; emitter-appended) ---
"""Pipeline reference for scband-gin-4913442586833 (READ-ONLY COPY).

The authoritative reference and input builder live on the scoring server;
editing this copy changes nothing except your own understanding.
"""

import jax, jax.numpy as jnp
import numpy as np

NFEAT = 128
NHID = 128
NCLASS = 40
N_NODES = 10000
N_EDGES = 320000

def setup_inputs(seed: int = 0) -> dict:
    key = jax.random.key(seed)
    ks = jax.random.split(key, 10)
    x = jax.random.normal(ks[0], (N_NODES, NFEAT), dtype=jnp.float32)
    edge_index = jax.random.randint(ks[1], (2, N_EDGES), 0, N_NODES, dtype=jnp.int64)
    # Xavier-uniform init for linear layers (matching torch.nn.init.xavier_uniform_)
    def xavier(k, fan_out, fan_in):
        limit = float(np.sqrt(6.0 / (fan_in + fan_out)))
        return jax.random.uniform(k, (fan_out, fan_in), dtype=jnp.float32, minval=-limit, maxval=limit)
    W1 = xavier(ks[2], NHID, NFEAT)
    b1 = jnp.zeros((NHID,), dtype=jnp.float32)
    gamma = jnp.ones((NHID,), dtype=jnp.float32)
    beta = jnp.zeros((NHID,), dtype=jnp.float32)
    W2 = xavier(ks[3], NHID, NHID)
    b2 = jnp.zeros((NHID,), dtype=jnp.float32)
    Wfc = xavier(ks[4], NCLASS, NHID)
    bfc = jnp.zeros((NCLASS,), dtype=jnp.float32)
    return {"x": x, "edge_index": edge_index, "W1": W1, "b1": b1, "gamma": gamma, "beta": beta, "W2": W2, "b2": b2, "Wfc": Wfc, "bfc": bfc}

def reference(x, edge_index, W1, b1, gamma, beta, W2, b2, Wfc, bfc):
    # GINConv with default eps=0: h_i = mlp((1 + eps) * x_i + sum_{j in N(i)} x_j)
    src = edge_index[0]
    dst = edge_index[1]
    msgs = jnp.take(x, src, axis=0)                      # gather (SparseCore)
    agg = jax.ops.segment_sum(msgs, dst, num_segments=x.shape[0])  # scatter-add
    h = x + agg                                          # (1+0)*x + agg
    # mlp1: Linear -> ReLU -> BatchNorm1d (training-mode batch stats) -> Linear
    h = h @ W1.T + b1
    h = jax.nn.relu(h)
    mean = jnp.mean(h, axis=0)
    var = jnp.var(h, axis=0)
    h = (h - mean) / jnp.sqrt(var + 1e-5) * gamma + beta
    h = h @ W2.T + b2
    # final classifier
    out = h @ Wfc.T + bfc
    return out

if __name__ == "__main__":
    import jax
    _d = setup_inputs()
    print(jax.jit(kernel)(*tuple(_d.values())))

</pallas_src>

<mosaic_0001>
#map = affine_map<(d0, d1) -> (0, 0)>
#map1 = affine_map<(d0, d1) -> (0, 0, 0, 0, 0, 0)>
#map2 = affine_map<(d0, d1) -> (0, 0, 0)>
module attributes {stable_mosaic.version = 14 : i64} {
  func.func @seg_kernel(%arg0: i32, %arg1: i32, %arg2: memref<10000x128xf32, #tpu.memory_space<hbm>>, %arg3: memref<2x2x16x5x25x80xi32, #tpu.memory_space<hbm>>, %arg4: memref<2x10000x128xf32, #tpu.memory_space<hbm>>, %arg5: memref<2x25x80xi32, #tpu.memory_space<vmem>>, %arg6: memref<2x25x80xi32, #tpu.memory_space<vmem>>, %arg7: memref<80x128xf32, #tpu.memory_space<vmem>>, %arg8: memref<80x128xf32, #tpu.memory_space<vmem>>, %arg9: memref<80x128xf32, #tpu.memory_space<vmem>>, %arg10: memref<10000x128xf32, #tpu.memory_space<vmem_shared>>, %arg11: memref<!tpu.dma_semaphore, #tpu.memory_space<semaphore_mem>>, %arg12: memref<!tpu.dma_semaphore, #tpu.memory_space<semaphore_mem>>, %arg13: memref<!tpu.dma_semaphore, #tpu.memory_space<semaphore_mem>>, %arg14: memref<!tpu.dma_semaphore, #tpu.memory_space<semaphore_mem>>, %arg15: memref<!tpu.dma_semaphore, #tpu.memory_space<semaphore_mem>>) attributes {dimension_semantics = [#tpu.dimension_semantics<core_parallel>, #tpu.dimension_semantics<subcore_parallel>], iteration_bounds = array<i64: 2, 16>, scalar_prefetch = 0 : i64, scratch_operands = 11 : i64, tpu.core_type = #tpu.core_type<sc_vector_subcore>, window_params = [{transform_indices = #map}, {transform_indices = #map1}, {transform_indices = #map2}]} {
    %mul3A = arith.constant 624 : i32
    %mul3A_0 = arith.muli %arg1, %mul3A : i32
    %eq3A = arith.constant 0 : i32
    %eq3A_1 = arith.cmpi eq, %arg0, %eq3A : i32
    %convert_element_type3A = arith.extui %eq3A_1 : i1 to i32
    %cond3A = arith.constant 0 : i32
    %cond3A_2 = arith.cmpi ne, %convert_element_type3A, %cond3A : i32
    scf.if %cond3A_2 {
      "tpu.region"() ({
        %run_scoped3A_66 = tpu.sem_alloc : memref<!tpu.dma_semaphore, #tpu.memory_space<semaphore_mem>>
        %dma_start3A_67 = arith.constant 0 : i32
        %dma_start3A_68 = tpu.memref_slice %arg10[%mul3A_0, %dma_start3A_67] : memref<10000x128xf32, #tpu.memory_space<vmem_shared>> -> memref<624x128xf32, #tpu.memory_space<vmem_shared>>
        %dma_start3A_69 = arith.constant 0 : i32
        %dma_start3A_70 = tpu.memref_slice %arg2[%mul3A_0, %dma_start3A_69] : memref<10000x128xf32, #tpu.memory_space<hbm>> -> memref<624x128xf32, #tpu.memory_space<hbm>>
        tpu.enqueue_dma source(%dma_start3A_70 : memref<624x128xf32, #tpu.memory_space<hbm>>) target(%dma_start3A_68 : memref<624x128xf32, #tpu.memory_space<vmem_shared>>) target_semaphore(%run_scoped3A_66 : memref<!tpu.dma_semaphore, #tpu.memory_space<semaphore_mem>>)
        %dma_wait3A = arith.constant 0 : i32
        %dma_wait3A_71 = tpu.memref_slice %arg10[%mul3A_0, %dma_wait3A] : memref<10000x128xf32, #tpu.memory_space<vmem_shared>> -> memref<624x128xf32, #tpu.memory_space<vmem_shared>>
        %dma_wait3A_72 = arith.constant 0 : i32
        %dma_wait3A_73 = tpu.memref_slice %arg2[%mul3A_0, %dma_wait3A_72] : memref<10000x128xf32, #tpu.memory_space<hbm>> -> memref<624x128xf32, #tpu.memory_space<hbm>>
        tpu.wait_dma2 semaphore(%run_scoped3A_66 : memref<!tpu.dma_semaphore, #tpu.memory_space<semaphore_mem>>) src(%dma_wait3A_73 : memref<624x128xf32, #tpu.memory_space<hbm>>) dst(%dma_wait3A_71 : memref<624x128xf32, #tpu.memory_space<vmem_shared>>)
        tpu.yield
      }) : () -> ()
      %eq3A_61 = arith.constant 0 : i32
      %eq3A_62 = arith.cmpi eq, %arg1, %eq3A_61 : i32
      %convert_element_type3A_63 = arith.extui %eq3A_62 : i1 to i32
      %cond3A_64 = arith.constant 0 : i32
      %cond3A_65 = arith.cmpi ne, %convert_element_type3A_63, %cond3A_64 : i32
      scf.if %cond3A_65 {
        "tpu.region"() ({
          %run_scoped3A_66 = tpu.sem_alloc : memref<!tpu.dma_semaphore, #tpu.memory_space<semaphore_mem>>
          %dma_start3A_67 = arith.constant 9984 : i32
          %dma_start3A_68 = arith.constant 0 : i32
          %dma_start3A_69 = tpu.memref_slice %arg10[%dma_start3A_67, %dma_start3A_68] : memref<10000x128xf32, #tpu.memory_space<vmem_shared>> -> memref<16x128xf32, #tpu.memory_space<vmem_shared>>
          %dma_start3A_70 = arith.constant 9984 : i32
          %dma_start3A_71 = arith.constant 0 : i32
          %dma_start3A_72 = tpu.memref_slice %arg2[%dma_start3A_70, %dma_start3A_71] : memref<10000x128xf32, #tpu.memory_space<hbm>> -> memref<16x128xf32, #tpu.memory_space<hbm>>
          tpu.enqueue_dma source(%dma_start3A_72 : memref<16x128xf32, #tpu.memory_space<hbm>>) target(%dma_start3A_69 : memref<16x128xf32, #tpu.memory_space<vmem_shared>>) target_semaphore(%run_scoped3A_66 : memref<!tpu.dma_semaphore, #tpu.memory_space<semaphore_mem>>)
          %dma_wait3A = arith.constant 9984 : i32
          %dma_wait3A_73 = arith.constant 0 : i32
          %dma_wait3A_74 = tpu.memref_slice %arg10[%dma_wait3A, %dma_wait3A_73] : memref<10000x128xf32, #tpu.memory_space<vmem_shared>> -> memref<16x128xf32, #tpu.memory_space<vmem_shared>>
          %dma_wait3A_75 = arith.constant 9984 : i32
          %dma_wait3A_76 = arith.constant 0 : i32
          %dma_wait3A_77 = tpu.memref_slice %arg2[%dma_wait3A_75, %dma_wait3A_76] : memref<10000x128xf32, #tpu.memory_space<hbm>> -> memref<16x128xf32, #tpu.memory_space<hbm>>
          tpu.wait_dma2 semaphore(%run_scoped3A_66 : memref<!tpu.dma_semaphore, #tpu.memory_space<semaphore_mem>>) src(%dma_wait3A_77 : memref<16x128xf32, #tpu.memory_space<hbm>>) dst(%dma_wait3A_74 : memref<16x128xf32, #tpu.memory_space<vmem_shared>>)
          tpu.yield
        }) : () -> ()
      } else {
      }
    } else {
    }
    %eq3A_3 = arith.constant 1 : i32
    %eq3A_4 = arith.cmpi eq, %arg0, %eq3A_3 : i32
    %convert_element_type3A_5 = arith.extui %eq3A_4 : i1 to i32
    %cond3A_6 = arith.constant 0 : i32
    %cond3A_7 = arith.cmpi ne, %convert_element_type3A_5, %cond3A_6 : i32
    scf.if %cond3A_7 {
      %scan3A_61 = arith.constant 0 : i32
      %scan3A_62 = arith.constant 0 : i32
      %scan3A_63 = arith.constant 192 : i32
      %scan3A_64 = arith.addi %scan3A_62, %scan3A_63 : i32
      %scan3A_65 = arith.constant 1 : i32
      scf.for %scan3A_78 = %scan3A_62 to %scan3A_64 step %scan3A_65  : i32 {
        %jit3A = arith.constant 8 : i32
        %div3A = arith.divsi %scan3A_78, %jit3A : i32
        %sign3A = arith.constant 0 : i32
        %sign3A_79 = arith.cmpi sgt, %scan3A_78, %sign3A : i32
        %sign3A_80 = arith.extui %sign3A_79 : i1 to i32
        %sign3A_81 = arith.constant 0 : i32
        %sign3A_82 = arith.cmpi slt, %scan3A_78, %sign3A_81 : i32
        %sign3A_83 = arith.extui %sign3A_82 : i1 to i32
        %sign3A_84 = arith.subi %sign3A_80, %sign3A_83 : i32
        %sign3A_85 = arith.constant 0 : i32
        %sign3A_86 = arith.cmpi sgt, %jit3A, %sign3A_85 : i32
        %sign3A_87 = arith.extui %sign3A_86 : i1 to i32
        %sign3A_88 = arith.constant 0 : i32
        %sign3A_89 = arith.cmpi slt, %jit3A, %sign3A_88 : i32
        %sign3A_90 = arith.extui %sign3A_89 : i1 to i32
        %sign3A_91 = arith.subi %sign3A_87, %sign3A_90 : i32
        %ne3A = arith.cmpi ne, %sign3A_84, %sign3A_91 : i32
        %rem3A = arith.remsi %scan3A_78, %jit3A : i32
        %ne3A_92 = arith.constant 0 : i32
        %ne3A_93 = arith.cmpi ne, %rem3A, %ne3A_92 : i32
        %and3A = arith.andi %ne3A, %ne3A_93 : i1
        %sub3A = arith.constant 1 : i32
        %sub3A_94 = arith.subi %div3A, %sub3A : i32
        %select_n3A = arith.select %and3A, %sub3A_94, %div3A : i32
        %jit3A_95 = arith.constant 8 : i32
        %eq3A_96 = arith.constant 0 : i32
        %eq3A_97 = arith.cmpi eq, %jit3A_95, %eq3A_96 : i32
        %jit3A_98 = arith.constant 1 : i32
        %select_n3A_99 = arith.select %eq3A_97, %jit3A_98, %jit3A_95 : i32
        %rem3A_100 = arith.remsi %scan3A_78, %select_n3A_99 : i32
        %ne3A_101 = arith.constant 0 : i32
        %ne3A_102 = arith.cmpi ne, %rem3A_100, %ne3A_101 : i32
        %lt3A = arith.constant 0 : i32
        %lt3A_103 = arith.cmpi slt, %rem3A_100, %lt3A : i32
        %lt3A_104 = arith.constant 0 : i32
        %lt3A_105 = arith.cmpi slt, %select_n3A_99, %lt3A_104 : i32
        %ne3A_106 = arith.xori %lt3A_103, %lt3A_105 : i1
        %and3A_107 = arith.andi %ne3A_106, %ne3A_102 : i1
        %add3A = arith.addi %rem3A_100, %select_n3A_99 : i32
        %select_n3A_108 = arith.select %and3A_107, %add3A, %rem3A_100 : i32
        %mul3A_109 = arith.constant 16 : i32
        %mul3A_110 = arith.muli %select_n3A_108, %mul3A_109 : i32
        %broadcast_in_dim3A = arith.constant 0.000000e+00 : f32
        %broadcast_in_dim3A_111 = vector.broadcast %broadcast_in_dim3A : f32 to vector<16xf32>
        %swap3A = arith.index_cast %select_n3A : i32 to index
        %swap3A_112 = arith.index_cast %mul3A_110 : i32 to index
        %swap3A_113 = tpu.vector_load %arg7[%swap3A, %swap3A_112] {strides = array<i32>} : memref<80x128xf32, #tpu.memory_space<vmem>>, vector<1x16xf32>,
        %swap3A_114 = vector.shape_cast %swap3A_113 : vector<1x16xf32> to vector<16xf32>
        %swap3A_115 = vector.shape_cast %broadcast_in_dim3A_111 : vector<16xf32> to vector<1x16xf32>
        tpu.vector_store %arg7[%swap3A, %swap3A_112], %swap3A_115 {strides = array<i32>} : memref<80x128xf32, #tpu.memory_space<vmem>>, vector<1x16xf32>,
      }
      %scan3A_66 = arith.constant 192 : i32
      %scan3A_67 = arith.constant 0 : i32
      %scan3A_68 = arith.constant 0 : i32
      %scan3A_69 = arith.constant 26 : i32
      %scan3A_70 = arith.addi %scan3A_68, %scan3A_69 : i32
      %scan3A_71 = arith.constant 1 : i32
      scf.for %scan3A_78 = %scan3A_68 to %scan3A_70 step %scan3A_71  : i32 {
        %mul3A_79 = arith.constant 24 : i32
        %mul3A_80 = arith.muli %scan3A_78, %mul3A_79 : i32
        %add3A = arith.addi %mul3A_0, %mul3A_80 : i32
        "tpu.region"() ({
          %run_scoped3A_81 = tpu.sem_alloc : memref<!tpu.dma_semaphore, #tpu.memory_space<semaphore_mem>>
          %dma_start3A_82 = arith.constant 0 : i32
          %dma_start3A_83 = arith.constant 0 : i32
          %dma_start3A_84 = tpu.memref_slice %arg7[%dma_start3A_82, %dma_start3A_83] : memref<80x128xf32, #tpu.memory_space<vmem>> -> memref<24x128xf32, #tpu.memory_space<vmem>>
          %dma_start3A_85 = arith.constant 0 : i32
          %dma_start3A_86 = tpu.memref_slice %arg10[%add3A, %dma_start3A_85] : memref<10000x128xf32, #tpu.memory_space<vmem_shared>> -> memref<24x128xf32, #tpu.memory_space<vmem_shared>>
          %dma_start3A_87 = arith.constant 0 : i32
          %dma_start3A_88 = tpu.memref_slice %arg10[%add3A, %dma_start3A_87] : memref<10000x128xf32, #tpu.memory_space<vmem_shared>> -> memref<24x128xf32, #tpu.memory_space<vmem_shared>>
          %dma_start3A_89 = arith.constant 0 : i32
          %dma_start3A_90 = arith.constant 0 : i32
          %dma_start3A_91 = tpu.memref_slice %arg7[%dma_start3A_89, %dma_start3A_90] : memref<80x128xf32, #tpu.memory_space<vmem>> -> memref<24x128xf32, #tpu.memory_space<vmem>>
          tpu.enqueue_dma source(%dma_start3A_91 : memref<24x128xf32, #tpu.memory_space<vmem>>) target(%dma_start3A_88 : memref<24x128xf32, #tpu.memory_space<vmem_shared>>) target_semaphore(%run_scoped3A_81 : memref<!tpu.dma_semaphore, #tpu.memory_space<semaphore_mem>>)
          %dma_wait3A = arith.constant 0 : i32
          %dma_wait3A_92 = arith.constant 0 : i32
          %dma_wait3A_93 = tpu.memref_slice %arg7[%dma_wait3A, %dma_wait3A_92] : memref<80x128xf32, #tpu.memory_space<vmem>> -> memref<24x128xf32, #tpu.memory_space<vmem>>
          %dma_wait3A_94 = arith.constant 0 : i32
          %dma_wait3A_95 = tpu.memref_slice %arg10[%add3A, %dma_wait3A_94] : memref<10000x128xf32, #tpu.memory_space<vmem_shared>> -> memref<24x128xf32, #tpu.memory_space<vmem_shared>>
          %dma_wait3A_96 = arith.constant 0 : i32
          %dma_wait3A_97 = tpu.memref_slice %arg10[%add3A, %dma_wait3A_96] : memref<10000x128xf32, #tpu.memory_space<vmem_shared>> -> memref<24x128xf32, #tpu.memory_space<vmem_shared>>
          %dma_wait3A_98 = arith.constant 0 : i32
          %dma_wait3A_99 = arith.constant 0 : i32
          %dma_wait3A_100 = tpu.memref_slice %arg7[%dma_wait3A_98, %dma_wait3A_99] : memref<80x128xf32, #tpu.memory_space<vmem>> -> memref<24x128xf32, #tpu.memory_space<vmem>>
          tpu.wait_dma2 semaphore(%run_scoped3A_81 : memref<!tpu.dma_semaphore, #tpu.memory_space<semaphore_mem>>) src(%dma_wait3A_100 : memref<24x128xf32, #tpu.memory_space<vmem>>) dst(%dma_wait3A_97 : memref<24x128xf32, #tpu.memory_space<vmem_shared>>)
          tpu.yield
        }) : () -> ()
      }
      %scan3A_72 = arith.constant 26 : i32
      %eq3A_73 = arith.constant 0 : i32
      %eq3A_74 = arith.cmpi eq, %arg1, %eq3A_73 : i32
      %convert_element_type3A_75 = arith.extui %eq3A_74 : i1 to i32
      %cond3A_76 = arith.constant 0 : i32
      %cond3A_77 = arith.cmpi ne, %convert_element_type3A_75, %cond3A_76 : i32
      scf.if %cond3A_77 {
        "tpu.region"() ({
          %run_scoped3A_78 = tpu.sem_alloc : memref<!tpu.dma_semaphore, #tpu.memory_space<semaphore_mem>>
          %dma_start3A_79 = arith.constant 0 : i32
          %dma_start3A_80 = arith.constant 0 : i32
          %dma_start3A_81 = tpu.memref_slice %arg7[%dma_start3A_79, %dma_start3A_80] : memref<80x128xf32, #tpu.memory_space<vmem>> -> memref<16x128xf32, #tpu.memory_space<vmem>>
          %dma_start3A_82 = arith.constant 9984 : i32
          %dma_start3A_83 = arith.constant 0 : i32
          %dma_start3A_84 = tpu.memref_slice %arg10[%dma_start3A_82, %dma_start3A_83] : memref<10000x128xf32, #tpu.memory_space<vmem_shared>> -> memref<16x128xf32, #tpu.memory_space<vmem_shared>>
          %dma_start3A_85 = arith.constant 9984 : i32
          %dma_start3A_86 = arith.constant 0 : i32
          %dma_start3A_87 = tpu.memref_slice %arg10[%dma_start3A_85, %dma_start3A_86] : memref<10000x128xf32, #tpu.memory_space<vmem_shared>> -> memref<16x128xf32, #tpu.memory_space<vmem_shared>>
          %dma_start3A_88 = arith.constant 0 : i32
          %dma_start3A_89 = arith.constant 0 : i32
          %dma_start3A_90 = tpu.memref_slice %arg7[%dma_start3A_88, %dma_start3A_89] : memref<80x128xf32, #tpu.memory_space<vmem>> -> memref<16x128xf32, #tpu.memory_space<vmem>>
          tpu.enqueue_dma source(%dma_start3A_90 : memref<16x128xf32, #tpu.memory_space<vmem>>) target(%dma_start3A_87 : memref<16x128xf32, #tpu.memory_space<vmem_shared>>) target_semaphore(%run_scoped3A_78 : memref<!tpu.dma_semaphore, #tpu.memory_space<semaphore_mem>>)
          %dma_wait3A = arith.constant 0 : i32
          %dma_wait3A_91 = arith.constant 0 : i32
          %dma_wait3A_92 = tpu.memref_slice %arg7[%dma_wait3A, %dma_wait3A_91] : memref<80x128xf32, #tpu.memory_space<vmem>> -> memref<16x128xf32, #tpu.memory_space<vmem>>
          %dma_wait3A_93 = arith.constant 9984 : i32
          %dma_wait3A_94 = arith.constant 0 : i32
          %dma_wait3A_95 = tpu.memref_slice %arg10[%dma_wait3A_93, %dma_wait3A_94] : memref<10000x128xf32, #tpu.memory_space<vmem_shared>> -> memref<16x128xf32, #tpu.memory_space<vmem_shared>>
          %dma_wait3A_96 = arith.constant 9984 : i32
          %dma_wait3A_97 = arith.constant 0 : i32
          %dma_wait3A_98 = tpu.memref_slice %arg10[%dma_wait3A_96, %dma_wait3A_97] : memref<10000x128xf32, #tpu.memory_space<vmem_shared>> -> memref<16x128xf32, #tpu.memory_space<vmem_shared>>
          %dma_wait3A_99 = arith.constant 0 : i32
          %dma_wait3A_100 = arith.constant 0 : i32
          %dma_wait3A_101 = tpu.memref_slice %arg7[%dma_wait3A_99, %dma_wait3A_100] : memref<80x128xf32, #tpu.memory_space<vmem>> -> memref<16x128xf32, #tpu.memory_space<vmem>>
          tpu.wait_dma2 semaphore(%run_scoped3A_78 : memref<!tpu.dma_semaphore, #tpu.memory_space<semaphore_mem>>) src(%dma_wait3A_101 : memref<16x128xf32, #tpu.memory_space<vmem>>) dst(%dma_wait3A_98 : memref<16x128xf32, #tpu.memory_space<vmem_shared>>)
          tpu.yield
        }) : () -> ()
      } else {
      }
    } else {
    }
    %run_scoped3A = arith.constant 0 : i32
    %run_scoped3A_8 = arith.constant 0 : i32
    %run_scoped3A_9 = arith.constant 0 : i32
    "tpu.region"() ({
      %run_scoped3A_61 = tpu.sem_alloc : memref<!tpu.dma_semaphore, #tpu.memory_space<semaphore_mem>>
      %dma_start3A_62 = arith.constant 0 : i32
      %dma_start3A_63 = arith.constant 0 : i32
      %dma_start3A_64 = tpu.memref_slice %arg5[%run_scoped3A_9, %dma_start3A_62, %dma_start3A_63] : memref<2x25x80xi32, #tpu.memory_space<vmem>> -> memref<1x25x80xi32, #tpu.memory_space<vmem>>
      %dma_start3A_65 = tpu.memref_squeeze %dma_start3A_64 : memref<1x25x80xi32, #tpu.memory_space<vmem>> -> memref<25x80xi32, #tpu.memory_space<vmem>>
      %dma_start3A_66 = arith.constant 0 : i32
      %dma_start3A_67 = arith.constant 0 : i32
      %dma_start3A_68 = tpu.memref_slice %arg3[%run_scoped3A, %arg0, %arg1, %run_scoped3A_8, %dma_start3A_66, %dma_start3A_67] : memref<2x2x16x5x25x80xi32, #tpu.memory_space<hbm>> -> memref<1x1x1x1x25x80xi32, #tpu.memory_space<hbm>>
      %dma_start3A_69 = tpu.memref_squeeze %dma_start3A_68 : memref<1x1x1x1x25x80xi32, #tpu.memory_space<hbm>> -> memref<25x80xi32, #tpu.memory_space<hbm>>
      %dma_start3A_70 = arith.constant 0 : i32
      %dma_start3A_71 = arith.constant 0 : i32
      %dma_start3A_72 = tpu.memref_slice %arg5[%run_scoped3A_9, %dma_start3A_70, %dma_start3A_71] : memref<2x25x80xi32, #tpu.memory_space<vmem>> -> memref<1x25x80xi32, #tpu.memory_space<vmem>>
      %dma_start3A_73 = tpu.memref_squeeze %dma_start3A_72 : memref<1x25x80xi32, #tpu.memory_space<vmem>> -> memref<25x80xi32, #tpu.memory_space<vmem>>
      %dma_start3A_74 = arith.constant 0 : i32
      %dma_start3A_75 = arith.constant 0 : i32
      %dma_start3A_76 = tpu.memref_slice %arg3[%run_scoped3A, %arg0, %arg1, %run_scoped3A_8, %dma_start3A_74, %dma_start3A_75] : memref<2x2x16x5x25x80xi32, #tpu.memory_space<hbm>> -> memref<1x1x1x1x25x80xi32, #tpu.memory_space<hbm>>
      %dma_start3A_77 = tpu.memref_squeeze %dma_start3A_76 : memref<1x1x1x1x25x80xi32, #tpu.memory_space<hbm>> -> memref<25x80xi32, #tpu.memory_space<hbm>>
      tpu.enqueue_dma source(%dma_start3A_77 : memref<25x80xi32, #tpu.memory_space<hbm>>) target(%dma_start3A_73 : memref<25x80xi32, #tpu.memory_space<vmem>>) target_semaphore(%run_scoped3A_61 : memref<!tpu.dma_semaphore, #tpu.memory_space<semaphore_mem>>)
      %dma_wait3A = arith.constant 0 : i32
      %dma_wait3A_78 = arith.constant 0 : i32
      %dma_wait3A_79 = tpu.memref_slice %arg5[%run_scoped3A_9, %dma_wait3A, %dma_wait3A_78] : memref<2x25x80xi32, #tpu.memory_space<vmem>> -> memref<1x25x80xi32, #tpu.memory_space<vmem>>
      %dma_wait3A_80 = tpu.memref_squeeze %dma_wait3A_79 : memref<1x25x80xi32, #tpu.memory_space<vmem>> -> memref<25x80xi32, #tpu.memory_space<vmem>>
      %dma_wait3A_81 = arith.constant 0 : i32
      %dma_wait3A_82 = arith.constant 0 : i32
      %dma_wait3A_83 = tpu.memref_slice %arg3[%run_scoped3A, %arg0, %arg1, %run_scoped3A_8, %dma_wait3A_81, %dma_wait3A_82] : memref<2x2x16x5x25x80xi32, #tpu.memory_space<hbm>> -> memref<1x1x1x1x25x80xi32, #tpu.memory_space<hbm>>
      %dma_wait3A_84 = tpu.memref_squeeze %dma_wait3A_83 : memref<1x1x1x1x25x80xi32, #tpu.memory_space<hbm>> -> memref<25x80xi32, #tpu.memory_space<hbm>>
      %dma_wait3A_85 = arith.constant 0 : i32
      %dma_wait3A_86 = arith.constant 0 : i32
      %dma_wait3A_87 = tpu.memref_slice %arg5[%run_scoped3A_9, %dma_wait3A_85, %dma_wait3A_86] : memref<2x25x80xi32, #tpu.memory_space<vmem>> -> memref<1x25x80xi32, #tpu.memory_space<vmem>>
      %dma_wait3A_88 = tpu.memref_squeeze %dma_wait3A_87 : memref<1x25x80xi32, #tpu.memory_space<vmem>> -> memref<25x80xi32, #tpu.memory_space<vmem>>
      %dma_wait3A_89 = arith.constant 0 : i32
      %dma_wait3A_90 = arith.constant 0 : i32
      %dma_wait3A_91 = tpu.memref_slice %arg3[%run_scoped3A, %arg0, %arg1, %run_scoped3A_8, %dma_wait3A_89, %dma_wait3A_90] : memref<2x2x16x5x25x80xi32, #tpu.memory_space<hbm>> -> memref<1x1x1x1x25x80xi32, #tpu.memory_space<hbm>>
      %dma_wait3A_92 = tpu.memref_squeeze %dma_wait3A_91 : memref<1x1x1x1x25x80xi32, #tpu.memory_space<hbm>> -> memref<25x80xi32, #tpu.memory_space<hbm>>
      tpu.wait_dma2 semaphore(%run_scoped3A_61 : memref<!tpu.dma_semaphore, #tpu.memory_space<semaphore_mem>>) src(%dma_wait3A_92 : memref<25x80xi32, #tpu.memory_space<hbm>>) dst(%dma_wait3A_88 : memref<25x80xi32, #tpu.memory_space<vmem>>)
      tpu.yield
    }) : () -> ()
    %run_scoped3A_10 = arith.constant 1 : i32
    %run_scoped3A_11 = arith.constant 0 : i32
    %run_scoped3A_12 = arith.constant 0 : i32
    "tpu.region"() ({
      %run_scoped3A_61 = tpu.sem_alloc : memref<!tpu.dma_semaphore, #tpu.memory_space<semaphore_mem>>
      %dma_start3A_62 = arith.constant 0 : i32
      %dma_start3A_63 = arith.constant 0 : i32
      %dma_start3A_64 = tpu.memref_slice %arg6[%run_scoped3A_12, %dma_start3A_62, %dma_start3A_63] : memref<2x25x80xi32, #tpu.memory_space<vmem>> -> memref<1x25x80xi32, #tpu.memory_space<vmem>>
      %dma_start3A_65 = tpu.memref_squeeze %dma_start3A_64 : memref<1x25x80xi32, #tpu.memory_space<vmem>> -> memref<25x80xi32, #tpu.memory_space<vmem>>
      %dma_start3A_66 = arith.constant 0 : i32
      %dma_start3A_67 = arith.constant 0 : i32
      %dma_start3A_68 = tpu.memref_slice %arg3[%run_scoped3A_10, %arg0, %arg1, %run_scoped3A_11, %dma_start3A_66, %dma_start3A_67] : memref<2x2x16x5x25x80xi32, #tpu.memory_space<hbm>> -> memref<1x1x1x1x25x80xi32, #tpu.memory_space<hbm>>
      %dma_start3A_69 = tpu.memref_squeeze %dma_start3A_68 : memref<1x1x1x1x25x80xi32, #tpu.memory_space<hbm>> -> memref<25x80xi32, #tpu.memory_space<hbm>>
      %dma_start3A_70 = arith.constant 0 : i32
      %dma_start3A_71 = arith.constant 0 : i32
      %dma_start3A_72 = tpu.memref_slice %arg6[%run_scoped3A_12, %dma_start3A_70, %dma_start3A_71] : memref<2x25x80xi32, #tpu.memory_space<vmem>> -> memref<1x25x80xi32, #tpu.memory_space<vmem>>
      %dma_start3A_73 = tpu.memref_squeeze %dma_start3A_72 : memref<1x25x80xi32, #tpu.memory_space<vmem>> -> memref<25x80xi32, #tpu.memory_space<vmem>>
      %dma_start3A_74 = arith.constant 0 : i32
      %dma_start3A_75 = arith.constant 0 : i32
      %dma_start3A_76 = tpu.memref_slice %arg3[%run_scoped3A_10, %arg0, %arg1, %run_scoped3A_11, %dma_start3A_74, %dma_start3A_75] : memref<2x2x16x5x25x80xi32, #tpu.memory_space<hbm>> -> memref<1x1x1x1x25x80xi32, #tpu.memory_space<hbm>>
      %dma_start3A_77 = tpu.memref_squeeze %dma_start3A_76 : memref<1x1x1x1x25x80xi32, #tpu.memory_space<hbm>> -> memref<25x80xi32, #tpu.memory_space<hbm>>
      tpu.enqueue_dma source(%dma_start3A_77 : memref<25x80xi32, #tpu.memory_space<hbm>>) target(%dma_start3A_73 : memref<25x80xi32, #tpu.memory_space<vmem>>) target_semaphore(%run_scoped3A_61 : memref<!tpu.dma_semaphore, #tpu.memory_space<semaphore_mem>>)
      %dma_wait3A = arith.constant 0 : i32
      %dma_wait3A_78 = arith.constant 0 : i32
      %dma_wait3A_79 = tpu.memref_slice %arg6[%run_scoped3A_12, %dma_wait3A, %dma_wait3A_78] : memref<2x25x80xi32, #tpu.memory_space<vmem>> -> memref<1x25x80xi32, #tpu.memory_space<vmem>>
      %dma_wait3A_80 = tpu.memref_squeeze %dma_wait3A_79 : memref<1x25x80xi32, #tpu.memory_space<vmem>> -> memref<25x80xi32, #tpu.memory_space<vmem>>
      %dma_wait3A_81 = arith.constant 0 : i32
      %dma_wait3A_82 = arith.constant 0 : i32
      %dma_wait3A_83 = tpu.memref_slice %arg3[%run_scoped3A_10, %arg0, %arg1, %run_scoped3A_11, %dma_wait3A_81, %dma_wait3A_82] : memref<2x2x16x5x25x80xi32, #tpu.memory_space<hbm>> -> memref<1x1x1x1x25x80xi32, #tpu.memory_space<hbm>>
      %dma_wait3A_84 = tpu.memref_squeeze %dma_wait3A_83 : memref<1x1x1x1x25x80xi32, #tpu.memory_space<hbm>> -> memref<25x80xi32, #tpu.memory_space<hbm>>
      %dma_wait3A_85 = arith.constant 0 : i32
      %dma_wait3A_86 = arith.constant 0 : i32
      %dma_wait3A_87 = tpu.memref_slice %arg6[%run_scoped3A_12, %dma_wait3A_85, %dma_wait3A_86] : memref<2x25x80xi32, #tpu.memory_space<vmem>> -> memref<1x25x80xi32, #tpu.memory_space<vmem>>
      %dma_wait3A_88 = tpu.memref_squeeze %dma_wait3A_87 : memref<1x25x80xi32, #tpu.memory_space<vmem>> -> memref<25x80xi32, #tpu.memory_space<vmem>>
      %dma_wait3A_89 = arith.constant 0 : i32
      %dma_wait3A_90 = arith.constant 0 : i32
      %dma_wait3A_91 = tpu.memref_slice %arg3[%run_scoped3A_10, %arg0, %arg1, %run_scoped3A_11, %dma_wait3A_89, %dma_wait3A_90] : memref<2x2x16x5x25x80xi32, #tpu.memory_space<hbm>> -> memref<1x1x1x1x25x80xi32, #tpu.memory_space<hbm>>
      %dma_wait3A_92 = tpu.memref_squeeze %dma_wait3A_91 : memref<1x1x1x1x25x80xi32, #tpu.memory_space<hbm>> -> memref<25x80xi32, #tpu.memory_space<hbm>>
      tpu.wait_dma2 semaphore(%run_scoped3A_61 : memref<!tpu.dma_semaphore, #tpu.memory_space<semaphore_mem>>) src(%dma_wait3A_92 : memref<25x80xi32, #tpu.memory_space<hbm>>) dst(%dma_wait3A_88 : memref<25x80xi32, #tpu.memory_space<vmem>>)
      tpu.yield
    }) : () -> ()
    %dma_start3A = arith.constant 0 : i32
    %dma_start3A_13 = arith.constant 1 : i32
    %dma_start3A_14 = arith.constant 1 : i32
    %dma_start3A_15 = arith.constant 0 : i32
    %dma_start3A_16 = arith.constant 0 : i32
    %dma_start3A_17 = tpu.memref_slice %arg5[%dma_start3A_14, %dma_start3A_15, %dma_start3A_16] : memref<2x25x80xi32, #tpu.memory_space<vmem>> -> memref<1x25x80xi32, #tpu.memory_space<vmem>>
    %dma_start3A_18 = tpu.memref_squeeze %dma_start3A_17 : memref<1x25x80xi32, #tpu.memory_space<vmem>> -> memref<25x80xi32, #tpu.memory_space<vmem>>
    %dma_start3A_19 = arith.constant 0 : i32
    %dma_start3A_20 = arith.constant 0 : i32
    %dma_start3A_21 = tpu.memref_slice %arg3[%dma_start3A, %arg0, %arg1, %dma_start3A_13, %dma_start3A_19, %dma_start3A_20] : memref<2x2x16x5x25x80xi32, #tpu.memory_space<hbm>> -> memref<1x1x1x1x25x80xi32, #tpu.memory_space<hbm>>
    %dma_start3A_22 = tpu.memref_squeeze %dma_start3A_21 : memref<1x1x1x1x25x80xi32, #tpu.memory_space<hbm>> -> memref<25x80xi32, #tpu.memory_space<hbm>>
    %dma_start3A_23 = arith.constant 0 : i32
    %dma_start3A_24 = arith.constant 0 : i32
    %dma_start3A_25 = tpu.memref_slice %arg5[%dma_start3A_14, %dma_start3A_23, %dma_start3A_24] : memref<2x25x80xi32, #tpu.memory_space<vmem>> -> memref<1x25x80xi32, #tpu.memory_space<vmem>>
    %dma_start3A_26 = tpu.memref_squeeze %dma_start3A_25 : memref<1x25x80xi32, #tpu.memory_space<vmem>> -> memref<25x80xi32, #tpu.memory_space<vmem>>
    %dma_start3A_27 = arith.constant 0 : i32
    %dma_start3A_28 = arith.constant 0 : i32
    %dma_start3A_29 = tpu.memref_slice %arg3[%dma_start3A, %arg0, %arg1, %dma_start3A_13, %dma_start3A_27, %dma_start3A_28] : memref<2x2x16x5x25x80xi32, #tpu.memory_space<hbm>> -> memref<1x1x1x1x25x80xi32, #tpu.memory_space<hbm>>
    %dma_start3A_30 = tpu.memref_squeeze %dma_start3A_29 : memref<1x1x1x1x25x80xi32, #tpu.memory_space<hbm>> -> memref<25x80xi32, #tpu.memory_space<hbm>>
    tpu.enqueue_dma source(%dma_start3A_30 : memref<25x80xi32, #tpu.memory_space<hbm>>) target(%dma_start3A_26 : memref<25x80xi32, #tpu.memory_space<vmem>>) target_semaphore(%arg15 : memref<!tpu.dma_semaphore, #tpu.memory_space<semaphore_mem>>)
    %dma_start3A_31 = arith.constant 1 : i32
    %dma_start3A_32 = arith.constant 1 : i32
    %dma_start3A_33 = arith.constant 1 : i32
    %dma_start3A_34 = arith.constant 0 : i32
    %dma_start3A_35 = arith.constant 0 : i32
    %dma_start3A_36 = tpu.memref_slice %arg6[%dma_start3A_33, %dma_start3A_34, %dma_start3A_35] : memref<2x25x80xi32, #tpu.memory_space<vmem>> -> memref<1x25x80xi32, #tpu.memory_space<vmem>>
    %dma_start3A_37 = tpu.memref_squeeze %dma_start3A_36 : memref<1x25x80xi32, #tpu.memory_space<vmem>> -> memref<25x80xi32, #tpu.memory_space<vmem>>
    %dma_start3A_38 = arith.constant 0 : i32
    %dma_start3A_39 = arith.constant 0 : i32
    %dma_start3A_40 = tpu.memref_slice %arg3[%dma_start3A_31, %arg0, %arg1, %dma_start3A_32, %dma_start3A_38, %dma_start3A_39] : memref<2x2x16x5x25x80xi32, #tpu.memory_space<hbm>> -> memref<1x1x1x1x25x80xi32, #tpu.memory_space<hbm>>
    %dma_start3A_41 = tpu.memref_squeeze %dma_start3A_40 : memref<1x1x1x1x25x80xi32, #tpu.memory_space<hbm>> -> memref<25x80xi32, #tpu.memory_space<hbm>>
    %dma_start3A_42 = arith.constant 0 : i32
    %dma_start3A_43 = arith.constant 0 : i32
    %dma_start3A_44 = tpu.memref_slice %arg6[%dma_start3A_33, %dma_start3A_42, %dma_start3A_43] : memref<2x25x80xi32, #tpu.memory_space<vmem>> -> memref<1x25x80xi32, #tpu.memory_space<vmem>>
    %dma_start3A_45 = tpu.memref_squeeze %dma_start3A_44 : memref<1x25x80xi32, #tpu.memory_space<vmem>> -> memref<25x80xi32, #tpu.memory_space<vmem>>
    %dma_start3A_46 = arith.constant 0 : i32
    %dma_start3A_47 = arith.constant 0 : i32
    %dma_start3A_48 = tpu.memref_slice %arg3[%dma_start3A_31, %arg0, %arg1, %dma_start3A_32, %dma_start3A_46, %dma_start3A_47] : memref<2x2x16x5x25x80xi32, #tpu.memory_space<hbm>> -> memref<1x1x1x1x25x80xi32, #tpu.memory_space<hbm>>
    %dma_start3A_49 = tpu.memref_squeeze %dma_start3A_48 : memref<1x1x1x1x25x80xi32, #tpu.memory_space<hbm>> -> memref<25x80xi32, #tpu.memory_space<hbm>>
    tpu.enqueue_dma source(%dma_start3A_49 : memref<25x80xi32, #tpu.memory_space<hbm>>) target(%dma_start3A_45 : memref<25x80xi32, #tpu.memory_space<vmem>>) target_semaphore(%arg15 : memref<!tpu.dma_semaphore, #tpu.memory_space<semaphore_mem>>)
    %barrier3A = arith.constant 0 : index
    tpu.barrier barrier_id(%barrier3A)
    %scan3A = arith.constant 0 : i32
    %scan3A_50 = arith.constant 0 : i32
    %scan3A_51 = arith.constant 5 : i32
    %scan3A_52 = arith.addi %scan3A_50, %scan3A_51 : i32
    %scan3A_53 = arith.constant 1 : i32
    scf.for %scan3A_61 = %scan3A_50 to %scan3A_52 step %scan3A_53  : i32 {
      %jit3A = arith.constant 2 : i32
      %eq3A_62 = arith.constant 0 : i32
      %eq3A_63 = arith.cmpi eq, %jit3A, %eq3A_62 : i32
      %jit3A_64 = arith.constant 1 : i32
      %select_n3A = arith.select %eq3A_63, %jit3A_64, %jit3A : i32
      %rem3A = arith.remsi %scan3A_61, %select_n3A : i32
      %ne3A = arith.constant 0 : i32
      %ne3A_65 = arith.cmpi ne, %rem3A, %ne3A : i32
      %lt3A = arith.constant 0 : i32
      %lt3A_66 = arith.cmpi slt, %rem3A, %lt3A : i32
      %lt3A_67 = arith.constant 0 : i32
      %lt3A_68 = arith.cmpi slt, %select_n3A, %lt3A_67 : i32
      %ne3A_69 = arith.xori %lt3A_66, %lt3A_68 : i1
      %and3A = arith.andi %ne3A_69, %ne3A_65 : i1
      %add3A = arith.addi %rem3A, %select_n3A : i32
      %select_n3A_70 = arith.select %and3A, %add3A, %rem3A : i32
      %gt3A = arith.constant 0 : i32
      %gt3A_71 = arith.cmpi sgt, %scan3A_61, %gt3A : i32
      %eq3A_72 = arith.constant 0 : i32
      %eq3A_73 = arith.cmpi eq, %select_n3A_70, %eq3A_72 : i32
      %and3A_74 = arith.andi %gt3A_71, %eq3A_73 : i1
      %convert_element_type3A_75 = arith.extui %and3A_74 : i1 to i32
      %cond3A_76 = arith.constant 0 : i32
      %cond3A_77 = arith.cmpi ne, %convert_element_type3A_75, %cond3A_76 : i32
      scf.if %cond3A_77 {
        %dma_wait3A_1205 = arith.constant 0 : i32
        %dma_wait3A_1206 = arith.constant 0 : i32
        %dma_wait3A_1207 = arith.constant 0 : i32
        %dma_wait3A_1208 = tpu.memref_slice %arg5[%select_n3A_70, %dma_wait3A_1206, %dma_wait3A_1207] : memref<2x25x80xi32, #tpu.memory_space<vmem>> -> memref<1x25x80xi32, #tpu.memory_space<vmem>>
        %dma_wait3A_1209 = tpu.memref_squeeze %dma_wait3A_1208 : memref<1x25x80xi32, #tpu.memory_space<vmem>> -> memref<25x80xi32, #tpu.memory_space<vmem>>
        %dma_wait3A_1210 = arith.constant 0 : i32
        %dma_wait3A_1211 = arith.constant 0 : i32
        %dma_wait3A_1212 = tpu.memref_slice %arg3[%dma_wait3A_1205, %arg0, %arg1, %scan3A_61, %dma_wait3A_1210, %dma_wait3A_1211] : memref<2x2x16x5x25x80xi32, #tpu.memory_space<hbm>> -> memref<1x1x1x1x25x80xi32, #tpu.memory_space<hbm>>
        %dma_wait3A_1213 = tpu.memref_squeeze %dma_wait3A_1212 : memref<1x1x1x1x25x80xi32, #tpu.memory_space<hbm>> -> memref<25x80xi32, #tpu.memory_space<hbm>>
        %dma_wait3A_1214 = arith.constant 0 : i32
        %dma_wait3A_1215 = arith.constant 0 : i32
        %dma_wait3A_1216 = tpu.memref_slice %arg5[%select_n3A_70, %dma_wait3A_1214, %dma_wait3A_1215] : memref<2x25x80xi32, #tpu.memory_space<vmem>> -> memref<1x25x80xi32, #tpu.memory_space<vmem>>
        %dma_wait3A_1217 = tpu.memref_squeeze %dma_wait3A_1216 : memref<1x25x80xi32, #tpu.memory_space<vmem>> -> memref<25x80xi32, #tpu.memory_space<vmem>>
        %dma_wait3A_1218 = arith.constant 0 : i32
        %dma_wait3A_1219 = arith.constant 0 : i32
        %dma_wait3A_1220 = tpu.memref_slice %arg3[%dma_wait3A_1205, %arg0, %arg1, %scan3A_61, %dma_wait3A_1218, %dma_wait3A_1219] : memref<2x2x16x5x25x80xi32, #tpu.memory_space<hbm>> -> memref<1x1x1x1x25x80xi32, #tpu.memory_space<hbm>>
        %dma_wait3A_1221 = tpu.memref_squeeze %dma_wait3A_1220 : memref<1x1x1x1x25x80xi32, #tpu.memory_space<hbm>> -> memref<25x80xi32, #tpu.memory_space<hbm>>
        tpu.wait_dma2 semaphore(%arg14 : memref<!tpu.dma_semaphore, #tpu.memory_space<semaphore_mem>>) src(%dma_wait3A_1221 : memref<25x80xi32, #tpu.memory_space<hbm>>) dst(%dma_wait3A_1217 : memref<25x80xi32, #tpu.memory_space<vmem>>)
        %dma_wait3A_1222 = arith.constant 1 : i32
        %dma_wait3A_1223 = arith.constant 0 : i32
        %dma_wait3A_1224 = arith.constant 0 : i32
        %dma_wait3A_1225 = tpu.memref_slice %arg6[%select_n3A_70, %dma_wait3A_1223, %dma_wait3A_1224] : memref<2x25x80xi32, #tpu.memory_space<vmem>> -> memref<1x25x80xi32, #tpu.memory_space<vmem>>
        %dma_wait3A_1226 = tpu.memref_squeeze %dma_wait3A_1225 : memref<1x25x80xi32, #tpu.memory_space<vmem>> -> memref<25x80xi32, #tpu.memory_space<vmem>>
        %dma_wait3A_1227 = arith.constant 0 : i32
        %dma_wait3A_1228 = arith.constant 0 : i32
        %dma_wait3A_1229 = tpu.memref_slice %arg3[%dma_wait3A_1222, %arg0, %arg1, %scan3A_61, %dma_wait3A_1227, %dma_wait3A_1228] : memref<2x2x16x5x25x80xi32, #tpu.memory_space<hbm>> -> memref<1x1x1x1x25x80xi32, #tpu.memory_space<hbm>>
        %dma_wait3A_1230 = tpu.memref_squeeze %dma_wait3A_1229 : memref<1x1x1x1x25x80xi32, #tpu.memory_space<hbm>> -> memref<25x80xi32, #tpu.memory_space<hbm>>
        %dma_wait3A_1231 = arith.constant 0 : i32
        %dma_wait3A_1232 = arith.constant 0 : i32
        %dma_wait3A_1233 = tpu.memref_slice %arg6[%select_n3A_70, %dma_wait3A_1231, %dma_wait3A_1232] : memref<2x25x80xi32, #tpu.memory_space<vmem>> -> memref<1x25x80xi32, #tpu.memory_space<vmem>>
        %dma_wait3A_1234 = tpu.memref_squeeze %dma_wait3A_1233 : memref<1x25x80xi32, #tpu.memory_space<vmem>> -> memref<25x80xi32, #tpu.memory_space<vmem>>
        %dma_wait3A_1235 = arith.constant 0 : i32
        %dma_wait3A_1236 = arith.constant 0 : i32
        %dma_wait3A_1237 = tpu.memref_slice %arg3[%dma_wait3A_1222, %arg0, %arg1, %scan3A_61, %dma_wait3A_1235, %dma_wait3A_1236] : memref<2x2x16x5x25x80xi32, #tpu.memory_space<hbm>> -> memref<1x1x1x1x25x80xi32, #tpu.memory_space<hbm>>
        %dma_wait3A_1238 = tpu.memref_squeeze %dma_wait3A_1237 : memref<1x1x1x1x25x80xi32, #tpu.memory_space<hbm>> -> memref<25x80xi32, #tpu.memory_space<hbm>>
        tpu.wait_dma2 semaphore(%arg14 : memref<!tpu.dma_semaphore, #tpu.memory_space<semaphore_mem>>) src(%dma_wait3A_1238 : memref<25x80xi32, #tpu.memory_space<hbm>>) dst(%dma_wait3A_1234 : memref<25x80xi32, #tpu.memory_space<vmem>>)
      } else {
      }
      %gt3A_78 = arith.constant 0 : i32
      %gt3A_79 = arith.cmpi sgt, %scan3A_61, %gt3A_78 : i32
      %eq3A_80 = arith.constant 1 : i32
      %eq3A_81 = arith.cmpi eq, %select_n3A_70, %eq3A_80 : i32
      %and3A_82 = arith.andi %gt3A_79, %eq3A_81 : i1
      %convert_element_type3A_83 = arith.extui %and3A_82 : i1 to i32
      %cond3A_84 = arith.constant 0 : i32
      %cond3A_85 = arith.cmpi ne, %convert_element_type3A_83, %cond3A_84 : i32
      scf.if %cond3A_85 {
        %dma_wait3A_1205 = arith.constant 0 : i32
        %dma_wait3A_1206 = arith.constant 0 : i32
        %dma_wait3A_1207 = arith.constant 0 : i32
        %dma_wait3A_1208 = tpu.memref_slice %arg5[%select_n3A_70, %dma_wait3A_1206, %dma_wait3A_1207] : memref<2x25x80xi32, #tpu.memory_space<vmem>> -> memref<1x25x80xi32, #tpu.memory_space<vmem>>
        %dma_wait3A_1209 = tpu.memref_squeeze %dma_wait3A_1208 : memref<1x25x80xi32, #tpu.memory_space<vmem>> -> memref<25x80xi32, #tpu.memory_space<vmem>>
        %dma_wait3A_1210 = arith.constant 0 : i32
        %dma_wait3A_1211 = arith.constant 0 : i32
        %dma_wait3A_1212 = tpu.memref_slice %arg3[%dma_wait3A_1205, %arg0, %arg1, %scan3A_61, %dma_wait3A_1210, %dma_wait3A_1211] : memref<2x2x16x5x25x80xi32, #tpu.memory_space<hbm>> -> memref<1x1x1x1x25x80xi32, #tpu.memory_space<hbm>>
        %dma_wait3A_1213 = tpu.memref_squeeze %dma_wait3A_1212 : memref<1x1x1x1x25x80xi32, #tpu.memory_space<hbm>> -> memref<25x80xi32, #tpu.memory_space<hbm>>
        %dma_wait3A_1214 = arith.constant 0 : i32
        %dma_wait3A_1215 = arith.constant 0 : i32
        %dma_wait3A_1216 = tpu.memref_slice %arg5[%select_n3A_70, %dma_wait3A_1214, %dma_wait3A_1215] : memref<2x25x80xi32, #tpu.memory_space<vmem>> -> memref<1x25x80xi32, #tpu.memory_space<vmem>>
        %dma_wait3A_1217 = tpu.memref_squeeze %dma_wait3A_1216 : memref<1x25x80xi32, #tpu.memory_space<vmem>> -> memref<25x80xi32, #tpu.memory_space<vmem>>
        %dma_wait3A_1218 = arith.constant 0 : i32
        %dma_wait3A_1219 = arith.constant 0 : i32
        %dma_wait3A_1220 = tpu.memref_slice %arg3[%dma_wait3A_1205, %arg0, %arg1, %scan3A_61, %dma_wait3A_1218, %dma_wait3A_1219] : memref<2x2x16x5x25x80xi32, #tpu.memory_space<hbm>> -> memref<1x1x1x1x25x80xi32, #tpu.memory_space<hbm>>
        %dma_wait3A_1221 = tpu.memref_squeeze %dma_wait3A_1220 : memref<1x1x1x1x25x80xi32, #tpu.memory_space<hbm>> -> memref<25x80xi32, #tpu.memory_space<hbm>>
        tpu.wait_dma2 semaphore(%arg15 : memref<!tpu.dma_semaphore, #tpu.memory_space<semaphore_mem>>) src(%dma_wait3A_1221 : memref<25x80xi32, #tpu.memory_space<hbm>>) dst(%dma_wait3A_1217 : memref<25x80xi32, #tpu.memory_space<vmem>>)
        %dma_wait3A_1222 = arith.constant 1 : i32
        %dma_wait3A_1223 = arith.constant 0 : i32
        %dma_wait3A_1224 = arith.constant 0 : i32
        %dma_wait3A_1225 = tpu.memref_slice %arg6[%select_n3A_70, %dma_wait3A_1223, %dma_wait3A_1224] : memref<2x25x80xi32, #tpu.memory_space<vmem>> -> memref<1x25x80xi32, #tpu.memory_space<vmem>>
        %dma_wait3A_1226 = tpu.memref_squeeze %dma_wait3A_1225 : memref<1x25x80xi32, #tpu.memory_space<vmem>> -> memref<25x80xi32, #tpu.memory_space<vmem>>
        %dma_wait3A_1227 = arith.constant 0 : i32
        %dma_wait3A_1228 = arith.constant 0 : i32
        %dma_wait3A_1229 = tpu.memref_slice %arg3[%dma_wait3A_1222, %arg0, %arg1, %scan3A_61, %dma_wait3A_1227, %dma_wait3A_1228] : memref<2x2x16x5x25x80xi32, #tpu.memory_space<hbm>> -> memref<1x1x1x1x25x80xi32, #tpu.memory_space<hbm>>
        %dma_wait3A_1230 = tpu.memref_squeeze %dma_wait3A_1229 : memref<1x1x1x1x25x80xi32, #tpu.memory_space<hbm>> -> memref<25x80xi32, #tpu.memory_space<hbm>>
        %dma_wait3A_1231 = arith.constant 0 : i32
        %dma_wait3A_1232 = arith.constant 0 : i32
        %dma_wait3A_1233 = tpu.memref_slice %arg6[%select_n3A_70, %dma_wait3A_1231, %dma_wait3A_1232] : memref<2x25x80xi32, #tpu.memory_space<vmem>> -> memref<1x25x80xi32, #tpu.memory_space<vmem>>
        %dma_wait3A_1234 = tpu.memref_squeeze %dma_wait3A_1233 : memref<1x25x80xi32, #tpu.memory_space<vmem>> -> memref<25x80xi32, #tpu.memory_space<vmem>>
        %dma_wait3A_1235 = arith.constant 0 : i32
        %dma_wait3A_1236 = arith.constant 0 : i32
        %dma_wait3A_1237 = tpu.memref_slice %arg3[%dma_wait3A_1222, %arg0, %arg1, %scan3A_61, %dma_wait3A_1235, %dma_wait3A_1236] : memref<2x2x16x5x25x80xi32, #tpu.memory_space<hbm>> -> memref<1x1x1x1x25x80xi32, #tpu.memory_space<hbm>>
        %dma_wait3A_1238 = tpu.memref_squeeze %dma_wait3A_1237 : memref<1x1x1x1x25x80xi32, #tpu.memory_space<hbm>> -> memref<25x80xi32, #tpu.memory_space<hbm>>
        tpu.wait_dma2 semaphore(%arg15 : memref<!tpu.dma_semaphore, #tpu.memory_space<semaphore_mem>>) src(%dma_wait3A_1238 : memref<25x80xi32, #tpu.memory_space<hbm>>) dst(%dma_wait3A_1234 : memref<25x80xi32, #tpu.memory_space<vmem>>)
      } else {
      }
      %dma_start3A_86 = arith.constant 0 : i32
      %dma_start3A_87 = arith.constant 0 : i32
      %dma_start3A_88 = arith.constant 0 : i32
      %dma_start3A_89 = tpu.memref_slice %arg5[%select_n3A_70, %dma_start3A_87, %dma_start3A_88] : memref<2x25x80xi32, #tpu.memory_space<vmem>> -> memref<1x25x80xi32, #tpu.memory_space<vmem>>
      %dma_start3A_90 = tpu.memref_squeeze %dma_start3A_89 : memref<1x25x80xi32, #tpu.memory_space<vmem>> -> memref<25x80xi32, #tpu.memory_space<vmem>>
      %dma_start3A_91 = arith.constant 0 : i32
      %dma_start3A_92 = tpu.memref_slice %dma_start3A_90[%dma_start3A_86, %dma_start3A_91] : memref<25x80xi32, #tpu.memory_space<vmem>> -> memref<1x80xi32, #tpu.memory_space<vmem>>
      %dma_start3A_93 = tpu.memref_squeeze %dma_start3A_92 : memref<1x80xi32, #tpu.memory_space<vmem>> -> memref<80xi32, #tpu.memory_space<vmem>>
      %dma_start3A_94 = arith.constant 0 : i32
      %dma_start3A_95 = arith.constant 0 : i32
      %dma_start3A_96 = tpu.memref_slice %arg2[%dma_start3A_94, %dma_start3A_95] : memref<10000x128xf32, #tpu.memory_space<hbm>> -> memref<10000x128xf32, #tpu.memory_space<hbm>>
      tpu.enqueue_indirect_dma source(%dma_start3A_96 : memref<10000x128xf32, #tpu.memory_space<hbm>>) target(%arg7 : memref<80x128xf32, #tpu.memory_space<vmem>>) offsets(%dma_start3A_93 : memref<80xi32, #tpu.memory_space<vmem>>) semaphore(%arg11 : memref<!tpu.dma_semaphore, #tpu.memory_space<semaphore_mem>>)
      %dma_start3A_97 = arith.constant 1 : i32
      %dma_start3A_98 = arith.constant 0 : i32
      %dma_start3A_99 = arith.constant 0 : i32
      %dma_start3A_100 = tpu.memref_slice %arg5[%select_n3A_70, %dma_start3A_98, %dma_start3A_99] : memref<2x25x80xi32, #tpu.memory_space<vmem>> -> memref<1x25x80xi32, #tpu.memory_space<vmem>>
      %dma_start3A_101 = tpu.memref_squeeze %dma_start3A_100 : memref<1x25x80xi32, #tpu.memory_space<vmem>> -> memref<25x80xi32, #tpu.memory_space<vmem>>
      %dma_start3A_102 = arith.constant 0 : i32
      %dma_start3A_103 = tpu.memref_slice %dma_start3A_101[%dma_start3A_97, %dma_start3A_102] : memref<25x80xi32, #tpu.memory_space<vmem>> -> memref<1x80xi32, #tpu.memory_space<vmem>>
      %dma_start3A_104 = tpu.memref_squeeze %dma_start3A_103 : memref<1x80xi32, #tpu.memory_space<vmem>> -> memref<80xi32, #tpu.memory_space<vmem>>
      %dma_start3A_105 = arith.constant 0 : i32
      %dma_start3A_106 = arith.constant 0 : i32
      %dma_start3A_107 = tpu.memref_slice %arg2[%dma_start3A_105, %dma_start3A_106] : memref<10000x128xf32, #tpu.memory_space<hbm>> -> memref<10000x128xf32, #tpu.memory_space<hbm>>
      tpu.enqueue_indirect_dma source(%dma_start3A_107 : memref<10000x128xf32, #tpu.memory_space<hbm>>) target(%arg8 : memref<80x128xf32, #tpu.memory_space<vmem>>) offsets(%dma_start3A_104 : memref<80xi32, #tpu.memory_space<vmem>>) semaphore(%arg12 : memref<!tpu.dma_semaphore, #tpu.memory_space<semaphore_mem>>)
      %dma_wait3A = arith.constant 0 : i32
      %dma_wait3A_108 = arith.constant 0 : i32
      %dma_wait3A_109 = arith.constant 0 : i32
      %dma_wait3A_110 = tpu.memref_slice %arg5[%select_n3A_70, %dma_wait3A_108, %dma_wait3A_109] : memref<2x25x80xi32, #tpu.memory_space<vmem>> -> memref<1x25x80xi32, #tpu.memory_space<vmem>>
      %dma_wait3A_111 = tpu.memref_squeeze %dma_wait3A_110 : memref<1x25x80xi32, #tpu.memory_space<vmem>> -> memref<25x80xi32, #tpu.memory_space<vmem>>
      %dma_wait3A_112 = arith.constant 0 : i32
      %dma_wait3A_113 = tpu.memref_slice %dma_wait3A_111[%dma_wait3A, %dma_wait3A_112] : memref<25x80xi32, #tpu.memory_space<vmem>> -> memref<1x80xi32, #tpu.memory_space<vmem>>
      %dma_wait3A_114 = tpu.memref_squeeze %dma_wait3A_113 : memref<1x80xi32, #tpu.memory_space<vmem>> -> memref<80xi32, #tpu.memory_space<vmem>>
      %dma_wait3A_115 = arith.constant 0 : i32
      %dma_wait3A_116 = arith.constant 0 : i32
      %dma_wait3A_117 = tpu.memref_slice %arg2[%dma_wait3A_115, %dma_wait3A_116] : memref<10000x128xf32, #tpu.memory_space<hbm>> -> memref<10000x128xf32, #tpu.memory_space<hbm>>
      tpu.wait_indirect_dma semaphore(%arg11 : memref<!tpu.dma_semaphore, #tpu.memory_space<semaphore_mem>>) src(%dma_wait3A_117 : memref<10000x128xf32, #tpu.memory_space<hbm>>) dst(%arg7 : memref<80x128xf32, #tpu.memory_space<vmem>>)
      %dma_start3A_118 = arith.constant 0 : i32
      %dma_start3A_119 = arith.constant 0 : i32
      %dma_start3A_120 = arith.constant 0 : i32
      %dma_start3A_121 = tpu.memref_slice %arg6[%select_n3A_70, %dma_start3A_119, %dma_start3A_120] : memref<2x25x80xi32, #tpu.memory_space<vmem>> -> memref<1x25x80xi32, #tpu.memory_space<vmem>>
      %dma_start3A_122 = tpu.memref_squeeze %dma_start3A_121 : memref<1x25x80xi32, #tpu.memory_space<vmem>> -> memref<25x80xi32, #tpu.memory_space<vmem>>
      %dma_start3A_123 = arith.constant 0 : i32
      %dma_start3A_124 = tpu.memref_slice %dma_start3A_122[%dma_start3A_118, %dma_start3A_123] : memref<25x80xi32, #tpu.memory_space<vmem>> -> memref<1x80xi32, #tpu.memory_space<vmem>>
      %dma_start3A_125 = tpu.memref_squeeze %dma_start3A_124 : memref<1x80xi32, #tpu.memory_space<vmem>> -> memref<80xi32, #tpu.memory_space<vmem>>
      %dma_start3A_126 = arith.constant 0 : i32
      %dma_start3A_127 = arith.constant 0 : i32
      %dma_start3A_128 = tpu.memref_slice %arg10[%dma_start3A_126, %dma_start3A_127] : memref<10000x128xf32, #tpu.memory_space<vmem_shared>> -> memref<10000x128xf32, #tpu.memory_space<vmem_shared>>
      tpu.enqueue_indirect_dma source(%arg7 : memref<80x128xf32, #tpu.memory_space<vmem>>) target(%dma_start3A_128 : memref<10000x128xf32, #tpu.memory_space<vmem_shared>>) offsets(%dma_start3A_125 : memref<80xi32, #tpu.memory_space<vmem>>) semaphore(%arg11 : memref<!tpu.dma_semaphore, #tpu.memory_space<semaphore_mem>>) {add = true}
      %dma_start3A_129 = arith.constant 2 : i32
      %dma_start3A_130 = arith.constant 0 : i32
      %dma_start3A_131 = arith.constant 0 : i32
      %dma_start3A_132 = tpu.memref_slice %arg5[%select_n3A_70, %dma_start3A_130, %dma_start3A_131] : memref<2x25x80xi32, #tpu.memory_space<vmem>> -> memref<1x25x80xi32, #tpu.memory_space<vmem>>
      %dma_start3A_133 = tpu.memref_squeeze %dma_start3A_132 : memref<1x25x80xi32, #tpu.memory_space<vmem>> -> memref<25x80xi32, #tpu.memory_space<vmem>>
      %dma_start3A_134 = arith.constant 0 : i32
      %dma_start3A_135 = tpu.memref_slice %dma_start3A_133[%dma_start3A_129, %dma_start3A_134] : memref<25x80xi32, #tpu.memory_space<vmem>> -> memref<1x80xi32, #tpu.memory_space<vmem>>
      %dma_start3A_136 = tpu.memref_squeeze %dma_start3A_135 : memref<1x80xi32, #tpu.memory_space<vmem>> -> memref<80xi32, #tpu.memory_space<vmem>>
      %dma_start3A_137 = arith.constant 0 : i32
      %dma_start3A_138 = arith.constant 0 : i32
      %dma_start3A_139 = tpu.memref_slice %arg2[%dma_start3A_137, %dma_start3A_138] : memref<10000x128xf32, #tpu.memory_space<hbm>> -> memref<10000x128xf32, #tpu.memory_space<hbm>>
      tpu.enqueue_indirect_dma source(%dma_start3A_139 : memref<10000x128xf32, #tpu.memory_space<hbm>>) target(%arg9 : memref<80x128xf32, #tpu.memory_space<vmem>>) offsets(%dma_start3A_136 : memref<80xi32, #tpu.memory_space<vmem>>) semaphore(%arg13 : memref<!tpu.dma_semaphore, #tpu.memory_space<semaphore_mem>>)
      %dma_wait3A_140 = arith.constant 1 : i32
      %dma_wait3A_141 = arith.constant 0 : i32
      %dma_wait3A_142 = arith.constant 0 : i32
      %dma_wait3A_143 = tpu.memref_slice %arg5[%select_n3A_70, %dma_wait3A_141, %dma_wait3A_142] : memref<2x25x80xi32, #tpu.memory_space<vmem>> -> memref<1x25x80xi32, #tpu.memory_space<vmem>>
      %dma_wait3A_144 = tpu.memref_squeeze %dma_wait3A_143 : memref<1x25x80xi32, #tpu.memory_space<vmem>> -> memref<25x80xi32, #tpu.memory_space<vmem>>
      %dma_wait3A_145 = arith.constant 0 : i32
      %dma_wait3A_146 = tpu.memref_slice %dma_wait3A_144[%dma_wait3A_140, %dma_wait3A_145] : memref<25x80xi32, #tpu.memory_space<vmem>> -> memref<1x80xi32, #tpu.memory_space<vmem>>
      %dma_wait3A_147 = tpu.memref_squeeze %dma_wait3A_146 : memref<1x80xi32, #tpu.memory_space<vmem>> -> memref<80xi32, #tpu.memory_space<vmem>>
      %dma_wait3A_148 = arith.constant 0 : i32
      %dma_wait3A_149 = arith.constant 0 : i32
      %dma_wait3A_150 = tpu.memref_slice %arg2[%dma_wait3A_148, %dma_wait3A_149] : memref<10000x128xf32, #tpu.memory_space<hbm>> -> memref<10000x128xf32, #tpu.memory_space<hbm>>
      tpu.wait_indirect_dma semaphore(%arg12 : memref<!tpu.dma_semaphore, #tpu.memory_space<semaphore_mem>>) src(%dma_wait3A_150 : memref<10000x128xf32, #tpu.memory_space<hbm>>) dst(%arg8 : memref<80x128xf32, #tpu.memory_space<vmem>>)
      %dma_start3A_151 = arith.constant 1 : i32
      %dma_start3A_152 = arith.constant 0 : i32
      %dma_start3A_153 = arith.constant 0 : i32
      %dma_start3A_154 = tpu.memref_slice %arg6[%select_n3A_70, %dma_start3A_152, %dma_start3A_153] : memref<2x25x80xi32, #tpu.memory_space<vmem>> -> memref<1x25x80xi32, #tpu.memory_space<vmem>>
      %dma_start3A_155 = tpu.memref_squeeze %dma_start3A_154 : memref<1x25x80xi32, #tpu.memory_space<vmem>> -> memref<25x80xi32, #tpu.memory_space<vmem>>
      %dma_start3A_156 = arith.constant 0 : i32
      %dma_start3A_157 = tpu.memref_slice %dma_start3A_155[%dma_start3A_151, %dma_start3A_156] : memref<25x80xi32, #tpu.memory_space<vmem>> -> memref<1x80xi32, #tpu.memory_space<vmem>>
      %dma_start3A_158 = tpu.memref_squeeze %dma_start3A_157 : memref<1x80xi32, #tpu.memory_space<vmem>> -> memref<80xi32, #tpu.memory_space<vmem>>
      %dma_start3A_159 = arith.constant 0 : i32
      %dma_start3A_160 = arith.constant 0 : i32
      %dma_start3A_161 = tpu.memref_slice %arg10[%dma_start3A_159, %dma_start3A_160] : memref<10000x128xf32, #tpu.memory_space<vmem_shared>> -> memref<10000x128xf32, #tpu.memory_space<vmem_shared>>
      tpu.enqueue_indirect_dma source(%arg8 : memref<80x128xf32, #tpu.memory_space<vmem>>) target(%dma_start3A_161 : memref<10000x128xf32, #tpu.memory_space<vmem_shared>>) offsets(%dma_start3A_158 : memref<80xi32, #tpu.memory_space<vmem>>) semaphore(%arg12 : memref<!tpu.dma_semaphore, #tpu.memory_space<semaphore_mem>>) {add = true}
      %dma_wait3A_162 = arith.constant 0 : i32
      %dma_wait3A_163 = arith.constant 0 : i32
      %dma_wait3A_164 = arith.constant 0 : i32
      %dma_wait3A_165 = tpu.memref_slice %arg6[%select_n3A_70, %dma_wait3A_163, %dma_wait3A_164] : memref<2x25x80xi32, #tpu.memory_space<vmem>> -> memref<1x25x80xi32, #tpu.memory_space<vmem>>
      %dma_wait3A_166 = tpu.memref_squeeze %dma_wait3A_165 : memref<1x25x80xi32, #tpu.memory_space<vmem>> -> memref<25x80xi32, #tpu.memory_space<vmem>>
      %dma_wait3A_167 = arith.constant 0 : i32
      %dma_wait3A_168 = tpu.memref_slice %dma_wait3A_166[%dma_wait3A_162, %dma_wait3A_167] : memref<25x80xi32, #tpu.memory_space<vmem>> -> memref<1x80xi32, #tpu.memory_space<vmem>>
      %dma_wait3A_169 = tpu.memref_squeeze %dma_wait3A_168 : memref<1x80xi32, #tpu.memory_space<vmem>> -> memref<80xi32, #tpu.memory_space<vmem>>
      %dma_wait3A_170 = arith.constant 0 : i32
      %dma_wait3A_171 = arith.constant 0 : i32
      %dma_wait3A_172 = tpu.memref_slice %arg10[%dma_wait3A_170, %dma_wait3A_171] : memref<10000x128xf32, #tpu.memory_space<vmem_shared>> -> memref<10000x128xf32, #tpu.memory_space<vmem_shared>>
      tpu.wait_indirect_dma semaphore(%arg11 : memref<!tpu.dma_semaphore, #tpu.memory_space<semaphore_mem>>) src(%arg7 : memref<80x128xf32, #tpu.memory_space<vmem>>) dst(%dma_wait3A_172 : memref<10000x128xf32, #tpu.memory_space<vmem_shared>>)
      %dma_start3A_173 = arith.constant 3 : i32
      %dma_start3A_174 = arith.constant 0 : i32
      %dma_start3A_175 = arith.constant 0 : i32
      %dma_start3A_176 = tpu.memref_slice %arg5[%select_n3A_70, %dma_start3A_174, %dma_start3A_175] : memref<2x25x80xi32, #tpu.memory_space<vmem>> -> memref<1x25x80xi32, #tpu.memory_space<vmem>>
      %dma_start3A_177 = tpu.memref_squeeze %dma_start3A_176 : memref<1x25x80xi32, #tpu.memory_space<vmem>> -> memref<25x80xi32, #tpu.memory_space<vmem>>
      %dma_start3A_178 = arith.constant 0 : i32
      %dma_start3A_179 = tpu.memref_slice %dma_start3A_177[%dma_start3A_173, %dma_start3A_178] : memref<25x80xi32, #tpu.memory_space<vmem>> -> memref<1x80xi32, #tpu.memory_space<vmem>>
      %dma_start3A_180 = tpu.memref_squeeze %dma_start3A_179 : memref<1x80xi32, #tpu.memory_space<vmem>> -> memref<80xi32, #tpu.memory_space<vmem>>
      %dma_start3A_181 = arith.constant 0 : i32
      %dma_start3A_182 = arith.constant 0 : i32
      %dma_start3A_183 = tpu.memref_slice %arg2[%dma_start3A_181, %dma_start3A_182] : memref<10000x128xf32, #tpu.memory_space<hbm>> -> memref<10000x128xf32, #tpu.memory_space<hbm>>
      tpu.enqueue_indirect_dma source(%dma_start3A_183 : memref<10000x128xf32, #tpu.memory_space<hbm>>) target(%arg7 : memref<80x128xf32, #tpu.memory_space<vmem>>) offsets(%dma_start3A_180 : memref<80xi32, #tpu.memory_space<vmem>>) semaphore(%arg11 : memref<!tpu.dma_semaphore, #tpu.memory_space<semaphore_mem>>)
      %dma_wait3A_184 = arith.constant 2 : i32
      %dma_wait3A_185 = arith.constant 0 : i32
      %dma_wait3A_186 = arith.constant 0 : i32
      %dma_wait3A_187 = tpu.memref_slice %arg5[%select_n3A_70, %dma_wait3A_185, %dma_wait3A_186] : memref<2x25x80xi32, #tpu.memory_space<vmem>> -> memref<1x25x80xi32, #tpu.memory_space<vmem>>
      %dma_wait3A_188 = tpu.memref_squeeze %dma_wait3A_187 : memref<1x25x80xi32, #tpu.memory_space<vmem>> -> memref<25x80xi32, #tpu.memory_space<vmem>>
      %dma_wait3A_189 = arith.constant 0 : i32
      %dma_wait3A_190 = tpu.memref_slice %dma_wait3A_188[%dma_wait3A_184, %dma_wait3A_189] : memref<25x80xi32, #tpu.memory_space<vmem>> -> memref<1x80xi32, #tpu.memory_space<vmem>>
      %dma_wait3A_191 = tpu.memref_squeeze %dma_wait3A_190 : memref<1x80xi32, #tpu.memory_space<vmem>> -> memref<80xi32, #tpu.memory_space<vmem>>
      %dma_wait3A_192 = arith.constant 0 : i32
      %dma_wait3A_193 = arith.constant 0 : i32
      %dma_wait3A_194 = tpu.memref_slice %arg2[%dma_wait3A_192, %dma_wait3A_193] : memref<10000x128xf32, #tpu.memory_space<hbm>> -> memref<10000x128xf32, #tpu.memory_space<hbm>>
      tpu.wait_indirect_dma semaphore(%arg13 : memref<!tpu.dma_semaphore, #tpu.memory_space<semaphore_mem>>) src(%dma_wait3A_194 : memref<10000x128xf32, #tpu.memory_space<hbm>>) dst(%arg9 : memref<80x128xf32, #tpu.memory_space<vmem>>)
      %dma_start3A_195 = arith.constant 2 : i32
      %dma_start3A_196 = arith.constant 0 : i32
      %dma_start3A_197 = arith.constant 0 : i32
      %dma_start3A_198 = tpu.memref_slice %arg6[%select_n3A_70, %dma_start3A_196, %dma_start3A_197] : memref<2x25x80xi32, #tpu.memory_space<vmem>> -> memref<1x25x80xi32, #tpu.memory_space<vmem>>
      %dma_start3A_199 = tpu.memref_squeeze %dma_start3A_198 : memref<1x25x80xi32, #tpu.memory_space<vmem>> -> memref<25x80xi32, #tpu.memory_space<vmem>>
      %dma_start3A_200 = arith.constant 0 : i32
      %dma_start3A_201 = tpu.memref_slice %dma_start3A_199[%dma_start3A_195, %dma_start3A_200] : memref<25x80xi32, #tpu.memory_space<vmem>> -> memref<1x80xi32, #tpu.memory_space<vmem>>
      %dma_start3A_202 = tpu.memref_squeeze %dma_start3A_201 : memref<1x80xi32, #tpu.memory_space<vmem>> -> memref<80xi32, #tpu.memory_space<vmem>>
      %dma_start3A_203 = arith.constant 0 : i32
      %dma_start3A_204 = arith.constant 0 : i32
      %dma_start3A_205 = tpu.memref_slice %arg10[%dma_start3A_203, %dma_start3A_204] : memref<10000x128xf32, #tpu.memory_space<vmem_shared>> -> memref<10000x128xf32, #tpu.memory_space<vmem_shared>>
      tpu.enqueue_indirect_dma source(%arg9 : memref<80x128xf32, #tpu.memory_space<vmem>>) target(%dma_start3A_205 : memref<10000x128xf32, #tpu.memory_space<vmem_shared>>) offsets(%dma_start3A_202 : memref<80xi32, #tpu.memory_space<vmem>>) semaphore(%arg13 : memref<!tpu.dma_semaphore, #tpu.memory_space<semaphore_mem>>) {add = true}
      %dma_wait3A_206 = arith.constant 1 : i32
      %dma_wait3A_207 = arith.constant 0 : i32
      %dma_wait3A_208 = arith.constant 0 : i32
      %dma_wait3A_209 = tpu.memref_slice %arg6[%select_n3A_70, %dma_wait3A_207, %dma_wait3A_208] : memref<2x25x80xi32, #tpu.memory_space<vmem>> -> memref<1x25x80xi32, #tpu.memory_space<vmem>>
      %dma_wait3A_210 = tpu.memref_squeeze %dma_wait3A_209 : memref<1x25x80xi32, #tpu.memory_space<vmem>> -> memref<25x80xi32, #tpu.memory_space<vmem>>
      %dma_wait3A_211 = arith.constant 0 : i32
      %dma_wait3A_212 = tpu.memref_slice %dma_wait3A_210[%dma_wait3A_206, %dma_wait3A_211] : memref<25x80xi32, #tpu.memory_space<vmem>> -> memref<1x80xi32, #tpu.memory_space<vmem>>
      %dma_wait3A_213 = tpu.memref_squeeze %dma_wait3A_212 : memref<1x80xi32, #tpu.memory_space<vmem>> -> memref<80xi32, #tpu.memory_space<vmem>>
      %dma_wait3A_214 = arith.constant 0 : i32
      %dma_wait3A_215 = arith.constant 0 : i32
      %dma_wait3A_216 = tpu.memref_slice %arg10[%dma_wait3A_214, %dma_wait3A_215] : memref<10000x128xf32, #tpu.memory_space<vmem_shared>> -> memref<10000x128xf32, #tpu.memory_space<vmem_shared>>
      tpu.wait_indirect_dma semaphore(%arg12 : memref<!tpu.dma_semaphore, #tpu.memory_space<semaphore_mem>>) src(%arg8 : memref<80x128xf32, #tpu.memory_space<vmem>>) dst(%dma_wait3A_216 : memref<10000x128xf32, #tpu.memory_space<vmem_shared>>)
      %dma_start3A_217 = arith.constant 4 : i32
      %dma_start3A_218 = arith.constant 0 : i32
      %dma_start3A_219 = arith.constant 0 : i32
      %dma_start3A_220 = tpu.memref_slice %arg5[%select_n3A_70, %dma_start3A_218, %dma_start3A_219] : memref<2x25x80xi32, #tpu.memory_space<vmem>> -> memref<1x25x80xi32, #tpu.memory_space<vmem>>
      %dma_start3A_221 = tpu.memref_squeeze %dma_start3A_220 : memref<1x25x80xi32, #tpu.memory_space<vmem>> -> memref<25x80xi32, #tpu.memory_space<vmem>>
      %dma_start3A_222 = arith.constant 0 : i32
      %dma_start3A_223 = tpu.memref_slice %dma_start3A_221[%dma_start3A_217, %dma_start3A_222] : memref<25x80xi32, #tpu.memory_space<vmem>> -> memref<1x80xi32, #tpu.memory_space<vmem>>
      %dma_start3A_224 = tpu.memref_squeeze %dma_start3A_223 : memref<1x80xi32, #tpu.memory_space<vmem>> -> memref<80xi32, #tpu.memory_space<vmem>>
      %dma_start3A_225 = arith.constant 0 : i32
      %dma_start3A_226 = arith.constant 0 : i32
      %dma_start3A_227 = tpu.memref_slice %arg2[%dma_start3A_225, %dma_start3A_226] : memref<10000x128xf32, #tpu.memory_space<hbm>> -> memref<10000x128xf32, #tpu.memory_space<hbm>>
      tpu.enqueue_indirect_dma source(%dma_start3A_227 : memref<10000x128xf32, #tpu.memory_space<hbm>>) target(%arg8 : memref<80x128xf32, #tpu.memory_space<vmem>>) offsets(%dma_start3A_224 : memref<80xi32, #tpu.memory_space<vmem>>) semaphore(%arg12 : memref<!tpu.dma_semaphore, #tpu.memory_space<semaphore_mem>>)
      %dma_wait3A_228 = arith.constant 3 : i32
      %dma_wait3A_229 = arith.constant 0 : i32
      %dma_wait3A_230 = arith.constant 0 : i32
      %dma_wait3A_231 = tpu.memref_slice %arg5[%select_n3A_70, %dma_wait3A_229, %dma_wait3A_230] : memref<2x25x80xi32, #tpu.memory_space<vmem>> -> memref<1x25x80xi32, #tpu.memory_space<vmem>>
      %dma_wait3A_232 = tpu.memref_squeeze %dma_wait3A_231 : memref<1x25x80xi32, #tpu.memory_space<vmem>> -> memref<25x80xi32, #tpu.memory_space<vmem>>
      %dma_wait3A_233 = arith.constant 0 : i32
      %dma_wait3A_234 = tpu.memref_slice %dma_wait3A_232[%dma_wait3A_228, %dma_wait3A_233] : memref<25x80xi32, #tpu.memory_space<vmem>> -> memref<1x80xi32, #tpu.memory_space<vmem>>
      %dma_wait3A_235 = tpu.memref_squeeze %dma_wait3A_234 : memref<1x80xi32, #tpu.memory_space<vmem>> -> memref<80xi32, #tpu.memory_space<vmem>>
      %dma_wait3A_236 = arith.constant 0 : i32
      %dma_wait3A_237 = arith.constant 0 : i32
      %dma_wait3A_238 = tpu.memref_slice %arg2[%dma_wait3A_236, %dma_wait3A_237] : memref<10000x128xf32, #tpu.memory_space<hbm>> -> memref<10000x128xf32, #tpu.memory_space<hbm>>
      tpu.wait_indirect_dma semaphore(%arg11 : memref<!tpu.dma_semaphore, #tpu.memory_space<semaphore_mem>>) src(%dma_wait3A_238 : memref<10000x128xf32, #tpu.memory_space<hbm>>) dst(%arg7 : memref<80x128xf32, #tpu.memory_space<vmem>>)
      %dma_start3A_239 = arith.constant 3 : i32
      %dma_start3A_240 = arith.constant 0 : i32
      %dma_start3A_241 = arith.constant 0 : i32
      %dma_start3A_242 = tpu.memref_slice %arg6[%select_n3A_70, %dma_start3A_240, %dma_start3A_241] : memref<2x25x80xi32, #tpu.memory_space<vmem>> -> memref<1x25x80xi32, #tpu.memory_space<vmem>>
      %dma_start3A_243 = tpu.memref_squeeze %dma_start3A_242 : memref<1x25x80xi32, #tpu.memory_space<vmem>> -> memref<25x80xi32, #tpu.memory_space<vmem>>
      %dma_start3A_244 = arith.constant 0 : i32
      %dma_start3A_245 = tpu.memref_slice %dma_start3A_243[%dma_start3A_239, %dma_start3A_244] : memref<25x80xi32, #tpu.memory_space<vmem>> -> memref<1x80xi32, #tpu.memory_space<vmem>>
      %dma_start3A_246 = tpu.memref_squeeze %dma_start3A_245 : memref<1x80xi32, #tpu.memory_space<vmem>> -> memref<80xi32, #tpu.memory_space<vmem>>
      %dma_start3A_247 = arith.constant 0 : i32
      %dma_start3A_248 = arith.constant 0 : i32
      %dma_start3A_249 = tpu.memref_slice %arg10[%dma_start3A_247, %dma_start3A_248] : memref<10000x128xf32, #tpu.memory_space<vmem_shared>> -> memref<10000x128xf32, #tpu.memory_space<vmem_shared>>
      tpu.enqueue_indirect_dma source(%arg7 : memref<80x128xf32, #tpu.memory_space<vmem>>) target(%dma_start3A_249 : memref<10000x128xf32, #tpu.memory_space<vmem_shared>>) offsets(%dma_start3A_246 : memref<80xi32, #tpu.memory_space<vmem>>) semaphore(%arg11 : memref<!tpu.dma_semaphore, #tpu.memory_space<semaphore_mem>>) {add = true}
      %dma_wait3A_250 = arith.constant 2 : i32
      %dma_wait3A_251 = arith.constant 0 : i32
      %dma_wait3A_252 = arith.constant 0 : i32
      %dma_wait3A_253 = tpu.memref_slice %arg6[%select_n3A_70, %dma_wait3A_251, %dma_wait3A_252] : memref<2x25x80xi32, #tpu.memory_space<vmem>> -> memref<1x25x80xi32, #tpu.memory_space<vmem>>
      %dma_wait3A_254 = tpu.memref_squeeze %dma_wait3A_253 : memref<1x25x80xi32, #tpu.memory_space<vmem>> -> memref<25x80xi32, #tpu.memory_space<vmem>>
      %dma_wait3A_255 = arith.constant 0 : i32
      %dma_wait3A_256 = tpu.memref_slice %dma_wait3A_254[%dma_wait3A_250, %dma_wait3A_255] : memref<25x80xi32, #tpu.memory_space<vmem>> -> memref<1x80xi32, #tpu.memory_space<vmem>>
      %dma_wait3A_257 = tpu.memref_squeeze %dma_wait3A_256 : memref<1x80xi32, #tpu.memory_space<vmem>> -> memref<80xi32, #tpu.memory_space<vmem>>
      %dma_wait3A_258 = arith.constant 0 : i32
      %dma_wait3A_259 = arith.constant 0 : i32
      %dma_wait3A_260 = tpu.memref_slice %arg10[%dma_wait3A_258, %dma_wait3A_259] : memref<10000x128xf32, #tpu.memory_space<vmem_shared>> -> memref<10000x128xf32, #tpu.memory_space<vmem_shared>>
      tpu.wait_indirect_dma semaphore(%arg13 : memref<!tpu.dma_semaphore, #tpu.memory_space<semaphore_mem>>) src(%arg9 : memref<80x128xf32, #tpu.memory_space<vmem>>) dst(%dma_wait3A_260 : memref<10000x128xf32, #tpu.memory_space<vmem_shared>>)
      %dma_start3A_261 = arith.constant 5 : i32
      %dma_start3A_262 = arith.constant 0 : i32
      %dma_start3A_263 = arith.constant 0 : i32
      %dma_start3A_264 = tpu.memref_slice %arg5[%select_n3A_70, %dma_start3A_262, %dma_start3A_263] : memref<2x25x80xi32, #tpu.memory_space<vmem>> -> memref<1x25x80xi32, #tpu.memory_space<vmem>>
      %dma_start3A_265 = tpu.memref_squeeze %dma_start3A_264 : memref<1x25x80xi32, #tpu.memory_space<vmem>> -> memref<25x80xi32, #tpu.memory_space<vmem>>
      %dma_start3A_266 = arith.constant 0 : i32
      %dma_start3A_267 = tpu.memref_slice %dma_start3A_265[%dma_start3A_261, %dma_start3A_266] : memref<25x80xi32, #tpu.memory_space<vmem>> -> memref<1x80xi32, #tpu.memory_space<vmem>>
      %dma_start3A_268 = tpu.memref_squeeze %dma_start3A_267 : memref<1x80xi32, #tpu.memory_space<vmem>> -> memref<80xi32, #tpu.memory_space<vmem>>
      %dma_start3A_269 = arith.constant 0 : i32
      %dma_start3A_270 = arith.constant 0 : i32
      %dma_start3A_271 = tpu.memref_slice %arg2[%dma_start3A_269, %dma_start3A_270] : memref<10000x128xf32, #tpu.memory_space<hbm>> -> memref<10000x128xf32, #tpu.memory_space<hbm>>
      tpu.enqueue_indirect_dma source(%dma_start3A_271 : memref<10000x128xf32, #tpu.memory_space<hbm>>) target(%arg9 : memref<80x128xf32, #tpu.memory_space<vmem>>) offsets(%dma_start3A_268 : memref<80xi32, #tpu.memory_space<vmem>>) semaphore(%arg13 : memref<!tpu.dma_semaphore, #tpu.memory_space<semaphore_mem>>)
      %dma_wait3A_272 = arith.constant 4 : i32
      %dma_wait3A_273 = arith.constant 0 : i32
      %dma_wait3A_274 = arith.constant 0 : i32
      %dma_wait3A_275 = tpu.memref_slice %arg5[%select_n3A_70, %dma_wait3A_273, %dma_wait3A_274] : memref<2x25x80xi32, #tpu.memory_space<vmem>> -> memref<1x25x80xi32, #tpu.memory_space<vmem>>
      %dma_wait3A_276 = tpu.memref_squeeze %dma_wait3A_275 : memref<1x25x80xi32, #tpu.memory_space<vmem>> -> memref<25x80xi32, #tpu.memory_space<vmem>>
      %dma_wait3A_277 = arith.constant 0 : i32
      %dma_wait3A_278 = tpu.memref_slice %dma_wait3A_276[%dma_wait3A_272, %dma_wait3A_277] : memref<25x80xi32, #tpu.memory_space<vmem>> -> memref<1x80xi32, #tpu.memory_space<vmem>>
      %dma_wait3A_279 = tpu.memref_squeeze %dma_wait3A_278 : memref<1x80xi32, #tpu.memory_space<vmem>> -> memref<80xi32, #tpu.memory_space<vmem>>
      %dma_wait3A_280 = arith.constant 0 : i32
      %dma_wait3A_281 = arith.constant 0 : i32
      %dma_wait3A_282 = tpu.memref_slice %arg2[%dma_wait3A_280, %dma_wait3A_281] : memref<10000x128xf32, #tpu.memory_space<hbm>> -> memref<10000x128xf32, #tpu.memory_space<hbm>>
      tpu.wait_indirect_dma semaphore(%arg12 : memref<!tpu.dma_semaphore, #tpu.memory_space<semaphore_mem>>) src(%dma_wait3A_282 : memref<10000x128xf32, #tpu.memory_space<hbm>>) dst(%arg8 : memref<80x128xf32, #tpu.memory_space<vmem>>)
      %dma_start3A_283 = arith.constant 4 : i32
      %dma_start3A_284 = arith.constant 0 : i32
      %dma_start3A_285 = arith.constant 0 : i32
      %dma_start3A_286 = tpu.memref_slice %arg6[%select_n3A_70, %dma_start3A_284, %dma_start3A_285] : memref<2x25x80xi32, #tpu.memory_space<vmem>> -> memref<1x25x80xi32, #tpu.memory_space<vmem>>
      %dma_start3A_287 = tpu.memref_squeeze %dma_start3A_286 : memref<1x25x80xi32, #tpu.memory_space<vmem>> -> memref<25x80xi32, #tpu.memory_space<vmem>>
      %dma_start3A_288 = arith.constant 0 : i32
      %dma_start3A_289 = tpu.memref_slice %dma_start3A_287[%dma_start3A_283, %dma_start3A_288] : memref<25x80xi32, #tpu.memory_space<vmem>> -> memref<1x80xi32, #tpu.memory_space<vmem>>
      %dma_start3A_290 = tpu.memref_squeeze %dma_start3A_289 : memref<1x80xi32, #tpu.memory_space<vmem>> -> memref<80xi32, #tpu.memory_space<vmem>>
      %dma_start3A_291 = arith.constant 0 : i32
      %dma_start3A_292 = arith.constant 0 : i32
      %dma_start3A_293 = tpu.memref_slice %arg10[%dma_start3A_291, %dma_start3A_292] : memref<10000x128xf32, #tpu.memory_space<vmem_shared>> -> memref<10000x128xf32, #tpu.memory_space<vmem_shared>>
      tpu.enqueue_indirect_dma source(%arg8 : memref<80x128xf32, #tpu.memory_space<vmem>>) target(%dma_start3A_293 : memref<10000x128xf32, #tpu.memory_space<vmem_shared>>) offsets(%dma_start3A_290 : memref<80xi32, #tpu.memory_space<vmem>>) semaphore(%arg12 : memref<!tpu.dma_semaphore, #tpu.memory_space<semaphore_mem>>) {add = true}
      %dma_wait3A_294 = arith.constant 3 : i32
      %dma_wait3A_295 = arith.constant 0 : i32
      %dma_wait3A_296 = arith.constant 0 : i32
      %dma_wait3A_297 = tpu.memref_slice %arg6[%select_n3A_70, %dma_wait3A_295, %dma_wait3A_296] : memref<2x25x80xi32, #tpu.memory_space<vmem>> -> memref<1x25x80xi32, #tpu.memory_space<vmem>>
      %dma_wait3A_298 = tpu.memref_squeeze %dma_wait3A_297 : memref<1x25x80xi32, #tpu.memory_space<vmem>> -> memref<25x80xi32, #tpu.memory_space<vmem>>
      %dma_wait3A_299 = arith.constant 0 : i32
      %dma_wait3A_300 = tpu.memref_slice %dma_wait3A_298[%dma_wait3A_294, %dma_wait3A_299] : memref<25x80xi32, #tpu.memory_space<vmem>> -> memref<1x80xi32, #tpu.memory_space<vmem>>
      %dma_wait3A_301 = tpu.memref_squeeze %dma_wait3A_300 : memref<1x80xi32, #tpu.memory_space<vmem>> -> memref<80xi32, #tpu.memory_space<vmem>>
      %dma_wait3A_302 = arith.constant 0 : i32
      %dma_wait3A_303 = arith.constant 0 : i32
      %dma_wait3A_304 = tpu.memref_slice %arg10[%dma_wait3A_302, %dma_wait3A_303] : memref<10000x128xf32, #tpu.memory_space<vmem_shared>> -> memref<10000x128xf32, #tpu.memory_space<vmem_shared>>
      tpu.wait_indirect_dma semaphore(%arg11 : memref<!tpu.dma_semaphore, #tpu.memory_space<semaphore_mem>>) src(%arg7 : memref<80x128xf32, #tpu.memory_space<vmem>>) dst(%dma_wait3A_304 : memref<10000x128xf32, #tpu.memory_space<vmem_shared>>)
      %dma_start3A_305 = arith.constant 6 : i32
      %dma_start3A_306 = arith.constant 0 : i32
      %dma_start3A_307 = arith.constant 0 : i32
      %dma_start3A_308 = tpu.memref_slice %arg5[%select_n3A_70, %dma_start3A_306, %dma_start3A_307] : memref<2x25x80xi32, #tpu.memory_space<vmem>> -> memref<1x25x80xi32, #tpu.memory_space<vmem>>
      %dma_start3A_309 = tpu.memref_squeeze %dma_start3A_308 : memref<1x25x80xi32, #tpu.memory_space<vmem>> -> memref<25x80xi32, #tpu.memory_space<vmem>>
      %dma_start3A_310 = arith.constant 0 : i32
      %dma_start3A_311 = tpu.memref_slice %dma_start3A_309[%dma_start3A_305, %dma_start3A_310] : memref<25x80xi32, #tpu.memory_space<vmem>> -> memref<1x80xi32, #tpu.memory_space<vmem>>
      %dma_start3A_312 = tpu.memref_squeeze %dma_start3A_311 : memref<1x80xi32, #tpu.memory_space<vmem>> -> memref<80xi32, #tpu.memory_space<vmem>>
      %dma_start3A_313 = arith.constant 0 : i32
      %dma_start3A_314 = arith.constant 0 : i32
      %dma_start3A_315 = tpu.memref_slice %arg2[%dma_start3A_313, %dma_start3A_314] : memref<10000x128xf32, #tpu.memory_space<hbm>> -> memref<10000x128xf32, #tpu.memory_space<hbm>>
      tpu.enqueue_indirect_dma source(%dma_start3A_315 : memref<10000x128xf32, #tpu.memory_space<hbm>>) target(%arg7 : memref<80x128xf32, #tpu.memory_space<vmem>>) offsets(%dma_start3A_312 : memref<80xi32, #tpu.memory_space<vmem>>) semaphore(%arg11 : memref<!tpu.dma_semaphore, #tpu.memory_space<semaphore_mem>>)
      %dma_wait3A_316 = arith.constant 5 : i32
      %dma_wait3A_317 = arith.constant 0 : i32
      %dma_wait3A_318 = arith.constant 0 : i32
      %dma_wait3A_319 = tpu.memref_slice %arg5[%select_n3A_70, %dma_wait3A_317, %dma_wait3A_318] : memref<2x25x80xi32, #tpu.memory_space<vmem>> -> memref<1x25x80xi32, #tpu.memory_space<vmem>>
      %dma_wait3A_320 = tpu.memref_squeeze %dma_wait3A_319 : memref<1x25x80xi32, #tpu.memory_space<vmem>> -> memref<25x80xi32, #tpu.memory_space<vmem>>
      %dma_wait3A_321 = arith.constant 0 : i32
      %dma_wait3A_322 = tpu.memref_slice %dma_wait3A_320[%dma_wait3A_316, %dma_wait3A_321] : memref<25x80xi32, #tpu.memory_space<vmem>> -> memref<1x80xi32, #tpu.memory_space<vmem>>
      %dma_wait3A_323 = tpu.memref_squeeze %dma_wait3A_322 : memref<1x80xi32, #tpu.memory_space<vmem>> -> memref<80xi32, #tpu.memory_space<vmem>>
      %dma_wait3A_324 = arith.constant 0 : i32
      %dma_wait3A_325 = arith.constant 0 : i32
      %dma_wait3A_326 = tpu.memref_slice %arg2[%dma_wait3A_324, %dma_wait3A_325] : memref<10000x128xf32, #tpu.memory_space<hbm>> -> memref<10000x128xf32, #tpu.memory_space<hbm>>
      tpu.wait_indirect_dma semaphore(%arg13 : memref<!tpu.dma_semaphore, #tpu.memory_space<semaphore_mem>>) src(%dma_wait3A_326 : memref<10000x128xf32, #tpu.memory_space<hbm>>) dst(%arg9 : memref<80x128xf32, #tpu.memory_space<vmem>>)
      %dma_start3A_327 = arith.constant 5 : i32
      %dma_start3A_328 = arith.constant 0 : i32
      %dma_start3A_329 = arith.constant 0 : i32
      %dma_start3A_330 = tpu.memref_slice %arg6[%select_n3A_70, %dma_start3A_328, %dma_start3A_329] : memref<2x25x80xi32, #tpu.memory_space<vmem>> -> memref<1x25x80xi32, #tpu.memory_space<vmem>>
      %dma_start3A_331 = tpu.memref_squeeze %dma_start3A_330 : memref<1x25x80xi32, #tpu.memory_space<vmem>> -> memref<25x80xi32, #tpu.memory_space<vmem>>
      %dma_start3A_332 = arith.constant 0 : i32
      %dma_start3A_333 = tpu.memref_slice %dma_start3A_331[%dma_start3A_327, %dma_start3A_332] : memref<25x80xi32, #tpu.memory_space<vmem>> -> memref<1x80xi32, #tpu.memory_space<vmem>>
      %dma_start3A_334 = tpu.memref_squeeze %dma_start3A_333 : memref<1x80xi32, #tpu.memory_space<vmem>> -> memref<80xi32, #tpu.memory_space<vmem>>
      %dma_start3A_335 = arith.constant 0 : i32
      %dma_start3A_336 = arith.constant 0 : i32
      %dma_start3A_337 = tpu.memref_slice %arg10[%dma_start3A_335, %dma_start3A_336] : memref<10000x128xf32, #tpu.memory_space<vmem_shared>> -> memref<10000x128xf32, #tpu.memory_space<vmem_shared>>
      tpu.enqueue_indirect_dma source(%arg9 : memref<80x128xf32, #tpu.memory_space<vmem>>) target(%dma_start3A_337 : memref<10000x128xf32, #tpu.memory_space<vmem_shared>>) offsets(%dma_start3A_334 : memref<80xi32, #tpu.memory_space<vmem>>) semaphore(%arg13 : memref<!tpu.dma_semaphore, #tpu.memory_space<semaphore_mem>>) {add = true}
      %dma_wait3A_338 = arith.constant 4 : i32
      %dma_wait3A_339 = arith.constant 0 : i32
      %dma_wait3A_340 = arith.constant 0 : i32
      %dma_wait3A_341 = tpu.memref_slice %arg6[%select_n3A_70, %dma_wait3A_339, %dma_wait3A_340] : memref<2x25x80xi32, #tpu.memory_space<vmem>> -> memref<1x25x80xi32, #tpu.memory_space<vmem>>
      %dma_wait3A_342 = tpu.memref_squeeze %dma_wait3A_341 : memref<1x25x80xi32, #tpu.memory_space<vmem>> -> memref<25x80xi32, #tpu.memory_space<vmem>>
      %dma_wait3A_343 = arith.constant 0 : i32
      %dma_wait3A_344 = tpu.memref_slice %dma_wait3A_342[%dma_wait3A_338, %dma_wait3A_343] : memref<25x80xi32, #tpu.memory_space<vmem>> -> memref<1x80xi32, #tpu.memory_space<vmem>>
      %dma_wait3A_345 = tpu.memref_squeeze %dma_wait3A_344 : memref<1x80xi32, #tpu.memory_space<vmem>> -> memref<80xi32, #tpu.memory_space<vmem>>
      %dma_wait3A_346 = arith.constant 0 : i32
      %dma_wait3A_347 = arith.constant 0 : i32
      %dma_wait3A_348 = tpu.memref_slice %arg10[%dma_wait3A_346, %dma_wait3A_347] : memref<10000x128xf32, #tpu.memory_space<vmem_shared>> -> memref<10000x128xf32, #tpu.memory_space<vmem_shared>>
      tpu.wait_indirect_dma semaphore(%arg12 : memref<!tpu.dma_semaphore, #tpu.memory_space<semaphore_mem>>) src(%arg8 : memref<80x128xf32, #tpu.memory_space<vmem>>) dst(%dma_wait3A_348 : memref<10000x128xf32, #tpu.memory_space<vmem_shared>>)
      %dma_start3A_349 = arith.constant 7 : i32
      %dma_start3A_350 = arith.constant 0 : i32
      %dma_start3A_351 = arith.constant 0 : i32
      %dma_start3A_352 = tpu.memref_slice %arg5[%select_n3A_70, %dma_start3A_350, %dma_start3A_351] : memref<2x25x80xi32, #tpu.memory_space<vmem>> -> memref<1x25x80xi32, #tpu.memory_space<vmem>>
      %dma_start3A_353 = tpu.memref_squeeze %dma_start3A_352 : memref<1x25x80xi32, #tpu.memory_space<vmem>> -> memref<25x80xi32, #tpu.memory_space<vmem>>
      %dma_start3A_354 = arith.constant 0 : i32
      %dma_start3A_355 = tpu.memref_slice %dma_start3A_353[%dma_start3A_349, %dma_start3A_354] : memref<25x80xi32, #tpu.memory_space<vmem>> -> memref<1x80xi32, #tpu.memory_space<vmem>>
      %dma_start3A_356 = tpu.memref_squeeze %dma_start3A_355 : memref<1x80xi32, #tpu.memory_space<vmem>> -> memref<80xi32, #tpu.memory_space<vmem>>
      %dma_start3A_357 = arith.constant 0 : i32
      %dma_start3A_358 = arith.constant 0 : i32
      %dma_start3A_359 = tpu.memref_slice %arg2[%dma_start3A_357, %dma_start3A_358] : memref<10000x128xf32, #tpu.memory_space<hbm>> -> memref<10000x128xf32, #tpu.memory_space<hbm>>
      tpu.enqueue_indirect_dma source(%dma_start3A_359 : memref<10000x128xf32, #tpu.memory_space<hbm>>) target(%arg8 : memref<80x128xf32, #tpu.memory_space<vmem>>) offsets(%dma_start3A_356 : memref<80xi32, #tpu.memory_space<vmem>>) semaphore(%arg12 : memref<!tpu.dma_semaphore, #tpu.memory_space<semaphore_mem>>)
      %dma_wait3A_360 = arith.constant 6 : i32
      %dma_wait3A_361 = arith.constant 0 : i32
      %dma_wait3A_362 = arith.constant 0 : i32
      %dma_wait3A_363 = tpu.memref_slice %arg5[%select_n3A_70, %dma_wait3A_361, %dma_wait3A_362] : memref<2x25x80xi32, #tpu.memory_space<vmem>> -> memref<1x25x80xi32, #tpu.memory_space<vmem>>
      %dma_wait3A_364 = tpu.memref_squeeze %dma_wait3A_363 : memref<1x25x80xi32, #tpu.memory_space<vmem>> -> memref<25x80xi32, #tpu.memory_space<vmem>>
      %dma_wait3A_365 = arith.constant 0 : i32
      %dma_wait3A_366 = tpu.memref_slice %dma_wait3A_364[%dma_wait3A_360, %dma_wait3A_365] : memref<25x80xi32, #tpu.memory_space<vmem>> -> memref<1x80xi32, #tpu.memory_space<vmem>>
      %dma_wait3A_367 = tpu.memref_squeeze %dma_wait3A_366 : memref<1x80xi32, #tpu.memory_space<vmem>> -> memref<80xi32, #tpu.memory_space<vmem>>
      %dma_wait3A_368 = arith.constant 0 : i32
      %dma_wait3A_369 = arith.constant 0 : i32
      %dma_wait3A_370 = tpu.memref_slice %arg2[%dma_wait3A_368, %dma_wait3A_369] : memref<10000x128xf32, #tpu.memory_space<hbm>> -> memref<10000x128xf32, #tpu.memory_space<hbm>>
      tpu.wait_indirect_dma semaphore(%arg11 : memref<!tpu.dma_semaphore, #tpu.memory_space<semaphore_mem>>) src(%dma_wait3A_370 : memref<10000x128xf32, #tpu.memory_space<hbm>>) dst(%arg7 : memref<80x128xf32, #tpu.memory_space<vmem>>)
      %dma_start3A_371 = arith.constant 6 : i32
      %dma_start3A_372 = arith.constant 0 : i32
      %dma_start3A_373 = arith.constant 0 : i32
      %dma_start3A_374 = tpu.memref_slice %arg6[%select_n3A_70, %dma_start3A_372, %dma_start3A_373] : memref<2x25x80xi32, #tpu.memory_space<vmem>> -> memref<1x25x80xi32, #tpu.memory_space<vmem>>
      %dma_start3A_375 = tpu.memref_squeeze %dma_start3A_374 : memref<1x25x80xi32, #tpu.memory_space<vmem>> -> memref<25x80xi32, #tpu.memory_space<vmem>>
      %dma_start3A_376 = arith.constant 0 : i32
      %dma_start3A_377 = tpu.memref_slice %dma_start3A_375[%dma_start3A_371, %dma_start3A_376] : memref<25x80xi32, #tpu.memory_space<vmem>> -> memref<1x80xi32, #tpu.memory_space<vmem>>
      %dma_start3A_378 = tpu.memref_squeeze %dma_start3A_377 : memref<1x80xi32, #tpu.memory_space<vmem>> -> memref<80xi32, #tpu.memory_space<vmem>>
      %dma_start3A_379 = arith.constant 0 : i32
      %dma_start3A_380 = arith.constant 0 : i32
      %dma_start3A_381 = tpu.memref_slice %arg10[%dma_start3A_379, %dma_start3A_380] : memref<10000x128xf32, #tpu.memory_space<vmem_shared>> -> memref<10000x128xf32, #tpu.memory_space<vmem_shared>>
      tpu.enqueue_indirect_dma source(%arg7 : memref<80x128xf32, #tpu.memory_space<vmem>>) target(%dma_start3A_381 : memref<10000x128xf32, #tpu.memory_space<vmem_shared>>) offsets(%dma_start3A_378 : memref<80xi32, #tpu.memory_space<vmem>>) semaphore(%arg11 : memref<!tpu.dma_semaphore, #tpu.memory_space<semaphore_mem>>) {add = true}
      %dma_wait3A_382 = arith.constant 5 : i32
      %dma_wait3A_383 = arith.constant 0 : i32
      %dma_wait3A_384 = arith.constant 0 : i32
      %dma_wait3A_385 = tpu.memref_slice %arg6[%select_n3A_70, %dma_wait3A_383, %dma_wait3A_384] : memref<2x25x80xi32, #tpu.memory_space<vmem>> -> memref<1x25x80xi32, #tpu.memory_space<vmem>>
      %dma_wait3A_386 = tpu.memref_squeeze %dma_wait3A_385 : memref<1x25x80xi32, #tpu.memory_space<vmem>> -> memref<25x80xi32, #tpu.memory_space<vmem>>
      %dma_wait3A_387 = arith.constant 0 : i32
      %dma_wait3A_388 = tpu.memref_slice %dma_wait3A_386[%dma_wait3A_382, %dma_wait3A_387] : memref<25x80xi32, #tpu.memory_space<vmem>> -> memref<1x80xi32, #tpu.memory_space<vmem>>
      %dma_wait3A_389 = tpu.memref_squeeze %dma_wait3A_388 : memref<1x80xi32, #tpu.memory_space<vmem>> -> memref<80xi32, #tpu.memory_space<vmem>>
      %dma_wait3A_390 = arith.constant 0 : i32
      %dma_wait3A_391 = arith.constant 0 : i32
      %dma_wait3A_392 = tpu.memref_slice %arg10[%dma_wait3A_390, %dma_wait3A_391] : memref<10000x128xf32, #tpu.memory_space<vmem_shared>> -> memref<10000x128xf32, #tpu.memory_space<vmem_shared>>
      tpu.wait_indirect_dma semaphore(%arg13 : memref<!tpu.dma_semaphore, #tpu.memory_space<semaphore_mem>>) src(%arg9 : memref<80x128xf32, #tpu.memory_space<vmem>>) dst(%dma_wait3A_392 : memref<10000x128xf32, #tpu.memory_space<vmem_shared>>)
      %dma_start3A_393 = arith.constant 8 : i32
      %dma_start3A_394 = arith.constant 0 : i32
      %dma_start3A_395 = arith.constant 0 : i32
      %dma_start3A_396 = tpu.memref_slice %arg5[%select_n3A_70, %dma_start3A_394, %dma_start3A_395] : memref<2x25x80xi32, #tpu.memory_space<vmem>> -> memref<1x25x80xi32, #tpu.memory_space<vmem>>
      %dma_start3A_397 = tpu.memref_squeeze %dma_start3A_396 : memref<1x25x80xi32, #tpu.memory_space<vmem>> -> memref<25x80xi32, #tpu.memory_space<vmem>>
      %dma_start3A_398 = arith.constant 0 : i32
      %dma_start3A_399 = tpu.memref_slice %dma_start3A_397[%dma_start3A_393, %dma_start3A_398] : memref<25x80xi32, #tpu.memory_space<vmem>> -> memref<1x80xi32, #tpu.memory_space<vmem>>
      %dma_start3A_400 = tpu.memref_squeeze %dma_start3A_399 : memref<1x80xi32, #tpu.memory_space<vmem>> -> memref<80xi32, #tpu.memory_space<vmem>>
      %dma_start3A_401 = arith.constant 0 : i32
      %dma_start3A_402 = arith.constant 0 : i32
      %dma_start3A_403 = tpu.memref_slice %arg2[%dma_start3A_401, %dma_start3A_402] : memref<10000x128xf32, #tpu.memory_space<hbm>> -> memref<10000x128xf32, #tpu.memory_space<hbm>>
      tpu.enqueue_indirect_dma source(%dma_start3A_403 : memref<10000x128xf32, #tpu.memory_space<hbm>>) target(%arg9 : memref<80x128xf32, #tpu.memory_space<vmem>>) offsets(%dma_start3A_400 : memref<80xi32, #tpu.memory_space<vmem>>) semaphore(%arg13 : memref<!tpu.dma_semaphore, #tpu.memory_space<semaphore_mem>>)
      %dma_wait3A_404 = arith.constant 7 : i32
      %dma_wait3A_405 = arith.constant 0 : i32
      %dma_wait3A_406 = arith.constant 0 : i32
      %dma_wait3A_407 = tpu.memref_slice %arg5[%select_n3A_70, %dma_wait3A_405, %dma_wait3A_406] : memref<2x25x80xi32, #tpu.memory_space<vmem>> -> memref<1x25x80xi32, #tpu.memory_space<vmem>>
      %dma_wait3A_408 = tpu.memref_squeeze %dma_wait3A_407 : memref<1x25x80xi32, #tpu.memory_space<vmem>> -> memref<25x80xi32, #tpu.memory_space<vmem>>
      %dma_wait3A_409 = arith.constant 0 : i32
      %dma_wait3A_410 = tpu.memref_slice %dma_wait3A_408[%dma_wait3A_404, %dma_wait3A_409] : memref<25x80xi32, #tpu.memory_space<vmem>> -> memref<1x80xi32, #tpu.memory_space<vmem>>
      %dma_wait3A_411 = tpu.memref_squeeze %dma_wait3A_410 : memref<1x80xi32, #tpu.memory_space<vmem>> -> memref<80xi32, #tpu.memory_space<vmem>>
      %dma_wait3A_412 = arith.constant 0 : i32
      %dma_wait3A_413 = arith.constant 0 : i32
      %dma_wait3A_414 = tpu.memref_slice %arg2[%dma_wait3A_412, %dma_wait3A_413] : memref<10000x128xf32, #tpu.memory_space<hbm>> -> memref<10000x128xf32, #tpu.memory_space<hbm>>
      tpu.wait_indirect_dma semaphore(%arg12 : memref<!tpu.dma_semaphore, #tpu.memory_space<semaphore_mem>>) src(%dma_wait3A_414 : memref<10000x128xf32, #tpu.memory_space<hbm>>) dst(%arg8 : memref<80x128xf32, #tpu.memory_space<vmem>>)
      %dma_start3A_415 = arith.constant 7 : i32
      %dma_start3A_416 = arith.constant 0 : i32
      %dma_start3A_417 = arith.constant 0 : i32
      %dma_start3A_418 = tpu.memref_slice %arg6[%select_n3A_70, %dma_start3A_416, %dma_start3A_417] : memref<2x25x80xi32, #tpu.memory_space<vmem>> -> memref<1x25x80xi32, #tpu.memory_space<vmem>>
      %dma_start3A_419 = tpu.memref_squeeze %dma_start3A_418 : memref<1x25x80xi32, #tpu.memory_space<vmem>> -> memref<25x80xi32, #tpu.memory_space<vmem>>
      %dma_start3A_420 = arith.constant 0 : i32
      %dma_start3A_421 = tpu.memref_slice %dma_start3A_419[%dma_start3A_415, %dma_start3A_420] : memref<25x80xi32, #tpu.memory_space<vmem>> -> memref<1x80xi32, #tpu.memory_space<vmem>>
      %dma_start3A_422 = tpu.memref_squeeze %dma_start3A_421 : memref<1x80xi32, #tpu.memory_space<vmem>> -> memref<80xi32, #tpu.memory_space<vmem>>
      %dma_start3A_423 = arith.constant 0 : i32
      %dma_start3A_424 = arith.constant 0 : i32
      %dma_start3A_425 = tpu.memref_slice %arg10[%dma_start3A_423, %dma_start3A_424] : memref<10000x128xf32, #tpu.memory_space<vmem_shared>> -> memref<10000x128xf32, #tpu.memory_space<vmem_shared>>
      tpu.enqueue_indirect_dma source(%arg8 : memref<80x128xf32, #tpu.memory_space<vmem>>) target(%dma_start3A_425 : memref<10000x128xf32, #tpu.memory_space<vmem_shared>>) offsets(%dma_start3A_422 : memref<80xi32, #tpu.memory_space<vmem>>) semaphore(%arg12 : memref<!tpu.dma_semaphore, #tpu.memory_space<semaphore_mem>>) {add = true}
      %dma_wait3A_426 = arith.constant 6 : i32
      %dma_wait3A_427 = arith.constant 0 : i32
      %dma_wait3A_428 = arith.constant 0 : i32
      %dma_wait3A_429 = tpu.memref_slice %arg6[%select_n3A_70, %dma_wait3A_427, %dma_wait3A_428] : memref<2x25x80xi32, #tpu.memory_space<vmem>> -> memref<1x25x80xi32, #tpu.memory_space<vmem>>
      %dma_wait3A_430 = tpu.memref_squeeze %dma_wait3A_429 : memref<1x25x80xi32, #tpu.memory_space<vmem>> -> memref<25x80xi32, #tpu.memory_space<vmem>>
      %dma_wait3A_431 = arith.constant 0 : i32
      %dma_wait3A_432 = tpu.memref_slice %dma_wait3A_430[%dma_wait3A_426, %dma_wait3A_431] : memref<25x80xi32, #tpu.memory_space<vmem>> -> memref<1x80xi32, #tpu.memory_space<vmem>>
      %dma_wait3A_433 = tpu.memref_squeeze %dma_wait3A_432 : memref<1x80xi32, #tpu.memory_space<vmem>> -> memref<80xi32, #tpu.memory_space<vmem>>
      %dma_wait3A_434 = arith.constant 0 : i32
      %dma_wait3A_435 = arith.constant 0 : i32
      %dma_wait3A_436 = tpu.memref_slice %arg10[%dma_wait3A_434, %dma_wait3A_435] : memref<10000x128xf32, #tpu.memory_space<vmem_shared>> -> memref<10000x128xf32, #tpu.memory_space<vmem_shared>>
      tpu.wait_indirect_dma semaphore(%arg11 : memref<!tpu.dma_semaphore, #tpu.memory_space<semaphore_mem>>) src(%arg7 : memref<80x128xf32, #tpu.memory_space<vmem>>) dst(%dma_wait3A_436 : memref<10000x128xf32, #tpu.memory_space<vmem_shared>>)
      %dma_start3A_437 = arith.constant 9 : i32
      %dma_start3A_438 = arith.constant 0 : i32
      %dma_start3A_439 = arith.constant 0 : i32
      %dma_start3A_440 = tpu.memref_slice %arg5[%select_n3A_70, %dma_start3A_438, %dma_start3A_439] : memref<2x25x80xi32, #tpu.memory_space<vmem>> -> memref<1x25x80xi32, #tpu.memory_space<vmem>>
      %dma_start3A_441 = tpu.memref_squeeze %dma_start3A_440 : memref<1x25x80xi32, #tpu.memory_space<vmem>> -> memref<25x80xi32, #tpu.memory_space<vmem>>
      %dma_start3A_442 = arith.constant 0 : i32
      %dma_start3A_443 = tpu.memref_slice %dma_start3A_441[%dma_start3A_437, %dma_start3A_442] : memref<25x80xi32, #tpu.memory_space<vmem>> -> memref<1x80xi32, #tpu.memory_space<vmem>>
      %dma_start3A_444 = tpu.memref_squeeze %dma_start3A_443 : memref<1x80xi32, #tpu.memory_space<vmem>> -> memref<80xi32, #tpu.memory_space<vmem>>
      %dma_start3A_445 = arith.constant 0 : i32
      %dma_start3A_446 = arith.constant 0 : i32
      %dma_start3A_447 = tpu.memref_slice %arg2[%dma_start3A_445, %dma_start3A_446] : memref<10000x128xf32, #tpu.memory_space<hbm>> -> memref<10000x128xf32, #tpu.memory_space<hbm>>
      tpu.enqueue_indirect_dma source(%dma_start3A_447 : memref<10000x128xf32, #tpu.memory_space<hbm>>) target(%arg7 : memref<80x128xf32, #tpu.memory_space<vmem>>) offsets(%dma_start3A_444 : memref<80xi32, #tpu.memory_space<vmem>>) semaphore(%arg11 : memref<!tpu.dma_semaphore, #tpu.memory_space<semaphore_mem>>)
      %dma_wait3A_448 = arith.constant 8 : i32
      %dma_wait3A_449 = arith.constant 0 : i32
      %dma_wait3A_450 = arith.constant 0 : i32
      %dma_wait3A_451 = tpu.memref_slice %arg5[%select_n3A_70, %dma_wait3A_449, %dma_wait3A_450] : memref<2x25x80xi32, #tpu.memory_space<vmem>> -> memref<1x25x80xi32, #tpu.memory_space<vmem>>
      %dma_wait3A_452 = tpu.memref_squeeze %dma_wait3A_451 : memref<1x25x80xi32, #tpu.memory_space<vmem>> -> memref<25x80xi32, #tpu.memory_space<vmem>>
      %dma_wait3A_453 = arith.constant 0 : i32
      %dma_wait3A_454 = tpu.memref_slice %dma_wait3A_452[%dma_wait3A_448, %dma_wait3A_453] : memref<25x80xi32, #tpu.memory_space<vmem>> -> memref<1x80xi32, #tpu.memory_space<vmem>>
      %dma_wait3A_455 = tpu.memref_squeeze %dma_wait3A_454 : memref<1x80xi32, #tpu.memory_space<vmem>> -> memref<80xi32, #tpu.memory_space<vmem>>
      %dma_wait3A_456 = arith.constant 0 : i32
      %dma_wait3A_457 = arith.constant 0 : i32
      %dma_wait3A_458 = tpu.memref_slice %arg2[%dma_wait3A_456, %dma_wait3A_457] : memref<10000x128xf32, #tpu.memory_space<hbm>> -> memref<10000x128xf32, #tpu.memory_space<hbm>>
      tpu.wait_indirect_dma semaphore(%arg13 : memref<!tpu.dma_semaphore, #tpu.memory_space<semaphore_mem>>) src(%dma_wait3A_458 : memref<10000x128xf32, #tpu.memory_space<hbm>>) dst(%arg9 : memref<80x128xf32, #tpu.memory_space<vmem>>)
      %dma_start3A_459 = arith.constant 8 : i32
      %dma_start3A_460 = arith.constant 0 : i32
      %dma_start3A_461 = arith.constant 0 : i32
      %dma_start3A_462 = tpu.memref_slice %arg6[%select_n3A_70, %dma_start3A_460, %dma_start3A_461] : memref<2x25x80xi32, #tpu.memory_space<vmem>> -> memref<1x25x80xi32, #tpu.memory_space<vmem>>
      %dma_start3A_463 = tpu.memref_squeeze %dma_start3A_462 : memref<1x25x80xi32, #tpu.memory_space<vmem>> -> memref<25x80xi32, #tpu.memory_space<vmem>>
      %dma_start3A_464 = arith.constant 0 : i32
      %dma_start3A_465 = tpu.memref_slice %dma_start3A_463[%dma_start3A_459, %dma_start3A_464] : memref<25x80xi32, #tpu.memory_space<vmem>> -> memref<1x80xi32, #tpu.memory_space<vmem>>
      %dma_start3A_466 = tpu.memref_squeeze %dma_start3A_465 : memref<1x80xi32, #tpu.memory_space<vmem>> -> memref<80xi32, #tpu.memory_space<vmem>>
      %dma_start3A_467 = arith.constant 0 : i32
      %dma_start3A_468 = arith.constant 0 : i32
      %dma_start3A_469 = tpu.memref_slice %arg10[%dma_start3A_467, %dma_start3A_468] : memref<10000x128xf32, #tpu.memory_space<vmem_shared>> -> memref<10000x128xf32, #tpu.memory_space<vmem_shared>>
      tpu.enqueue_indirect_dma source(%arg9 : memref<80x128xf32, #tpu.memory_space<vmem>>) target(%dma_start3A_469 : memref<10000x128xf32, #tpu.memory_space<vmem_shared>>) offsets(%dma_start3A_466 : memref<80xi32, #tpu.memory_space<vmem>>) semaphore(%arg13 : memref<!tpu.dma_semaphore, #tpu.memory_space<semaphore_mem>>) {add = true}
      %dma_wait3A_470 = arith.constant 7 : i32
      %dma_wait3A_471 = arith.constant 0 : i32
      %dma_wait3A_472 = arith.constant 0 : i32
      %dma_wait3A_473 = tpu.memref_slice %arg6[%select_n3A_70, %dma_wait3A_471, %dma_wait3A_472] : memref<2x25x80xi32, #tpu.memory_space<vmem>> -> memref<1x25x80xi32, #tpu.memory_space<vmem>>
      %dma_wait3A_474 = tpu.memref_squeeze %dma_wait3A_473 : memref<1x25x80xi32, #tpu.memory_space<vmem>> -> memref<25x80xi32, #tpu.memory_space<vmem>>
      %dma_wait3A_475 = arith.constant 0 : i32
      %dma_wait3A_476 = tpu.memref_slice %dma_wait3A_474[%dma_wait3A_470, %dma_wait3A_475] : memref<25x80xi32, #tpu.memory_space<vmem>> -> memref<1x80xi32, #tpu.memory_space<vmem>>
      %dma_wait3A_477 = tpu.memref_squeeze %dma_wait3A_476 : memref<1x80xi32, #tpu.memory_space<vmem>> -> memref<80xi32, #tpu.memory_space<vmem>>
      %dma_wait3A_478 = arith.constant 0 : i32
      %dma_wait3A_479 = arith.constant 0 : i32
      %dma_wait3A_480 = tpu.memref_slice %arg10[%dma_wait3A_478, %dma_wait3A_479] : memref<10000x128xf32, #tpu.memory_space<vmem_shared>> -> memref<10000x128xf32, #tpu.memory_space<vmem_shared>>
      tpu.wait_indirect_dma semaphore(%arg12 : memref<!tpu.dma_semaphore, #tpu.memory_space<semaphore_mem>>) src(%arg8 : memref<80x128xf32, #tpu.memory_space<vmem>>) dst(%dma_wait3A_480 : memref<10000x128xf32, #tpu.memory_space<vmem_shared>>)
      %dma_start3A_481 = arith.constant 10 : i32
      %dma_start3A_482 = arith.constant 0 : i32
      %dma_start3A_483 = arith.constant 0 : i32
      %dma_start3A_484 = tpu.memref_slice %arg5[%select_n3A_70, %dma_start3A_482, %dma_start3A_483] : memref<2x25x80xi32, #tpu.memory_space<vmem>> -> memref<1x25x80xi32, #tpu.memory_space<vmem>>
      %dma_start3A_485 = tpu.memref_squeeze %dma_start3A_484 : memref<1x25x80xi32, #tpu.memory_space<vmem>> -> memref<25x80xi32, #tpu.memory_space<vmem>>
      %dma_start3A_486 = arith.constant 0 : i32
      %dma_start3A_487 = tpu.memref_slice %dma_start3A_485[%dma_start3A_481, %dma_start3A_486] : memref<25x80xi32, #tpu.memory_space<vmem>> -> memref<1x80xi32, #tpu.memory_space<vmem>>
      %dma_start3A_488 = tpu.memref_squeeze %dma_start3A_487 : memref<1x80xi32, #tpu.memory_space<vmem>> -> memref<80xi32, #tpu.memory_space<vmem>>
      %dma_start3A_489 = arith.constant 0 : i32
      %dma_start3A_490 = arith.constant 0 : i32
      %dma_start3A_491 = tpu.memref_slice %arg2[%dma_start3A_489, %dma_start3A_490] : memref<10000x128xf32, #tpu.memory_space<hbm>> -> memref<10000x128xf32, #tpu.memory_space<hbm>>
      tpu.enqueue_indirect_dma source(%dma_start3A_491 : memref<10000x128xf32, #tpu.memory_space<hbm>>) target(%arg8 : memref<80x128xf32, #tpu.memory_space<vmem>>) offsets(%dma_start3A_488 : memref<80xi32, #tpu.memory_space<vmem>>) semaphore(%arg12 : memref<!tpu.dma_semaphore, #tpu.memory_space<semaphore_mem>>)
      %dma_wait3A_492 = arith.constant 9 : i32
      %dma_wait3A_493 = arith.constant 0 : i32
      %dma_wait3A_494 = arith.constant 0 : i32
      %dma_wait3A_495 = tpu.memref_slice %arg5[%select_n3A_70, %dma_wait3A_493, %dma_wait3A_494] : memref<2x25x80xi32, #tpu.memory_space<vmem>> -> memref<1x25x80xi32, #tpu.memory_space<vmem>>
      %dma_wait3A_496 = tpu.memref_squeeze %dma_wait3A_495 : memref<1x25x80xi32, #tpu.memory_space<vmem>> -> memref<25x80xi32, #tpu.memory_space<vmem>>
      %dma_wait3A_497 = arith.constant 0 : i32
      %dma_wait3A_498 = tpu.memref_slice %dma_wait3A_496[%dma_wait3A_492, %dma_wait3A_497] : memref<25x80xi32, #tpu.memory_space<vmem>> -> memref<1x80xi32, #tpu.memory_space<vmem>>
      %dma_wait3A_499 = tpu.memref_squeeze %dma_wait3A_498 : memref<1x80xi32, #tpu.memory_space<vmem>> -> memref<80xi32, #tpu.memory_space<vmem>>
      %dma_wait3A_500 = arith.constant 0 : i32
      %dma_wait3A_501 = arith.constant 0 : i32
      %dma_wait3A_502 = tpu.memref_slice %arg2[%dma_wait3A_500, %dma_wait3A_501] : memref<10000x128xf32, #tpu.memory_space<hbm>> -> memref<10000x128xf32, #tpu.memory_space<hbm>>
      tpu.wait_indirect_dma semaphore(%arg11 : memref<!tpu.dma_semaphore, #tpu.memory_space<semaphore_mem>>) src(%dma_wait3A_502 : memref<10000x128xf32, #tpu.memory_space<hbm>>) dst(%arg7 : memref<80x128xf32, #tpu.memory_space<vmem>>)
      %dma_start3A_503 = arith.constant 9 : i32
      %dma_start3A_504 = arith.constant 0 : i32
      %dma_start3A_505 = arith.constant 0 : i32
      %dma_start3A_506 = tpu.memref_slice %arg6[%select_n3A_70, %dma_start3A_504, %dma_start3A_505] : memref<2x25x80xi32, #tpu.memory_space<vmem>> -> memref<1x25x80xi32, #tpu.memory_space<vmem>>
      %dma_start3A_507 = tpu.memref_squeeze %dma_start3A_506 : memref<1x25x80xi32, #tpu.memory_space<vmem>> -> memref<25x80xi32, #tpu.memory_space<vmem>>
      %dma_start3A_508 = arith.constant 0 : i32
      %dma_start3A_509 = tpu.memref_slice %dma_start3A_507[%dma_start3A_503, %dma_start3A_508] : memref<25x80xi32, #tpu.memory_space<vmem>> -> memref<1x80xi32, #tpu.memory_space<vmem>>
      %dma_start3A_510 = tpu.memref_squeeze %dma_start3A_509 : memref<1x80xi32, #tpu.memory_space<vmem>> -> memref<80xi32, #tpu.memory_space<vmem>>
      %dma_start3A_511 = arith.constant 0 : i32
      %dma_start3A_512 = arith.constant 0 : i32
      %dma_start3A_513 = tpu.memref_slice %arg10[%dma_start3A_511, %dma_start3A_512] : memref<10000x128xf32, #tpu.memory_space<vmem_shared>> -> memref<10000x128xf32, #tpu.memory_space<vmem_shared>>
      tpu.enqueue_indirect_dma source(%arg7 : memref<80x128xf32, #tpu.memory_space<vmem>>) target(%dma_start3A_513 : memref<10000x128xf32, #tpu.memory_space<vmem_shared>>) offsets(%dma_start3A_510 : memref<80xi32, #tpu.memory_space<vmem>>) semaphore(%arg11 : memref<!tpu.dma_semaphore, #tpu.memory_space<semaphore_mem>>) {add = true}
      %dma_wait3A_514 = arith.constant 8 : i32
      %dma_wait3A_515 = arith.constant 0 : i32
      %dma_wait3A_516 = arith.constant 0 : i32
      %dma_wait3A_517 = tpu.memref_slice %arg6[%select_n3A_70, %dma_wait3A_515, %dma_wait3A_516] : memref<2x25x80xi32, #tpu.memory_space<vmem>> -> memref<1x25x80xi32, #tpu.memory_space<vmem>>
      %dma_wait3A_518 = tpu.memref_squeeze %dma_wait3A_517 : memref<1x25x80xi32, #tpu.memory_space<vmem>> -> memref<25x80xi32, #tpu.memory_space<vmem>>
      %dma_wait3A_519 = arith.constant 0 : i32
      %dma_wait3A_520 = tpu.memref_slice %dma_wait3A_518[%dma_wait3A_514, %dma_wait3A_519] : memref<25x80xi32, #tpu.memory_space<vmem>> -> memref<1x80xi32, #tpu.memory_space<vmem>>
      %dma_wait3A_521 = tpu.memref_squeeze %dma_wait3A_520 : memref<1x80xi32, #tpu.memory_space<vmem>> -> memref<80xi32, #tpu.memory_space<vmem>>
      %dma_wait3A_522 = arith.constant 0 : i32
      %dma_wait3A_523 = arith.constant 0 : i32
      %dma_wait3A_524 = tpu.memref_slice %arg10[%dma_wait3A_522, %dma_wait3A_523] : memref<10000x128xf32, #tpu.memory_space<vmem_shared>> -> memref<10000x128xf32, #tpu.memory_space<vmem_shared>>
      tpu.wait_indirect_dma semaphore(%arg13 : memref<!tpu.dma_semaphore, #tpu.memory_space<semaphore_mem>>) src(%arg9 : memref<80x128xf32, #tpu.memory_space<vmem>>) dst(%dma_wait3A_524 : memref<10000x128xf32, #tpu.memory_space<vmem_shared>>)
      %dma_start3A_525 = arith.constant 11 : i32
      %dma_start3A_526 = arith.constant 0 : i32
      %dma_start3A_527 = arith.constant 0 : i32
      %dma_start3A_528 = tpu.memref_slice %arg5[%select_n3A_70, %dma_start3A_526, %dma_start3A_527] : memref<2x25x80xi32, #tpu.memory_space<vmem>> -> memref<1x25x80xi32, #tpu.memory_space<vmem>>
      %dma_start3A_529 = tpu.memref_squeeze %dma_start3A_528 : memref<1x25x80xi32, #tpu.memory_space<vmem>> -> memref<25x80xi32, #tpu.memory_space<vmem>>
      %dma_start3A_530 = arith.constant 0 : i32
      %dma_start3A_531 = tpu.memref_slice %dma_start3A_529[%dma_start3A_525, %dma_start3A_530] : memref<25x80xi32, #tpu.memory_space<vmem>> -> memref<1x80xi32, #tpu.memory_space<vmem>>
      %dma_start3A_532 = tpu.memref_squeeze %dma_start3A_531 : memref<1x80xi32, #tpu.memory_space<vmem>> -> memref<80xi32, #tpu.memory_space<vmem>>
      %dma_start3A_533 = arith.constant 0 : i32
      %dma_start3A_534 = arith.constant 0 : i32
      %dma_start3A_535 = tpu.memref_slice %arg2[%dma_start3A_533, %dma_start3A_534] : memref<10000x128xf32, #tpu.memory_space<hbm>> -> memref<10000x128xf32, #tpu.memory_space<hbm>>
      tpu.enqueue_indirect_dma source(%dma_start3A_535 : memref<10000x128xf32, #tpu.memory_space<hbm>>) target(%arg9 : memref<80x128xf32, #tpu.memory_space<vmem>>) offsets(%dma_start3A_532 : memref<80xi32, #tpu.memory_space<vmem>>) semaphore(%arg13 : memref<!tpu.dma_semaphore, #tpu.memory_space<semaphore_mem>>)
      %dma_wait3A_536 = arith.constant 10 : i32
      %dma_wait3A_537 = arith.constant 0 : i32
      %dma_wait3A_538 = arith.constant 0 : i32
      %dma_wait3A_539 = tpu.memref_slice %arg5[%select_n3A_70, %dma_wait3A_537, %dma_wait3A_538] : memref<2x25x80xi32, #tpu.memory_space<vmem>> -> memref<1x25x80xi32, #tpu.memory_space<vmem>>
      %dma_wait3A_540 = tpu.memref_squeeze %dma_wait3A_539 : memref<1x25x80xi32, #tpu.memory_space<vmem>> -> memref<25x80xi32, #tpu.memory_space<vmem>>
      %dma_wait3A_541 = arith.constant 0 : i32
      %dma_wait3A_542 = tpu.memref_slice %dma_wait3A_540[%dma_wait3A_536, %dma_wait3A_541] : memref<25x80xi32, #tpu.memory_space<vmem>> -> memref<1x80xi32, #tpu.memory_space<vmem>>
      %dma_wait3A_543 = tpu.memref_squeeze %dma_wait3A_542 : memref<1x80xi32, #tpu.memory_space<vmem>> -> memref<80xi32, #tpu.memory_space<vmem>>
      %dma_wait3A_544 = arith.constant 0 : i32
      %dma_wait3A_545 = arith.constant 0 : i32
      %dma_wait3A_546 = tpu.memref_slice %arg2[%dma_wait3A_544, %dma_wait3A_545] : memref<10000x128xf32, #tpu.memory_space<hbm>> -> memref<10000x128xf32, #tpu.memory_space<hbm>>
      tpu.wait_indirect_dma semaphore(%arg12 : memref<!tpu.dma_semaphore, #tpu.memory_space<semaphore_mem>>) src(%dma_wait3A_546 : memref<10000x128xf32, #tpu.memory_space<hbm>>) dst(%arg8 : memref<80x128xf32, #tpu.memory_space<vmem>>)
      %dma_start3A_547 = arith.constant 10 : i32
      %dma_start3A_548 = arith.constant 0 : i32
      %dma_start3A_549 = arith.constant 0 : i32
      %dma_start3A_550 = tpu.memref_slice %arg6[%select_n3A_70, %dma_start3A_548, %dma_start3A_549] : memref<2x25x80xi32, #tpu.memory_space<vmem>> -> memref<1x25x80xi32, #tpu.memory_space<vmem>>
      %dma_start3A_551 = tpu.memref_squeeze %dma_start3A_550 : memref<1x25x80xi32, #tpu.memory_space<vmem>> -> memref<25x80xi32, #tpu.memory_space<vmem>>
      %dma_start3A_552 = arith.constant 0 : i32
      %dma_start3A_553 = tpu.memref_slice %dma_start3A_551[%dma_start3A_547, %dma_start3A_552] : memref<25x80xi32, #tpu.memory_space<vmem>> -> memref<1x80xi32, #tpu.memory_space<vmem>>
      %dma_start3A_554 = tpu.memref_squeeze %dma_start3A_553 : memref<1x80xi32, #tpu.memory_space<vmem>> -> memref<80xi32, #tpu.memory_space<vmem>>
      %dma_start3A_555 = arith.constant 0 : i32
      %dma_start3A_556 = arith.constant 0 : i32
      %dma_start3A_557 = tpu.memref_slice %arg10[%dma_start3A_555, %dma_start3A_556] : memref<10000x128xf32, #tpu.memory_space<vmem_shared>> -> memref<10000x128xf32, #tpu.memory_space<vmem_shared>>
      tpu.enqueue_indirect_dma source(%arg8 : memref<80x128xf32, #tpu.memory_space<vmem>>) target(%dma_start3A_557 : memref<10000x128xf32, #tpu.memory_space<vmem_shared>>) offsets(%dma_start3A_554 : memref<80xi32, #tpu.memory_space<vmem>>) semaphore(%arg12 : memref<!tpu.dma_semaphore, #tpu.memory_space<semaphore_mem>>) {add = true}
      %dma_wait3A_558 = arith.constant 9 : i32
      %dma_wait3A_559 = arith.constant 0 : i32
      %dma_wait3A_560 = arith.constant 0 : i32
      %dma_wait3A_561 = tpu.memref_slice %arg6[%select_n3A_70, %dma_wait3A_559, %dma_wait3A_560] : memref<2x25x80xi32, #tpu.memory_space<vmem>> -> memref<1x25x80xi32, #tpu.memory_space<vmem>>
      %dma_wait3A_562 = tpu.memref_squeeze %dma_wait3A_561 : memref<1x25x80xi32, #tpu.memory_space<vmem>> -> memref<25x80xi32, #tpu.memory_space<vmem>>
      %dma_wait3A_563 = arith.constant 0 : i32
      %dma_wait3A_564 = tpu.memref_slice %dma_wait3A_562[%dma_wait3A_558, %dma_wait3A_563] : memref<25x80xi32, #tpu.memory_space<vmem>> -> memref<1x80xi32, #tpu.memory_space<vmem>>
      %dma_wait3A_565 = tpu.memref_squeeze %dma_wait3A_564 : memref<1x80xi32, #tpu.memory_space<vmem>> -> memref<80xi32, #tpu.memory_space<vmem>>
      %dma_wait3A_566 = arith.constant 0 : i32
      %dma_wait3A_567 = arith.constant 0 : i32
      %dma_wait3A_568 = tpu.memref_slice %arg10[%dma_wait3A_566, %dma_wait3A_567] : memref<10000x128xf32, #tpu.memory_space<vmem_shared>> -> memref<10000x128xf32, #tpu.memory_space<vmem_shared>>
      tpu.wait_indirect_dma semaphore(%arg11 : memref<!tpu.dma_semaphore, #tpu.memory_space<semaphore_mem>>) src(%arg7 : memref<80x128xf32, #tpu.memory_space<vmem>>) dst(%dma_wait3A_568 : memref<10000x128xf32, #tpu.memory_space<vmem_shared>>)
      %dma_start3A_569 = arith.constant 12 : i32
      %dma_start3A_570 = arith.constant 0 : i32
      %dma_start3A_571 = arith.constant 0 : i32
      %dma_start3A_572 = tpu.memref_slice %arg5[%select_n3A_70, %dma_start3A_570, %dma_start3A_571] : memref<2x25x80xi32, #tpu.memory_space<vmem>> -> memref<1x25x80xi32, #tpu.memory_space<vmem>>
      %dma_start3A_573 = tpu.memref_squeeze %dma_start3A_572 : memref<1x25x80xi32, #tpu.memory_space<vmem>> -> memref<25x80xi32, #tpu.memory_space<vmem>>
      %dma_start3A_574 = arith.constant 0 : i32
      %dma_start3A_575 = tpu.memref_slice %dma_start3A_573[%dma_start3A_569, %dma_start3A_574] : memref<25x80xi32, #tpu.memory_space<vmem>> -> memref<1x80xi32, #tpu.memory_space<vmem>>
      %dma_start3A_576 = tpu.memref_squeeze %dma_start3A_575 : memref<1x80xi32, #tpu.memory_space<vmem>> -> memref<80xi32, #tpu.memory_space<vmem>>
      %dma_start3A_577 = arith.constant 0 : i32
      %dma_start3A_578 = arith.constant 0 : i32
      %dma_start3A_579 = tpu.memref_slice %arg2[%dma_start3A_577, %dma_start3A_578] : memref<10000x128xf32, #tpu.memory_space<hbm>> -> memref<10000x128xf32, #tpu.memory_space<hbm>>
      tpu.enqueue_indirect_dma source(%dma_start3A_579 : memref<10000x128xf32, #tpu.memory_space<hbm>>) target(%arg7 : memref<80x128xf32, #tpu.memory_space<vmem>>) offsets(%dma_start3A_576 : memref<80xi32, #tpu.memory_space<vmem>>) semaphore(%arg11 : memref<!tpu.dma_semaphore, #tpu.memory_space<semaphore_mem>>)
      %dma_wait3A_580 = arith.constant 11 : i32
      %dma_wait3A_581 = arith.constant 0 : i32
      %dma_wait3A_582 = arith.constant 0 : i32
      %dma_wait3A_583 = tpu.memref_slice %arg5[%select_n3A_70, %dma_wait3A_581, %dma_wait3A_582] : memref<2x25x80xi32, #tpu.memory_space<vmem>> -> memref<1x25x80xi32, #tpu.memory_space<vmem>>
      %dma_wait3A_584 = tpu.memref_squeeze %dma_wait3A_583 : memref<1x25x80xi32, #tpu.memory_space<vmem>> -> memref<25x80xi32, #tpu.memory_space<vmem>>
      %dma_wait3A_585 = arith.constant 0 : i32
      %dma_wait3A_586 = tpu.memref_slice %dma_wait3A_584[%dma_wait3A_580, %dma_wait3A_585] : memref<25x80xi32, #tpu.memory_space<vmem>> -> memref<1x80xi32, #tpu.memory_space<vmem>>
      %dma_wait3A_587 = tpu.memref_squeeze %dma_wait3A_586 : memref<1x80xi32, #tpu.memory_space<vmem>> -> memref<80xi32, #tpu.memory_space<vmem>>
      %dma_wait3A_588 = arith.constant 0 : i32
      %dma_wait3A_589 = arith.constant 0 : i32
      %dma_wait3A_590 = tpu.memref_slice %arg2[%dma_wait3A_588, %dma_wait3A_589] : memref<10000x128xf32, #tpu.memory_space<hbm>> -> memref<10000x128xf32, #tpu.memory_space<hbm>>
      tpu.wait_indirect_dma semaphore(%arg13 : memref<!tpu.dma_semaphore, #tpu.memory_space<semaphore_mem>>) src(%dma_wait3A_590 : memref<10000x128xf32, #tpu.memory_space<hbm>>) dst(%arg9 : memref<80x128xf32, #tpu.memory_space<vmem>>)
      %dma_start3A_591 = arith.constant 11 : i32
      %dma_start3A_592 = arith.constant 0 : i32
      %dma_start3A_593 = arith.constant 0 : i32
      %dma_start3A_594 = tpu.memref_slice %arg6[%select_n3A_70, %dma_start3A_592, %dma_start3A_593] : memref<2x25x80xi32, #tpu.memory_space<vmem>> -> memref<1x25x80xi32, #tpu.memory_space<vmem>>
      %dma_start3A_595 = tpu.memref_squeeze %dma_start3A_594 : memref<1x25x80xi32, #tpu.memory_space<vmem>> -> memref<25x80xi32, #tpu.memory_space<vmem>>
      %dma_start3A_596 = arith.constant 0 : i32
      %dma_start3A_597 = tpu.memref_slice %dma_start3A_595[%dma_start3A_591, %dma_start3A_596] : memref<25x80xi32, #tpu.memory_space<vmem>> -> memref<1x80xi32, #tpu.memory_space<vmem>>
      %dma_start3A_598 = tpu.memref_squeeze %dma_start3A_597 : memref<1x80xi32, #tpu.memory_space<vmem>> -> memref<80xi32, #tpu.memory_space<vmem>>
      %dma_start3A_599 = arith.constant 0 : i32
      %dma_start3A_600 = arith.constant 0 : i32
      %dma_start3A_601 = tpu.memref_slice %arg10[%dma_start3A_599, %dma_start3A_600] : memref<10000x128xf32, #tpu.memory_space<vmem_shared>> -> memref<10000x128xf32, #tpu.memory_space<vmem_shared>>
      tpu.enqueue_indirect_dma source(%arg9 : memref<80x128xf32, #tpu.memory_space<vmem>>) target(%dma_start3A_601 : memref<10000x128xf32, #tpu.memory_space<vmem_shared>>) offsets(%dma_start3A_598 : memref<80xi32, #tpu.memory_space<vmem>>) semaphore(%arg13 : memref<!tpu.dma_semaphore, #tpu.memory_space<semaphore_mem>>) {add = true}
      %dma_wait3A_602 = arith.constant 10 : i32
      %dma_wait3A_603 = arith.constant 0 : i32
      %dma_wait3A_604 = arith.constant 0 : i32
      %dma_wait3A_605 = tpu.memref_slice %arg6[%select_n3A_70, %dma_wait3A_603, %dma_wait3A_604] : memref<2x25x80xi32, #tpu.memory_space<vmem>> -> memref<1x25x80xi32, #tpu.memory_space<vmem>>
      %dma_wait3A_606 = tpu.memref_squeeze %dma_wait3A_605 : memref<1x25x80xi32, #tpu.memory_space<vmem>> -> memref<25x80xi32, #tpu.memory_space<vmem>>
      %dma_wait3A_607 = arith.constant 0 : i32
      %dma_wait3A_608 = tpu.memref_slice %dma_wait3A_606[%dma_wait3A_602, %dma_wait3A_607] : memref<25x80xi32, #tpu.memory_space<vmem>> -> memref<1x80xi32, #tpu.memory_space<vmem>>
      %dma_wait3A_609 = tpu.memref_squeeze %dma_wait3A_608 : memref<1x80xi32, #tpu.memory_space<vmem>> -> memref<80xi32, #tpu.memory_space<vmem>>
      %dma_wait3A_610 = arith.constant 0 : i32
      %dma_wait3A_611 = arith.constant 0 : i32
      %dma_wait3A_612 = tpu.memref_slice %arg10[%dma_wait3A_610, %dma_wait3A_611] : memref<10000x128xf32, #tpu.memory_space<vmem_shared>> -> memref<10000x128xf32, #tpu.memory_space<vmem_shared>>
      tpu.wait_indirect_dma semaphore(%arg12 : memref<!tpu.dma_semaphore, #tpu.memory_space<semaphore_mem>>) src(%arg8 : memref<80x128xf32, #tpu.memory_space<vmem>>) dst(%dma_wait3A_612 : memref<10000x128xf32, #tpu.memory_space<vmem_shared>>)
      %dma_start3A_613 = arith.constant 13 : i32
      %dma_start3A_614 = arith.constant 0 : i32
      %dma_start3A_615 = arith.constant 0 : i32
      %dma_start3A_616 = tpu.memref_slice %arg5[%select_n3A_70, %dma_start3A_614, %dma_start3A_615] : memref<2x25x80xi32, #tpu.memory_space<vmem>> -> memref<1x25x80xi32, #tpu.memory_space<vmem>>
      %dma_start3A_617 = tpu.memref_squeeze %dma_start3A_616 : memref<1x25x80xi32, #tpu.memory_space<vmem>> -> memref<25x80xi32, #tpu.memory_space<vmem>>
      %dma_start3A_618 = arith.constant 0 : i32
      %dma_start3A_619 = tpu.memref_slice %dma_start3A_617[%dma_start3A_613, %dma_start3A_618] : memref<25x80xi32, #tpu.memory_space<vmem>> -> memref<1x80xi32, #tpu.memory_space<vmem>>
      %dma_start3A_620 = tpu.memref_squeeze %dma_start3A_619 : memref<1x80xi32, #tpu.memory_space<vmem>> -> memref<80xi32, #tpu.memory_space<vmem>>
      %dma_start3A_621 = arith.constant 0 : i32
      %dma_start3A_622 = arith.constant 0 : i32
      %dma_start3A_623 = tpu.memref_slice %arg2[%dma_start3A_621, %dma_start3A_622] : memref<10000x128xf32, #tpu.memory_space<hbm>> -> memref<10000x128xf32, #tpu.memory_space<hbm>>
      tpu.enqueue_indirect_dma source(%dma_start3A_623 : memref<10000x128xf32, #tpu.memory_space<hbm>>) target(%arg8 : memref<80x128xf32, #tpu.memory_space<vmem>>) offsets(%dma_start3A_620 : memref<80xi32, #tpu.memory_space<vmem>>) semaphore(%arg12 : memref<!tpu.dma_semaphore, #tpu.memory_space<semaphore_mem>>)
      %dma_wait3A_624 = arith.constant 12 : i32
      %dma_wait3A_625 = arith.constant 0 : i32
      %dma_wait3A_626 = arith.constant 0 : i32
      %dma_wait3A_627 = tpu.memref_slice %arg5[%select_n3A_70, %dma_wait3A_625, %dma_wait3A_626] : memref<2x25x80xi32, #tpu.memory_space<vmem>> -> memref<1x25x80xi32, #tpu.memory_space<vmem>>
      %dma_wait3A_628 = tpu.memref_squeeze %dma_wait3A_627 : memref<1x25x80xi32, #tpu.memory_space<vmem>> -> memref<25x80xi32, #tpu.memory_space<vmem>>
      %dma_wait3A_629 = arith.constant 0 : i32
      %dma_wait3A_630 = tpu.memref_slice %dma_wait3A_628[%dma_wait3A_624, %dma_wait3A_629] : memref<25x80xi32, #tpu.memory_space<vmem>> -> memref<1x80xi32, #tpu.memory_space<vmem>>
      %dma_wait3A_631 = tpu.memref_squeeze %dma_wait3A_630 : memref<1x80xi32, #tpu.memory_space<vmem>> -> memref<80xi32, #tpu.memory_space<vmem>>
      %dma_wait3A_632 = arith.constant 0 : i32
      %dma_wait3A_633 = arith.constant 0 : i32
      %dma_wait3A_634 = tpu.memref_slice %arg2[%dma_wait3A_632, %dma_wait3A_633] : memref<10000x128xf32, #tpu.memory_space<hbm>> -> memref<10000x128xf32, #tpu.memory_space<hbm>>
      tpu.wait_indirect_dma semaphore(%arg11 : memref<!tpu.dma_semaphore, #tpu.memory_space<semaphore_mem>>) src(%dma_wait3A_634 : memref<10000x128xf32, #tpu.memory_space<hbm>>) dst(%arg7 : memref<80x128xf32, #tpu.memory_space<vmem>>)
      %dma_start3A_635 = arith.constant 12 : i32
      %dma_start3A_636 = arith.constant 0 : i32
      %dma_start3A_637 = arith.constant 0 : i32
      %dma_start3A_638 = tpu.memref_slice %arg6[%select_n3A_70, %dma_start3A_636, %dma_start3A_637] : memref<2x25x80xi32, #tpu.memory_space<vmem>> -> memref<1x25x80xi32, #tpu.memory_space<vmem>>
      %dma_start3A_639 = tpu.memref_squeeze %dma_start3A_638 : memref<1x25x80xi32, #tpu.memory_space<vmem>> -> memref<25x80xi32, #tpu.memory_space<vmem>>
      %dma_start3A_640 = arith.constant 0 : i32
      %dma_start3A_641 = tpu.memref_slice %dma_start3A_639[%dma_start3A_635, %dma_start3A_640] : memref<25x80xi32, #tpu.memory_space<vmem>> -> memref<1x80xi32, #tpu.memory_space<vmem>>
      %dma_start3A_642 = tpu.memref_squeeze %dma_start3A_641 : memref<1x80xi32, #tpu.memory_space<vmem>> -> memref<80xi32, #tpu.memory_space<vmem>>
      %dma_start3A_643 = arith.constant 0 : i32
      %dma_start3A_644 = arith.constant 0 : i32
      %dma_start3A_645 = tpu.memref_slice %arg10[%dma_start3A_643, %dma_start3A_644] : memref<10000x128xf32, #tpu.memory_space<vmem_shared>> -> memref<10000x128xf32, #tpu.memory_space<vmem_shared>>
      tpu.enqueue_indirect_dma source(%arg7 : memref<80x128xf32, #tpu.memory_space<vmem>>) target(%dma_start3A_645 : memref<10000x128xf32, #tpu.memory_space<vmem_shared>>) offsets(%dma_start3A_642 : memref<80xi32, #tpu.memory_space<vmem>>) semaphore(%arg11 : memref<!tpu.dma_semaphore, #tpu.memory_space<semaphore_mem>>) {add = true}
      %dma_wait3A_646 = arith.constant 11 : i32
      %dma_wait3A_647 = arith.constant 0 : i32
      %dma_wait3A_648 = arith.constant 0 : i32
      %dma_wait3A_649 = tpu.memref_slice %arg6[%select_n3A_70, %dma_wait3A_647, %dma_wait3A_648] : memref<2x25x80xi32, #tpu.memory_space<vmem>> -> memref<1x25x80xi32, #tpu.memory_space<vmem>>
      %dma_wait3A_650 = tpu.memref_squeeze %dma_wait3A_649 : memref<1x25x80xi32, #tpu.memory_space<vmem>> -> memref<25x80xi32, #tpu.memory_space<vmem>>
      %dma_wait3A_651 = arith.constant 0 : i32
      %dma_wait3A_652 = tpu.memref_slice %dma_wait3A_650[%dma_wait3A_646, %dma_wait3A_651] : memref<25x80xi32, #tpu.memory_space<vmem>> -> memref<1x80xi32, #tpu.memory_space<vmem>>
      %dma_wait3A_653 = tpu.memref_squeeze %dma_wait3A_652 : memref<1x80xi32, #tpu.memory_space<vmem>> -> memref<80xi32, #tpu.memory_space<vmem>>
      %dma_wait3A_654 = arith.constant 0 : i32
      %dma_wait3A_655 = arith.constant 0 : i32
      %dma_wait3A_656 = tpu.memref_slice %arg10[%dma_wait3A_654, %dma_wait3A_655] : memref<10000x128xf32, #tpu.memory_space<vmem_shared>> -> memref<10000x128xf32, #tpu.memory_space<vmem_shared>>
      tpu.wait_indirect_dma semaphore(%arg13 : memref<!tpu.dma_semaphore, #tpu.memory_space<semaphore_mem>>) src(%arg9 : memref<80x128xf32, #tpu.memory_space<vmem>>) dst(%dma_wait3A_656 : memref<10000x128xf32, #tpu.memory_space<vmem_shared>>)
      %dma_start3A_657 = arith.constant 14 : i32
      %dma_start3A_658 = arith.constant 0 : i32
      %dma_start3A_659 = arith.constant 0 : i32
      %dma_start3A_660 = tpu.memref_slice %arg5[%select_n3A_70, %dma_start3A_658, %dma_start3A_659] : memref<2x25x80xi32, #tpu.memory_space<vmem>> -> memref<1x25x80xi32, #tpu.memory_space<vmem>>
      %dma_start3A_661 = tpu.memref_squeeze %dma_start3A_660 : memref<1x25x80xi32, #tpu.memory_space<vmem>> -> memref<25x80xi32, #tpu.memory_space<vmem>>
      %dma_start3A_662 = arith.constant 0 : i32
      %dma_start3A_663 = tpu.memref_slice %dma_start3A_661[%dma_start3A_657, %dma_start3A_662] : memref<25x80xi32, #tpu.memory_space<vmem>> -> memref<1x80xi32, #tpu.memory_space<vmem>>
      %dma_start3A_664 = tpu.memref_squeeze %dma_start3A_663 : memref<1x80xi32, #tpu.memory_space<vmem>> -> memref<80xi32, #tpu.memory_space<vmem>>
      %dma_start3A_665 = arith.constant 0 : i32
      %dma_start3A_666 = arith.constant 0 : i32
      %dma_start3A_667 = tpu.memref_slice %arg2[%dma_start3A_665, %dma_start3A_666] : memref<10000x128xf32, #tpu.memory_space<hbm>> -> memref<10000x128xf32, #tpu.memory_space<hbm>>
      tpu.enqueue_indirect_dma source(%dma_start3A_667 : memref<10000x128xf32, #tpu.memory_space<hbm>>) target(%arg9 : memref<80x128xf32, #tpu.memory_space<vmem>>) offsets(%dma_start3A_664 : memref<80xi32, #tpu.memory_space<vmem>>) semaphore(%arg13 : memref<!tpu.dma_semaphore, #tpu.memory_space<semaphore_mem>>)
      %dma_wait3A_668 = arith.constant 13 : i32
      %dma_wait3A_669 = arith.constant 0 : i32
      %dma_wait3A_670 = arith.constant 0 : i32
      %dma_wait3A_671 = tpu.memref_slice %arg5[%select_n3A_70, %dma_wait3A_669, %dma_wait3A_670] : memref<2x25x80xi32, #tpu.memory_space<vmem>> -> memref<1x25x80xi32, #tpu.memory_space<vmem>>
      %dma_wait3A_672 = tpu.memref_squeeze %dma_wait3A_671 : memref<1x25x80xi32, #tpu.memory_space<vmem>> -> memref<25x80xi32, #tpu.memory_space<vmem>>
      %dma_wait3A_673 = arith.constant 0 : i32
      %dma_wait3A_674 = tpu.memref_slice %dma_wait3A_672[%dma_wait3A_668, %dma_wait3A_673] : memref<25x80xi32, #tpu.memory_space<vmem>> -> memref<1x80xi32, #tpu.memory_space<vmem>>
      %dma_wait3A_675 = tpu.memref_squeeze %dma_wait3A_674 : memref<1x80xi32, #tpu.memory_space<vmem>> -> memref<80xi32, #tpu.memory_space<vmem>>
      %dma_wait3A_676 = arith.constant 0 : i32
      %dma_wait3A_677 = arith.constant 0 : i32
      %dma_wait3A_678 = tpu.memref_slice %arg2[%dma_wait3A_676, %dma_wait3A_677] : memref<10000x128xf32, #tpu.memory_space<hbm>> -> memref<10000x128xf32, #tpu.memory_space<hbm>>
      tpu.wait_indirect_dma semaphore(%arg12 : memref<!tpu.dma_semaphore, #tpu.memory_space<semaphore_mem>>) src(%dma_wait3A_678 : memref<10000x128xf32, #tpu.memory_space<hbm>>) dst(%arg8 : memref<80x128xf32, #tpu.memory_space<vmem>>)
      %dma_start3A_679 = arith.constant 13 : i32
      %dma_start3A_680 = arith.constant 0 : i32
      %dma_start3A_681 = arith.constant 0 : i32
      %dma_start3A_682 = tpu.memref_slice %arg6[%select_n3A_70, %dma_start3A_680, %dma_start3A_681] : memref<2x25x80xi32, #tpu.memory_space<vmem>> -> memref<1x25x80xi32, #tpu.memory_space<vmem>>
      %dma_start3A_683 = tpu.memref_squeeze %dma_start3A_682 : memref<1x25x80xi32, #tpu.memory_space<vmem>> -> memref<25x80xi32, #tpu.memory_space<vmem>>
      %dma_start3A_684 = arith.constant 0 : i32
      %dma_start3A_685 = tpu.memref_slice %dma_start3A_683[%dma_start3A_679, %dma_start3A_684] : memref<25x80xi32, #tpu.memory_space<vmem>> -> memref<1x80xi32, #tpu.memory_space<vmem>>
      %dma_start3A_686 = tpu.memref_squeeze %dma_start3A_685 : memref<1x80xi32, #tpu.memory_space<vmem>> -> memref<80xi32, #tpu.memory_space<vmem>>
      %dma_start3A_687 = arith.constant 0 : i32
      %dma_start3A_688 = arith.constant 0 : i32
      %dma_start3A_689 = tpu.memref_slice %arg10[%dma_start3A_687, %dma_start3A_688] : memref<10000x128xf32, #tpu.memory_space<vmem_shared>> -> memref<10000x128xf32, #tpu.memory_space<vmem_shared>>
      tpu.enqueue_indirect_dma source(%arg8 : memref<80x128xf32, #tpu.memory_space<vmem>>) target(%dma_start3A_689 : memref<10000x128xf32, #tpu.memory_space<vmem_shared>>) offsets(%dma_start3A_686 : memref<80xi32, #tpu.memory_space<vmem>>) semaphore(%arg12 : memref<!tpu.dma_semaphore, #tpu.memory_space<semaphore_mem>>) {add = true}
      %dma_wait3A_690 = arith.constant 12 : i32
      %dma_wait3A_691 = arith.constant 0 : i32
      %dma_wait3A_692 = arith.constant 0 : i32
      %dma_wait3A_693 = tpu.memref_slice %arg6[%select_n3A_70, %dma_wait3A_691, %dma_wait3A_692] : memref<2x25x80xi32, #tpu.memory_space<vmem>> -> memref<1x25x80xi32, #tpu.memory_space<vmem>>
      %dma_wait3A_694 = tpu.memref_squeeze %dma_wait3A_693 : memref<1x25x80xi32, #tpu.memory_space<vmem>> -> memref<25x80xi32, #tpu.memory_space<vmem>>
      %dma_wait3A_695 = arith.constant 0 : i32
      %dma_wait3A_696 = tpu.memref_slice %dma_wait3A_694[%dma_wait3A_690, %dma_wait3A_695] : memref<25x80xi32, #tpu.memory_space<vmem>> -> memref<1x80xi32, #tpu.memory_space<vmem>>
      %dma_wait3A_697 = tpu.memref_squeeze %dma_wait3A_696 : memref<1x80xi32, #tpu.memory_space<vmem>> -> memref<80xi32, #tpu.memory_space<vmem>>
      %dma_wait3A_698 = arith.constant 0 : i32
      %dma_wait3A_699 = arith.constant 0 : i32
      %dma_wait3A_700 = tpu.memref_slice %arg10[%dma_wait3A_698, %dma_wait3A_699] : memref<10000x128xf32, #tpu.memory_space<vmem_shared>> -> memref<10000x128xf32, #tpu.memory_space<vmem_shared>>
      tpu.wait_indirect_dma semaphore(%arg11 : memref<!tpu.dma_semaphore, #tpu.memory_space<semaphore_mem>>) src(%arg7 : memref<80x128xf32, #tpu.memory_space<vmem>>) dst(%dma_wait3A_700 : memref<10000x128xf32, #tpu.memory_space<vmem_shared>>)
      %dma_start3A_701 = arith.constant 15 : i32
      %dma_start3A_702 = arith.constant 0 : i32
      %dma_start3A_703 = arith.constant 0 : i32
      %dma_start3A_704 = tpu.memref_slice %arg5[%select_n3A_70, %dma_start3A_702, %dma_start3A_703] : memref<2x25x80xi32, #tpu.memory_space<vmem>> -> memref<1x25x80xi32, #tpu.memory_space<vmem>>
      %dma_start3A_705 = tpu.memref_squeeze %dma_start3A_704 : memref<1x25x80xi32, #tpu.memory_space<vmem>> -> memref<25x80xi32, #tpu.memory_space<vmem>>
      %dma_start3A_706 = arith.constant 0 : i32
      %dma_start3A_707 = tpu.memref_slice %dma_start3A_705[%dma_start3A_701, %dma_start3A_706] : memref<25x80xi32, #tpu.memory_space<vmem>> -> memref<1x80xi32, #tpu.memory_space<vmem>>
      %dma_start3A_708 = tpu.memref_squeeze %dma_start3A_707 : memref<1x80xi32, #tpu.memory_space<vmem>> -> memref<80xi32, #tpu.memory_space<vmem>>
      %dma_start3A_709 = arith.constant 0 : i32
      %dma_start3A_710 = arith.constant 0 : i32
      %dma_start3A_711 = tpu.memref_slice %arg2[%dma_start3A_709, %dma_start3A_710] : memref<10000x128xf32, #tpu.memory_space<hbm>> -> memref<10000x128xf32, #tpu.memory_space<hbm>>
      tpu.enqueue_indirect_dma source(%dma_start3A_711 : memref<10000x128xf32, #tpu.memory_space<hbm>>) target(%arg7 : memref<80x128xf32, #tpu.memory_space<vmem>>) offsets(%dma_start3A_708 : memref<80xi32, #tpu.memory_space<vmem>>) semaphore(%arg11 : memref<!tpu.dma_semaphore, #tpu.memory_space<semaphore_mem>>)
      %dma_wait3A_712 = arith.constant 14 : i32
      %dma_wait3A_713 = arith.constant 0 : i32
      %dma_wait3A_714 = arith.constant 0 : i32
      %dma_wait3A_715 = tpu.memref_slice %arg5[%select_n3A_70, %dma_wait3A_713, %dma_wait3A_714] : memref<2x25x80xi32, #tpu.memory_space<vmem>> -> memref<1x25x80xi32, #tpu.memory_space<vmem>>
      %dma_wait3A_716 = tpu.memref_squeeze %dma_wait3A_715 : memref<1x25x80xi32, #tpu.memory_space<vmem>> -> memref<25x80xi32, #tpu.memory_space<vmem>>
      %dma_wait3A_717 = arith.constant 0 : i32
      %dma_wait3A_718 = tpu.memref_slice %dma_wait3A_716[%dma_wait3A_712, %dma_wait3A_717] : memref<25x80xi32, #tpu.memory_space<vmem>> -> memref<1x80xi32, #tpu.memory_space<vmem>>
      %dma_wait3A_719 = tpu.memref_squeeze %dma_wait3A_718 : memref<1x80xi32, #tpu.memory_space<vmem>> -> memref<80xi32, #tpu.memory_space<vmem>>
      %dma_wait3A_720 = arith.constant 0 : i32
      %dma_wait3A_721 = arith.constant 0 : i32
      %dma_wait3A_722 = tpu.memref_slice %arg2[%dma_wait3A_720, %dma_wait3A_721] : memref<10000x128xf32, #tpu.memory_space<hbm>> -> memref<10000x128xf32, #tpu.memory_space<hbm>>
      tpu.wait_indirect_dma semaphore(%arg13 : memref<!tpu.dma_semaphore, #tpu.memory_space<semaphore_mem>>) src(%dma_wait3A_722 : memref<10000x128xf32, #tpu.memory_space<hbm>>) dst(%arg9 : memref<80x128xf32, #tpu.memory_space<vmem>>)
      %dma_start3A_723 = arith.constant 14 : i32
      %dma_start3A_724 = arith.constant 0 : i32
      %dma_start3A_725 = arith.constant 0 : i32
      %dma_start3A_726 = tpu.memref_slice %arg6[%select_n3A_70, %dma_start3A_724, %dma_start3A_725] : memref<2x25x80xi32, #tpu.memory_space<vmem>> -> memref<1x25x80xi32, #tpu.memory_space<vmem>>
      %dma_start3A_727 = tpu.memref_squeeze %dma_start3A_726 : memref<1x25x80xi32, #tpu.memory_space<vmem>> -> memref<25x80xi32, #tpu.memory_space<vmem>>
      %dma_start3A_728 = arith.constant 0 : i32
      %dma_start3A_729 = tpu.memref_slice %dma_start3A_727[%dma_start3A_723, %dma_start3A_728] : memref<25x80xi32, #tpu.memory_space<vmem>> -> memref<1x80xi32, #tpu.memory_space<vmem>>
      %dma_start3A_730 = tpu.memref_squeeze %dma_start3A_729 : memref<1x80xi32, #tpu.memory_space<vmem>> -> memref<80xi32, #tpu.memory_space<vmem>>
      %dma_start3A_731 = arith.constant 0 : i32
      %dma_start3A_732 = arith.constant 0 : i32
      %dma_start3A_733 = tpu.memref_slice %arg10[%dma_start3A_731, %dma_start3A_732] : memref<10000x128xf32, #tpu.memory_space<vmem_shared>> -> memref<10000x128xf32, #tpu.memory_space<vmem_shared>>
      tpu.enqueue_indirect_dma source(%arg9 : memref<80x128xf32, #tpu.memory_space<vmem>>) target(%dma_start3A_733 : memref<10000x128xf32, #tpu.memory_space<vmem_shared>>) offsets(%dma_start3A_730 : memref<80xi32, #tpu.memory_space<vmem>>) semaphore(%arg13 : memref<!tpu.dma_semaphore, #tpu.memory_space<semaphore_mem>>) {add = true}
      %dma_wait3A_734 = arith.constant 13 : i32
      %dma_wait3A_735 = arith.constant 0 : i32
      %dma_wait3A_736 = arith.constant 0 : i32
      %dma_wait3A_737 = tpu.memref_slice %arg6[%select_n3A_70, %dma_wait3A_735, %dma_wait3A_736] : memref<2x25x80xi32, #tpu.memory_space<vmem>> -> memref<1x25x80xi32, #tpu.memory_space<vmem>>
      %dma_wait3A_738 = tpu.memref_squeeze %dma_wait3A_737 : memref<1x25x80xi32, #tpu.memory_space<vmem>> -> memref<25x80xi32, #tpu.memory_space<vmem>>
      %dma_wait3A_739 = arith.constant 0 : i32
      %dma_wait3A_740 = tpu.memref_slice %dma_wait3A_738[%dma_wait3A_734, %dma_wait3A_739] : memref<25x80xi32, #tpu.memory_space<vmem>> -> memref<1x80xi32, #tpu.memory_space<vmem>>
      %dma_wait3A_741 = tpu.memref_squeeze %dma_wait3A_740 : memref<1x80xi32, #tpu.memory_space<vmem>> -> memref<80xi32, #tpu.memory_space<vmem>>
      %dma_wait3A_742 = arith.constant 0 : i32
      %dma_wait3A_743 = arith.constant 0 : i32
      %dma_wait3A_744 = tpu.memref_slice %arg10[%dma_wait3A_742, %dma_wait3A_743] : memref<10000x128xf32, #tpu.memory_space<vmem_shared>> -> memref<10000x128xf32, #tpu.memory_space<vmem_shared>>
      tpu.wait_indirect_dma semaphore(%arg12 : memref<!tpu.dma_semaphore, #tpu.memory_space<semaphore_mem>>) src(%arg8 : memref<80x128xf32, #tpu.memory_space<vmem>>) dst(%dma_wait3A_744 : memref<10000x128xf32, #tpu.memory_space<vmem_shared>>)
      %dma_start3A_745 = arith.constant 16 : i32
      %dma_start3A_746 = arith.constant 0 : i32
      %dma_start3A_747 = arith.constant 0 : i32
      %dma_start3A_748 = tpu.memref_slice %arg5[%select_n3A_70, %dma_start3A_746, %dma_start3A_747] : memref<2x25x80xi32, #tpu.memory_space<vmem>> -> memref<1x25x80xi32, #tpu.memory_space<vmem>>
      %dma_start3A_749 = tpu.memref_squeeze %dma_start3A_748 : memref<1x25x80xi32, #tpu.memory_space<vmem>> -> memref<25x80xi32, #tpu.memory_space<vmem>>
      %dma_start3A_750 = arith.constant 0 : i32
      %dma_start3A_751 = tpu.memref_slice %dma_start3A_749[%dma_start3A_745, %dma_start3A_750] : memref<25x80xi32, #tpu.memory_space<vmem>> -> memref<1x80xi32, #tpu.memory_space<vmem>>
      %dma_start3A_752 = tpu.memref_squeeze %dma_start3A_751 : memref<1x80xi32, #tpu.memory_space<vmem>> -> memref<80xi32, #tpu.memory_space<vmem>>
      %dma_start3A_753 = arith.constant 0 : i32
      %dma_start3A_754 = arith.constant 0 : i32
      %dma_start3A_755 = tpu.memref_slice %arg2[%dma_start3A_753, %dma_start3A_754] : memref<10000x128xf32, #tpu.memory_space<hbm>> -> memref<10000x128xf32, #tpu.memory_space<hbm>>
      tpu.enqueue_indirect_dma source(%dma_start3A_755 : memref<10000x128xf32, #tpu.memory_space<hbm>>) target(%arg8 : memref<80x128xf32, #tpu.memory_space<vmem>>) offsets(%dma_start3A_752 : memref<80xi32, #tpu.memory_space<vmem>>) semaphore(%arg12 : memref<!tpu.dma_semaphore, #tpu.memory_space<semaphore_mem>>)
      %dma_wait3A_756 = arith.constant 15 : i32
      %dma_wait3A_757 = arith.constant 0 : i32
      %dma_wait3A_758 = arith.constant 0 : i32
      %dma_wait3A_759 = tpu.memref_slice %arg5[%select_n3A_70, %dma_wait3A_757, %dma_wait3A_758] : memref<2x25x80xi32, #tpu.memory_space<vmem>> -> memref<1x25x80xi32, #tpu.memory_space<vmem>>
      %dma_wait3A_760 = tpu.memref_squeeze %dma_wait3A_759 : memref<1x25x80xi32, #tpu.memory_space<vmem>> -> memref<25x80xi32, #tpu.memory_space<vmem>>
      %dma_wait3A_761 = arith.constant 0 : i32
      %dma_wait3A_762 = tpu.memref_slice %dma_wait3A_760[%dma_wait3A_756, %dma_wait3A_761] : memref<25x80xi32, #tpu.memory_space<vmem>> -> memref<1x80xi32, #tpu.memory_space<vmem>>
      %dma_wait3A_763 = tpu.memref_squeeze %dma_wait3A_762 : memref<1x80xi32, #tpu.memory_space<vmem>> -> memref<80xi32, #tpu.memory_space<vmem>>
      %dma_wait3A_764 = arith.constant 0 : i32
      %dma_wait3A_765 = arith.constant 0 : i32
      %dma_wait3A_766 = tpu.memref_slice %arg2[%dma_wait3A_764, %dma_wait3A_765] : memref<10000x128xf32, #tpu.memory_space<hbm>> -> memref<10000x128xf32, #tpu.memory_space<hbm>>
      tpu.wait_indirect_dma semaphore(%arg11 : memref<!tpu.dma_semaphore, #tpu.memory_space<semaphore_mem>>) src(%dma_wait3A_766 : memref<10000x128xf32, #tpu.memory_space<hbm>>) dst(%arg7 : memref<80x128xf32, #tpu.memory_space<vmem>>)
      %dma_start3A_767 = arith.constant 15 : i32
      %dma_start3A_768 = arith.constant 0 : i32
      %dma_start3A_769 = arith.constant 0 : i32
      %dma_start3A_770 = tpu.memref_slice %arg6[%select_n3A_70, %dma_start3A_768, %dma_start3A_769] : memref<2x25x80xi32, #tpu.memory_space<vmem>> -> memref<1x25x80xi32, #tpu.memory_space<vmem>>
      %dma_start3A_771 = tpu.memref_squeeze %dma_start3A_770 : memref<1x25x80xi32, #tpu.memory_space<vmem>> -> memref<25x80xi32, #tpu.memory_space<vmem>>
      %dma_start3A_772 = arith.constant 0 : i32
      %dma_start3A_773 = tpu.memref_slice %dma_start3A_771[%dma_start3A_767, %dma_start3A_772] : memref<25x80xi32, #tpu.memory_space<vmem>> -> memref<1x80xi32, #tpu.memory_space<vmem>>
      %dma_start3A_774 = tpu.memref_squeeze %dma_start3A_773 : memref<1x80xi32, #tpu.memory_space<vmem>> -> memref<80xi32, #tpu.memory_space<vmem>>
      %dma_start3A_775 = arith.constant 0 : i32
      %dma_start3A_776 = arith.constant 0 : i32
      %dma_start3A_777 = tpu.memref_slice %arg10[%dma_start3A_775, %dma_start3A_776] : memref<10000x128xf32, #tpu.memory_space<vmem_shared>> -> memref<10000x128xf32, #tpu.memory_space<vmem_shared>>
      tpu.enqueue_indirect_dma source(%arg7 : memref<80x128xf32, #tpu.memory_space<vmem>>) target(%dma_start3A_777 : memref<10000x128xf32, #tpu.memory_space<vmem_shared>>) offsets(%dma_start3A_774 : memref<80xi32, #tpu.memory_space<vmem>>) semaphore(%arg11 : memref<!tpu.dma_semaphore, #tpu.memory_space<semaphore_mem>>) {add = true}
      %dma_wait3A_778 = arith.constant 14 : i32
      %dma_wait3A_779 = arith.constant 0 : i32
      %dma_wait3A_780 = arith.constant 0 : i32
      %dma_wait3A_781 = tpu.memref_slice %arg6[%select_n3A_70, %dma_wait3A_779, %dma_wait3A_780] : memref<2x25x80xi32, #tpu.memory_space<vmem>> -> memref<1x25x80xi32, #tpu.memory_space<vmem>>
      %dma_wait3A_782 = tpu.memref_squeeze %dma_wait3A_781 : memref<1x25x80xi32, #tpu.memory_space<vmem>> -> memref<25x80xi32, #tpu.memory_space<vmem>>
      %dma_wait3A_783 = arith.constant 0 : i32
      %dma_wait3A_784 = tpu.memref_slice %dma_wait3A_782[%dma_wait3A_778, %dma_wait3A_783] : memref<25x80xi32, #tpu.memory_space<vmem>> -> memref<1x80xi32, #tpu.memory_space<vmem>>
      %dma_wait3A_785 = tpu.memref_squeeze %dma_wait3A_784 : memref<1x80xi32, #tpu.memory_space<vmem>> -> memref<80xi32, #tpu.memory_space<vmem>>
      %dma_wait3A_786 = arith.constant 0 : i32
      %dma_wait3A_787 = arith.constant 0 : i32
      %dma_wait3A_788 = tpu.memref_slice %arg10[%dma_wait3A_786, %dma_wait3A_787] : memref<10000x128xf32, #tpu.memory_space<vmem_shared>> -> memref<10000x128xf32, #tpu.memory_space<vmem_shared>>
      tpu.wait_indirect_dma semaphore(%arg13 : memref<!tpu.dma_semaphore, #tpu.memory_space<semaphore_mem>>) src(%arg9 : memref<80x128xf32, #tpu.memory_space<vmem>>) dst(%dma_wait3A_788 : memref<10000x128xf32, #tpu.memory_space<vmem_shared>>)
      %dma_start3A_789 = arith.constant 17 : i32
      %dma_start3A_790 = arith.constant 0 : i32
      %dma_start3A_791 = arith.constant 0 : i32
      %dma_start3A_792 = tpu.memref_slice %arg5[%select_n3A_70, %dma_start3A_790, %dma_start3A_791] : memref<2x25x80xi32, #tpu.memory_space<vmem>> -> memref<1x25x80xi32, #tpu.memory_space<vmem>>
      %dma_start3A_793 = tpu.memref_squeeze %dma_start3A_792 : memref<1x25x80xi32, #tpu.memory_space<vmem>> -> memref<25x80xi32, #tpu.memory_space<vmem>>
      %dma_start3A_794 = arith.constant 0 : i32
      %dma_start3A_795 = tpu.memref_slice %dma_start3A_793[%dma_start3A_789, %dma_start3A_794] : memref<25x80xi32, #tpu.memory_space<vmem>> -> memref<1x80xi32, #tpu.memory_space<vmem>>
      %dma_start3A_796 = tpu.memref_squeeze %dma_start3A_795 : memref<1x80xi32, #tpu.memory_space<vmem>> -> memref<80xi32, #tpu.memory_space<vmem>>
      %dma_start3A_797 = arith.constant 0 : i32
      %dma_start3A_798 = arith.constant 0 : i32
      %dma_start3A_799 = tpu.memref_slice %arg2[%dma_start3A_797, %dma_start3A_798] : memref<10000x128xf32, #tpu.memory_space<hbm>> -> memref<10000x128xf32, #tpu.memory_space<hbm>>
      tpu.enqueue_indirect_dma source(%dma_start3A_799 : memref<10000x128xf32, #tpu.memory_space<hbm>>) target(%arg9 : memref<80x128xf32, #tpu.memory_space<vmem>>) offsets(%dma_start3A_796 : memref<80xi32, #tpu.memory_space<vmem>>) semaphore(%arg13 : memref<!tpu.dma_semaphore, #tpu.memory_space<semaphore_mem>>)
      %dma_wait3A_800 = arith.constant 16 : i32
      %dma_wait3A_801 = arith.constant 0 : i32
      %dma_wait3A_802 = arith.constant 0 : i32
      %dma_wait3A_803 = tpu.memref_slice %arg5[%select_n3A_70, %dma_wait3A_801, %dma_wait3A_802] : memref<2x25x80xi32, #tpu.memory_space<vmem>> -> memref<1x25x80xi32, #tpu.memory_space<vmem>>
      %dma_wait3A_804 = tpu.memref_squeeze %dma_wait3A_803 : memref<1x25x80xi32, #tpu.memory_space<vmem>> -> memref<25x80xi32, #tpu.memory_space<vmem>>
      %dma_wait3A_805 = arith.constant 0 : i32
      %dma_wait3A_806 = tpu.memref_slice %dma_wait3A_804[%dma_wait3A_800, %dma_wait3A_805] : memref<25x80xi32, #tpu.memory_space<vmem>> -> memref<1x80xi32, #tpu.memory_space<vmem>>
      %dma_wait3A_807 = tpu.memref_squeeze %dma_wait3A_806 : memref<1x80xi32, #tpu.memory_space<vmem>> -> memref<80xi32, #tpu.memory_space<vmem>>
      %dma_wait3A_808 = arith.constant 0 : i32
      %dma_wait3A_809 = arith.constant 0 : i32
      %dma_wait3A_810 = tpu.memref_slice %arg2[%dma_wait3A_808, %dma_wait3A_809] : memref<10000x128xf32, #tpu.memory_space<hbm>> -> memref<10000x128xf32, #tpu.memory_space<hbm>>
      tpu.wait_indirect_dma semaphore(%arg12 : memref<!tpu.dma_semaphore, #tpu.memory_space<semaphore_mem>>) src(%dma_wait3A_810 : memref<10000x128xf32, #tpu.memory_space<hbm>>) dst(%arg8 : memref<80x128xf32, #tpu.memory_space<vmem>>)
      %dma_start3A_811 = arith.constant 16 : i32
      %dma_start3A_812 = arith.constant 0 : i32
      %dma_start3A_813 = arith.constant 0 : i32
      %dma_start3A_814 = tpu.memref_slice %arg6[%select_n3A_70, %dma_start3A_812, %dma_start3A_813] : memref<2x25x80xi32, #tpu.memory_space<vmem>> -> memref<1x25x80xi32, #tpu.memory_space<vmem>>
      %dma_start3A_815 = tpu.memref_squeeze %dma_start3A_814 : memref<1x25x80xi32, #tpu.memory_space<vmem>> -> memref<25x80xi32, #tpu.memory_space<vmem>>
      %dma_start3A_816 = arith.constant 0 : i32
      %dma_start3A_817 = tpu.memref_slice %dma_start3A_815[%dma_start3A_811, %dma_start3A_816] : memref<25x80xi32, #tpu.memory_space<vmem>> -> memref<1x80xi32, #tpu.memory_space<vmem>>
      %dma_start3A_818 = tpu.memref_squeeze %dma_start3A_817 : memref<1x80xi32, #tpu.memory_space<vmem>> -> memref<80xi32, #tpu.memory_space<vmem>>
      %dma_start3A_819 = arith.constant 0 : i32
      %dma_start3A_820 = arith.constant 0 : i32
      %dma_start3A_821 = tpu.memref_slice %arg10[%dma_start3A_819, %dma_start3A_820] : memref<10000x128xf32, #tpu.memory_space<vmem_shared>> -> memref<10000x128xf32, #tpu.memory_space<vmem_shared>>
      tpu.enqueue_indirect_dma source(%arg8 : memref<80x128xf32, #tpu.memory_space<vmem>>) target(%dma_start3A_821 : memref<10000x128xf32, #tpu.memory_space<vmem_shared>>) offsets(%dma_start3A_818 : memref<80xi32, #tpu.memory_space<vmem>>) semaphore(%arg12 : memref<!tpu.dma_semaphore, #tpu.memory_space<semaphore_mem>>) {add = true}
      %dma_wait3A_822 = arith.constant 15 : i32
      %dma_wait3A_823 = arith.constant 0 : i32
      %dma_wait3A_824 = arith.constant 0 : i32
      %dma_wait3A_825 = tpu.memref_slice %arg6[%select_n3A_70, %dma_wait3A_823, %dma_wait3A_824] : memref<2x25x80xi32, #tpu.memory_space<vmem>> -> memref<1x25x80xi32, #tpu.memory_space<vmem>>
      %dma_wait3A_826 = tpu.memref_squeeze %dma_wait3A_825 : memref<1x25x80xi32, #tpu.memory_space<vmem>> -> memref<25x80xi32, #tpu.memory_space<vmem>>
      %dma_wait3A_827 = arith.constant 0 : i32
      %dma_wait3A_828 = tpu.memref_slice %dma_wait3A_826[%dma_wait3A_822, %dma_wait3A_827] : memref<25x80xi32, #tpu.memory_space<vmem>> -> memref<1x80xi32, #tpu.memory_space<vmem>>
      %dma_wait3A_829 = tpu.memref_squeeze %dma_wait3A_828 : memref<1x80xi32, #tpu.memory_space<vmem>> -> memref<80xi32, #tpu.memory_space<vmem>>
      %dma_wait3A_830 = arith.constant 0 : i32
      %dma_wait3A_831 = arith.constant 0 : i32
      %dma_wait3A_832 = tpu.memref_slice %arg10[%dma_wait3A_830, %dma_wait3A_831] : memref<10000x128xf32, #tpu.memory_space<vmem_shared>> -> memref<10000x128xf32, #tpu.memory_space<vmem_shared>>
      tpu.wait_indirect_dma semaphore(%arg11 : memref<!tpu.dma_semaphore, #tpu.memory_space<semaphore_mem>>) src(%arg7 : memref<80x128xf32, #tpu.memory_space<vmem>>) dst(%dma_wait3A_832 : memref<10000x128xf32, #tpu.memory_space<vmem_shared>>)
      %dma_start3A_833 = arith.constant 18 : i32
      %dma_start3A_834 = arith.constant 0 : i32
      %dma_start3A_835 = arith.constant 0 : i32
      %dma_start3A_836 = tpu.memref_slice %arg5[%select_n3A_70, %dma_start3A_834, %dma_start3A_835] : memref<2x25x80xi32, #tpu.memory_space<vmem>> -> memref<1x25x80xi32, #tpu.memory_space<vmem>>
      %dma_start3A_837 = tpu.memref_squeeze %dma_start3A_836 : memref<1x25x80xi32, #tpu.memory_space<vmem>> -> memref<25x80xi32, #tpu.memory_space<vmem>>
      %dma_start3A_838 = arith.constant 0 : i32
      %dma_start3A_839 = tpu.memref_slice %dma_start3A_837[%dma_start3A_833, %dma_start3A_838] : memref<25x80xi32, #tpu.memory_space<vmem>> -> memref<1x80xi32, #tpu.memory_space<vmem>>
      %dma_start3A_840 = tpu.memref_squeeze %dma_start3A_839 : memref<1x80xi32, #tpu.memory_space<vmem>> -> memref<80xi32, #tpu.memory_space<vmem>>
      %dma_start3A_841 = arith.constant 0 : i32
      %dma_start3A_842 = arith.constant 0 : i32
      %dma_start3A_843 = tpu.memref_slice %arg2[%dma_start3A_841, %dma_start3A_842] : memref<10000x128xf32, #tpu.memory_space<hbm>> -> memref<10000x128xf32, #tpu.memory_space<hbm>>
      tpu.enqueue_indirect_dma source(%dma_start3A_843 : memref<10000x128xf32, #tpu.memory_space<hbm>>) target(%arg7 : memref<80x128xf32, #tpu.memory_space<vmem>>) offsets(%dma_start3A_840 : memref<80xi32, #tpu.memory_space<vmem>>) semaphore(%arg11 : memref<!tpu.dma_semaphore, #tpu.memory_space<semaphore_mem>>)
      %dma_wait3A_844 = arith.constant 17 : i32
      %dma_wait3A_845 = arith.constant 0 : i32
      %dma_wait3A_846 = arith.constant 0 : i32
      %dma_wait3A_847 = tpu.memref_slice %arg5[%select_n3A_70, %dma_wait3A_845, %dma_wait3A_846] : memref<2x25x80xi32, #tpu.memory_space<vmem>> -> memref<1x25x80xi32, #tpu.memory_space<vmem>>
      %dma_wait3A_848 = tpu.memref_squeeze %dma_wait3A_847 : memref<1x25x80xi32, #tpu.memory_space<vmem>> -> memref<25x80xi32, #tpu.memory_space<vmem>>
      %dma_wait3A_849 = arith.constant 0 : i32
      %dma_wait3A_850 = tpu.memref_slice %dma_wait3A_848[%dma_wait3A_844, %dma_wait3A_849] : memref<25x80xi32, #tpu.memory_space<vmem>> -> memref<1x80xi32, #tpu.memory_space<vmem>>
      %dma_wait3A_851 = tpu.memref_squeeze %dma_wait3A_850 : memref<1x80xi32, #tpu.memory_space<vmem>> -> memref<80xi32, #tpu.memory_space<vmem>>
      %dma_wait3A_852 = arith.constant 0 : i32
      %dma_wait3A_853 = arith.constant 0 : i32
      %dma_wait3A_854 = tpu.memref_slice %arg2[%dma_wait3A_852, %dma_wait3A_853] : memref<10000x128xf32, #tpu.memory_space<hbm>> -> memref<10000x128xf32, #tpu.memory_space<hbm>>
      tpu.wait_indirect_dma semaphore(%arg13 : memref<!tpu.dma_semaphore, #tpu.memory_space<semaphore_mem>>) src(%dma_wait3A_854 : memref<10000x128xf32, #tpu.memory_space<hbm>>) dst(%arg9 : memref<80x128xf32, #tpu.memory_space<vmem>>)
      %dma_start3A_855 = arith.constant 17 : i32
      %dma_start3A_856 = arith.constant 0 : i32
      %dma_start3A_857 = arith.constant 0 : i32
      %dma_start3A_858 = tpu.memref_slice %arg6[%select_n3A_70, %dma_start3A_856, %dma_start3A_857] : memref<2x25x80xi32, #tpu.memory_space<vmem>> -> memref<1x25x80xi32, #tpu.memory_space<vmem>>
      %dma_start3A_859 = tpu.memref_squeeze %dma_start3A_858 : memref<1x25x80xi32, #tpu.memory_space<vmem>> -> memref<25x80xi32, #tpu.memory_space<vmem>>
      %dma_start3A_860 = arith.constant 0 : i32
      %dma_start3A_861 = tpu.memref_slice %dma_start3A_859[%dma_start3A_855, %dma_start3A_860] : memref<25x80xi32, #tpu.memory_space<vmem>> -> memref<1x80xi32, #tpu.memory_space<vmem>>
      %dma_start3A_862 = tpu.memref_squeeze %dma_start3A_861 : memref<1x80xi32, #tpu.memory_space<vmem>> -> memref<80xi32, #tpu.memory_space<vmem>>
      %dma_start3A_863 = arith.constant 0 : i32
      %dma_start3A_864 = arith.constant 0 : i32
      %dma_start3A_865 = tpu.memref_slice %arg10[%dma_start3A_863, %dma_start3A_864] : memref<10000x128xf32, #tpu.memory_space<vmem_shared>> -> memref<10000x128xf32, #tpu.memory_space<vmem_shared>>
      tpu.enqueue_indirect_dma source(%arg9 : memref<80x128xf32, #tpu.memory_space<vmem>>) target(%dma_start3A_865 : memref<10000x128xf32, #tpu.memory_space<vmem_shared>>) offsets(%dma_start3A_862 : memref<80xi32, #tpu.memory_space<vmem>>) semaphore(%arg13 : memref<!tpu.dma_semaphore, #tpu.memory_space<semaphore_mem>>) {add = true}
      %dma_wait3A_866 = arith.constant 16 : i32
      %dma_wait3A_867 = arith.constant 0 : i32
      %dma_wait3A_868 = arith.constant 0 : i32
      %dma_wait3A_869 = tpu.memref_slice %arg6[%select_n3A_70, %dma_wait3A_867, %dma_wait3A_868] : memref<2x25x80xi32, #tpu.memory_space<vmem>> -> memref<1x25x80xi32, #tpu.memory_space<vmem>>
      %dma_wait3A_870 = tpu.memref_squeeze %dma_wait3A_869 : memref<1x25x80xi32, #tpu.memory_space<vmem>> -> memref<25x80xi32, #tpu.memory_space<vmem>>
      %dma_wait3A_871 = arith.constant 0 : i32
      %dma_wait3A_872 = tpu.memref_slice %dma_wait3A_870[%dma_wait3A_866, %dma_wait3A_871] : memref<25x80xi32, #tpu.memory_space<vmem>> -> memref<1x80xi32, #tpu.memory_space<vmem>>
      %dma_wait3A_873 = tpu.memref_squeeze %dma_wait3A_872 : memref<1x80xi32, #tpu.memory_space<vmem>> -> memref<80xi32, #tpu.memory_space<vmem>>
      %dma_wait3A_874 = arith.constant 0 : i32
      %dma_wait3A_875 = arith.constant 0 : i32
      %dma_wait3A_876 = tpu.memref_slice %arg10[%dma_wait3A_874, %dma_wait3A_875] : memref<10000x128xf32, #tpu.memory_space<vmem_shared>> -> memref<10000x128xf32, #tpu.memory_space<vmem_shared>>
      tpu.wait_indirect_dma semaphore(%arg12 : memref<!tpu.dma_semaphore, #tpu.memory_space<semaphore_mem>>) src(%arg8 : memref<80x128xf32, #tpu.memory_space<vmem>>) dst(%dma_wait3A_876 : memref<10000x128xf32, #tpu.memory_space<vmem_shared>>)
      %dma_start3A_877 = arith.constant 19 : i32
      %dma_start3A_878 = arith.constant 0 : i32
      %dma_start3A_879 = arith.constant 0 : i32
      %dma_start3A_880 = tpu.memref_slice %arg5[%select_n3A_70, %dma_start3A_878, %dma_start3A_879] : memref<2x25x80xi32, #tpu.memory_space<vmem>> -> memref<1x25x80xi32, #tpu.memory_space<vmem>>
      %dma_start3A_881 = tpu.memref_squeeze %dma_start3A_880 : memref<1x25x80xi32, #tpu.memory_space<vmem>> -> memref<25x80xi32, #tpu.memory_space<vmem>>
      %dma_start3A_882 = arith.constant 0 : i32
      %dma_start3A_883 = tpu.memref_slice %dma_start3A_881[%dma_start3A_877, %dma_start3A_882] : memref<25x80xi32, #tpu.memory_space<vmem>> -> memref<1x80xi32, #tpu.memory_space<vmem>>
      %dma_start3A_884 = tpu.memref_squeeze %dma_start3A_883 : memref<1x80xi32, #tpu.memory_space<vmem>> -> memref<80xi32, #tpu.memory_space<vmem>>
      %dma_start3A_885 = arith.constant 0 : i32
      %dma_start3A_886 = arith.constant 0 : i32
      %dma_start3A_887 = tpu.memref_slice %arg2[%dma_start3A_885, %dma_start3A_886] : memref<10000x128xf32, #tpu.memory_space<hbm>> -> memref<10000x128xf32, #tpu.memory_space<hbm>>
      tpu.enqueue_indirect_dma source(%dma_start3A_887 : memref<10000x128xf32, #tpu.memory_space<hbm>>) target(%arg8 : memref<80x128xf32, #tpu.memory_space<vmem>>) offsets(%dma_start3A_884 : memref<80xi32, #tpu.memory_space<vmem>>) semaphore(%arg12 : memref<!tpu.dma_semaphore, #tpu.memory_space<semaphore_mem>>)
      %dma_wait3A_888 = arith.constant 18 : i32
      %dma_wait3A_889 = arith.constant 0 : i32
      %dma_wait3A_890 = arith.constant 0 : i32
      %dma_wait3A_891 = tpu.memref_slice %arg5[%select_n3A_70, %dma_wait3A_889, %dma_wait3A_890] : memref<2x25x80xi32, #tpu.memory_space<vmem>> -> memref<1x25x80xi32, #tpu.memory_space<vmem>>
      %dma_wait3A_892 = tpu.memref_squeeze %dma_wait3A_891 : memref<1x25x80xi32, #tpu.memory_space<vmem>> -> memref<25x80xi32, #tpu.memory_space<vmem>>
      %dma_wait3A_893 = arith.constant 0 : i32
      %dma_wait3A_894 = tpu.memref_slice %dma_wait3A_892[%dma_wait3A_888, %dma_wait3A_893] : memref<25x80xi32, #tpu.memory_space<vmem>> -> memref<1x80xi32, #tpu.memory_space<vmem>>
      %dma_wait3A_895 = tpu.memref_squeeze %dma_wait3A_894 : memref<1x80xi32, #tpu.memory_space<vmem>> -> memref<80xi32, #tpu.memory_space<vmem>>
      %dma_wait3A_896 = arith.constant 0 : i32
      %dma_wait3A_897 = arith.constant 0 : i32
      %dma_wait3A_898 = tpu.memref_slice %arg2[%dma_wait3A_896, %dma_wait3A_897] : memref<10000x128xf32, #tpu.memory_space<hbm>> -> memref<10000x128xf32, #tpu.memory_space<hbm>>
      tpu.wait_indirect_dma semaphore(%arg11 : memref<!tpu.dma_semaphore, #tpu.memory_space<semaphore_mem>>) src(%dma_wait3A_898 : memref<10000x128xf32, #tpu.memory_space<hbm>>) dst(%arg7 : memref<80x128xf32, #tpu.memory_space<vmem>>)
      %dma_start3A_899 = arith.constant 18 : i32
      %dma_start3A_900 = arith.constant 0 : i32
      %dma_start3A_901 = arith.constant 0 : i32
      %dma_start3A_902 = tpu.memref_slice %arg6[%select_n3A_70, %dma_start3A_900, %dma_start3A_901] : memref<2x25x80xi32, #tpu.memory_space<vmem>> -> memref<1x25x80xi32, #tpu.memory_space<vmem>>
      %dma_start3A_903 = tpu.memref_squeeze %dma_start3A_902 : memref<1x25x80xi32, #tpu.memory_space<vmem>> -> memref<25x80xi32, #tpu.memory_space<vmem>>
      %dma_start3A_904 = arith.constant 0 : i32
      %dma_start3A_905 = tpu.memref_slice %dma_start3A_903[%dma_start3A_899, %dma_start3A_904] : memref<25x80xi32, #tpu.memory_space<vmem>> -> memref<1x80xi32, #tpu.memory_space<vmem>>
      %dma_start3A_906 = tpu.memref_squeeze %dma_start3A_905 : memref<1x80xi32, #tpu.memory_space<vmem>> -> memref<80xi32, #tpu.memory_space<vmem>>
      %dma_start3A_907 = arith.constant 0 : i32
      %dma_start3A_908 = arith.constant 0 : i32
      %dma_start3A_909 = tpu.memref_slice %arg10[%dma_start3A_907, %dma_start3A_908] : memref<10000x128xf32, #tpu.memory_space<vmem_shared>> -> memref<10000x128xf32, #tpu.memory_space<vmem_shared>>
      tpu.enqueue_indirect_dma source(%arg7 : memref<80x128xf32, #tpu.memory_space<vmem>>) target(%dma_start3A_909 : memref<10000x128xf32, #tpu.memory_space<vmem_shared>>) offsets(%dma_start3A_906 : memref<80xi32, #tpu.memory_space<vmem>>) semaphore(%arg11 : memref<!tpu.dma_semaphore, #tpu.memory_space<semaphore_mem>>) {add = true}
      %dma_wait3A_910 = arith.constant 17 : i32
      %dma_wait3A_911 = arith.constant 0 : i32
      %dma_wait3A_912 = arith.constant 0 : i32
      %dma_wait3A_913 = tpu.memref_slice %arg6[%select_n3A_70, %dma_wait3A_911, %dma_wait3A_912] : memref<2x25x80xi32, #tpu.memory_space<vmem>> -> memref<1x25x80xi32, #tpu.memory_space<vmem>>
      %dma_wait3A_914 = tpu.memref_squeeze %dma_wait3A_913 : memref<1x25x80xi32, #tpu.memory_space<vmem>> -> memref<25x80xi32, #tpu.memory_space<vmem>>
      %dma_wait3A_915 = arith.constant 0 : i32
      %dma_wait3A_916 = tpu.memref_slice %dma_wait3A_914[%dma_wait3A_910, %dma_wait3A_915] : memref<25x80xi32, #tpu.memory_space<vmem>> -> memref<1x80xi32, #tpu.memory_space<vmem>>
      %dma_wait3A_917 = tpu.memref_squeeze %dma_wait3A_916 : memref<1x80xi32, #tpu.memory_space<vmem>> -> memref<80xi32, #tpu.memory_space<vmem>>
      %dma_wait3A_918 = arith.constant 0 : i32
      %dma_wait3A_919 = arith.constant 0 : i32
      %dma_wait3A_920 = tpu.memref_slice %arg10[%dma_wait3A_918, %dma_wait3A_919] : memref<10000x128xf32, #tpu.memory_space<vmem_shared>> -> memref<10000x128xf32, #tpu.memory_space<vmem_shared>>
      tpu.wait_indirect_dma semaphore(%arg13 : memref<!tpu.dma_semaphore, #tpu.memory_space<semaphore_mem>>) src(%arg9 : memref<80x128xf32, #tpu.memory_space<vmem>>) dst(%dma_wait3A_920 : memref<10000x128xf32, #tpu.memory_space<vmem_shared>>)
      %dma_start3A_921 = arith.constant 20 : i32
      %dma_start3A_922 = arith.constant 0 : i32
      %dma_start3A_923 = arith.constant 0 : i32
      %dma_start3A_924 = tpu.memref_slice %arg5[%select_n3A_70, %dma_start3A_922, %dma_start3A_923] : memref<2x25x80xi32, #tpu.memory_space<vmem>> -> memref<1x25x80xi32, #tpu.memory_space<vmem>>
      %dma_start3A_925 = tpu.memref_squeeze %dma_start3A_924 : memref<1x25x80xi32, #tpu.memory_space<vmem>> -> memref<25x80xi32, #tpu.memory_space<vmem>>
      %dma_start3A_926 = arith.constant 0 : i32
      %dma_start3A_927 = tpu.memref_slice %dma_start3A_925[%dma_start3A_921, %dma_start3A_926] : memref<25x80xi32, #tpu.memory_space<vmem>> -> memref<1x80xi32, #tpu.memory_space<vmem>>
      %dma_start3A_928 = tpu.memref_squeeze %dma_start3A_927 : memref<1x80xi32, #tpu.memory_space<vmem>> -> memref<80xi32, #tpu.memory_space<vmem>>
      %dma_start3A_929 = arith.constant 0 : i32
      %dma_start3A_930 = arith.constant 0 : i32
      %dma_start3A_931 = tpu.memref_slice %arg2[%dma_start3A_929, %dma_start3A_930] : memref<10000x128xf32, #tpu.memory_space<hbm>> -> memref<10000x128xf32, #tpu.memory_space<hbm>>
      tpu.enqueue_indirect_dma source(%dma_start3A_931 : memref<10000x128xf32, #tpu.memory_space<hbm>>) target(%arg9 : memref<80x128xf32, #tpu.memory_space<vmem>>) offsets(%dma_start3A_928 : memref<80xi32, #tpu.memory_space<vmem>>) semaphore(%arg13 : memref<!tpu.dma_semaphore, #tpu.memory_space<semaphore_mem>>)
      %dma_wait3A_932 = arith.constant 19 : i32
      %dma_wait3A_933 = arith.constant 0 : i32
      %dma_wait3A_934 = arith.constant 0 : i32
      %dma_wait3A_935 = tpu.memref_slice %arg5[%select_n3A_70, %dma_wait3A_933, %dma_wait3A_934] : memref<2x25x80xi32, #tpu.memory_space<vmem>> -> memref<1x25x80xi32, #tpu.memory_space<vmem>>
      %dma_wait3A_936 = tpu.memref_squeeze %dma_wait3A_935 : memref<1x25x80xi32, #tpu.memory_space<vmem>> -> memref<25x80xi32, #tpu.memory_space<vmem>>
      %dma_wait3A_937 = arith.constant 0 : i32
      %dma_wait3A_938 = tpu.memref_slice %dma_wait3A_936[%dma_wait3A_932, %dma_wait3A_937] : memref<25x80xi32, #tpu.memory_space<vmem>> -> memref<1x80xi32, #tpu.memory_space<vmem>>
      %dma_wait3A_939 = tpu.memref_squeeze %dma_wait3A_938 : memref<1x80xi32, #tpu.memory_space<vmem>> -> memref<80xi32, #tpu.memory_space<vmem>>
      %dma_wait3A_940 = arith.constant 0 : i32
      %dma_wait3A_941 = arith.constant 0 : i32
      %dma_wait3A_942 = tpu.memref_slice %arg2[%dma_wait3A_940, %dma_wait3A_941] : memref<10000x128xf32, #tpu.memory_space<hbm>> -> memref<10000x128xf32, #tpu.memory_space<hbm>>
      tpu.wait_indirect_dma semaphore(%arg12 : memref<!tpu.dma_semaphore, #tpu.memory_space<semaphore_mem>>) src(%dma_wait3A_942 : memref<10000x128xf32, #tpu.memory_space<hbm>>) dst(%arg8 : memref<80x128xf32, #tpu.memory_space<vmem>>)
      %dma_start3A_943 = arith.constant 19 : i32
      %dma_start3A_944 = arith.constant 0 : i32
      %dma_start3A_945 = arith.constant 0 : i32
      %dma_start3A_946 = tpu.memref_slice %arg6[%select_n3A_70, %dma_start3A_944, %dma_start3A_945] : memref<2x25x80xi32, #tpu.memory_space<vmem>> -> memref<1x25x80xi32, #tpu.memory_space<vmem>>
      %dma_start3A_947 = tpu.memref_squeeze %dma_start3A_946 : memref<1x25x80xi32, #tpu.memory_space<vmem>> -> memref<25x80xi32, #tpu.memory_space<vmem>>
      %dma_start3A_948 = arith.constant 0 : i32
      %dma_start3A_949 = tpu.memref_slice %dma_start3A_947[%dma_start3A_943, %dma_start3A_948] : memref<25x80xi32, #tpu.memory_space<vmem>> -> memref<1x80xi32, #tpu.memory_space<vmem>>
      %dma_start3A_950 = tpu.memref_squeeze %dma_start3A_949 : memref<1x80xi32, #tpu.memory_space<vmem>> -> memref<80xi32, #tpu.memory_space<vmem>>
      %dma_start3A_951 = arith.constant 0 : i32
      %dma_start3A_952 = arith.constant 0 : i32
      %dma_start3A_953 = tpu.memref_slice %arg10[%dma_start3A_951, %dma_start3A_952] : memref<10000x128xf32, #tpu.memory_space<vmem_shared>> -> memref<10000x128xf32, #tpu.memory_space<vmem_shared>>
      tpu.enqueue_indirect_dma source(%arg8 : memref<80x128xf32, #tpu.memory_space<vmem>>) target(%dma_start3A_953 : memref<10000x128xf32, #tpu.memory_space<vmem_shared>>) offsets(%dma_start3A_950 : memref<80xi32, #tpu.memory_space<vmem>>) semaphore(%arg12 : memref<!tpu.dma_semaphore, #tpu.memory_space<semaphore_mem>>) {add = true}
      %dma_wait3A_954 = arith.constant 18 : i32
      %dma_wait3A_955 = arith.constant 0 : i32
      %dma_wait3A_956 = arith.constant 0 : i32
      %dma_wait3A_957 = tpu.memref_slice %arg6[%select_n3A_70, %dma_wait3A_955, %dma_wait3A_956] : memref<2x25x80xi32, #tpu.memory_space<vmem>> -> memref<1x25x80xi32, #tpu.memory_space<vmem>>
      %dma_wait3A_958 = tpu.memref_squeeze %dma_wait3A_957 : memref<1x25x80xi32, #tpu.memory_space<vmem>> -> memref<25x80xi32, #tpu.memory_space<vmem>>
      %dma_wait3A_959 = arith.constant 0 : i32
      %dma_wait3A_960 = tpu.memref_slice %dma_wait3A_958[%dma_wait3A_954, %dma_wait3A_959] : memref<25x80xi32, #tpu.memory_space<vmem>> -> memref<1x80xi32, #tpu.memory_space<vmem>>
      %dma_wait3A_961 = tpu.memref_squeeze %dma_wait3A_960 : memref<1x80xi32, #tpu.memory_space<vmem>> -> memref<80xi32, #tpu.memory_space<vmem>>
      %dma_wait3A_962 = arith.constant 0 : i32
      %dma_wait3A_963 = arith.constant 0 : i32
      %dma_wait3A_964 = tpu.memref_slice %arg10[%dma_wait3A_962, %dma_wait3A_963] : memref<10000x128xf32, #tpu.memory_space<vmem_shared>> -> memref<10000x128xf32, #tpu.memory_space<vmem_shared>>
      tpu.wait_indirect_dma semaphore(%arg11 : memref<!tpu.dma_semaphore, #tpu.memory_space<semaphore_mem>>) src(%arg7 : memref<80x128xf32, #tpu.memory_space<vmem>>) dst(%dma_wait3A_964 : memref<10000x128xf32, #tpu.memory_space<vmem_shared>>)
      %dma_start3A_965 = arith.constant 21 : i32
      %dma_start3A_966 = arith.constant 0 : i32
      %dma_start3A_967 = arith.constant 0 : i32
      %dma_start3A_968 = tpu.memref_slice %arg5[%select_n3A_70, %dma_start3A_966, %dma_start3A_967] : memref<2x25x80xi32, #tpu.memory_space<vmem>> -> memref<1x25x80xi32, #tpu.memory_space<vmem>>
      %dma_start3A_969 = tpu.memref_squeeze %dma_start3A_968 : memref<1x25x80xi32, #tpu.memory_space<vmem>> -> memref<25x80xi32, #tpu.memory_space<vmem>>
      %dma_start3A_970 = arith.constant 0 : i32
      %dma_start3A_971 = tpu.memref_slice %dma_start3A_969[%dma_start3A_965, %dma_start3A_970] : memref<25x80xi32, #tpu.memory_space<vmem>> -> memref<1x80xi32, #tpu.memory_space<vmem>>
      %dma_start3A_972 = tpu.memref_squeeze %dma_start3A_971 : memref<1x80xi32, #tpu.memory_space<vmem>> -> memref<80xi32, #tpu.memory_space<vmem>>
      %dma_start3A_973 = arith.constant 0 : i32
      %dma_start3A_974 = arith.constant 0 : i32
      %dma_start3A_975 = tpu.memref_slice %arg2[%dma_start3A_973, %dma_start3A_974] : memref<10000x128xf32, #tpu.memory_space<hbm>> -> memref<10000x128xf32, #tpu.memory_space<hbm>>
      tpu.enqueue_indirect_dma source(%dma_start3A_975 : memref<10000x128xf32, #tpu.memory_space<hbm>>) target(%arg7 : memref<80x128xf32, #tpu.memory_space<vmem>>) offsets(%dma_start3A_972 : memref<80xi32, #tpu.memory_space<vmem>>) semaphore(%arg11 : memref<!tpu.dma_semaphore, #tpu.memory_space<semaphore_mem>>)
      %dma_wait3A_976 = arith.constant 20 : i32
      %dma_wait3A_977 = arith.constant 0 : i32
      %dma_wait3A_978 = arith.constant 0 : i32
      %dma_wait3A_979 = tpu.memref_slice %arg5[%select_n3A_70, %dma_wait3A_977, %dma_wait3A_978] : memref<2x25x80xi32, #tpu.memory_space<vmem>> -> memref<1x25x80xi32, #tpu.memory_space<vmem>>
      %dma_wait3A_980 = tpu.memref_squeeze %dma_wait3A_979 : memref<1x25x80xi32, #tpu.memory_space<vmem>> -> memref<25x80xi32, #tpu.memory_space<vmem>>
      %dma_wait3A_981 = arith.constant 0 : i32
      %dma_wait3A_982 = tpu.memref_slice %dma_wait3A_980[%dma_wait3A_976, %dma_wait3A_981] : memref<25x80xi32, #tpu.memory_space<vmem>> -> memref<1x80xi32, #tpu.memory_space<vmem>>
      %dma_wait3A_983 = tpu.memref_squeeze %dma_wait3A_982 : memref<1x80xi32, #tpu.memory_space<vmem>> -> memref<80xi32, #tpu.memory_space<vmem>>
      %dma_wait3A_984 = arith.constant 0 : i32
      %dma_wait3A_985 = arith.constant 0 : i32
      %dma_wait3A_986 = tpu.memref_slice %arg2[%dma_wait3A_984, %dma_wait3A_985] : memref<10000x128xf32, #tpu.memory_space<hbm>> -> memref<10000x128xf32, #tpu.memory_space<hbm>>
      tpu.wait_indirect_dma semaphore(%arg13 : memref<!tpu.dma_semaphore, #tpu.memory_space<semaphore_mem>>) src(%dma_wait3A_986 : memref<10000x128xf32, #tpu.memory_space<hbm>>) dst(%arg9 : memref<80x128xf32, #tpu.memory_space<vmem>>)
      %dma_start3A_987 = arith.constant 20 : i32
      %dma_start3A_988 = arith.constant 0 : i32
      %dma_start3A_989 = arith.constant 0 : i32
      %dma_start3A_990 = tpu.memref_slice %arg6[%select_n3A_70, %dma_start3A_988, %dma_start3A_989] : memref<2x25x80xi32, #tpu.memory_space<vmem>> -> memref<1x25x80xi32, #tpu.memory_space<vmem>>
      %dma_start3A_991 = tpu.memref_squeeze %dma_start3A_990 : memref<1x25x80xi32, #tpu.memory_space<vmem>> -> memref<25x80xi32, #tpu.memory_space<vmem>>
      %dma_start3A_992 = arith.constant 0 : i32
      %dma_start3A_993 = tpu.memref_slice %dma_start3A_991[%dma_start3A_987, %dma_start3A_992] : memref<25x80xi32, #tpu.memory_space<vmem>> -> memref<1x80xi32, #tpu.memory_space<vmem>>
      %dma_start3A_994 = tpu.memref_squeeze %dma_start3A_993 : memref<1x80xi32, #tpu.memory_space<vmem>> -> memref<80xi32, #tpu.memory_space<vmem>>
      %dma_start3A_995 = arith.constant 0 : i32
      %dma_start3A_996 = arith.constant 0 : i32
      %dma_start3A_997 = tpu.memref_slice %arg10[%dma_start3A_995, %dma_start3A_996] : memref<10000x128xf32, #tpu.memory_space<vmem_shared>> -> memref<10000x128xf32, #tpu.memory_space<vmem_shared>>
      tpu.enqueue_indirect_dma source(%arg9 : memref<80x128xf32, #tpu.memory_space<vmem>>) target(%dma_start3A_997 : memref<10000x128xf32, #tpu.memory_space<vmem_shared>>) offsets(%dma_start3A_994 : memref<80xi32, #tpu.memory_space<vmem>>) semaphore(%arg13 : memref<!tpu.dma_semaphore, #tpu.memory_space<semaphore_mem>>) {add = true}
      %dma_wait3A_998 = arith.constant 19 : i32
      %dma_wait3A_999 = arith.constant 0 : i32
      %dma_wait3A_1000 = arith.constant 0 : i32
      %dma_wait3A_1001 = tpu.memref_slice %arg6[%select_n3A_70, %dma_wait3A_999, %dma_wait3A_1000] : memref<2x25x80xi32, #tpu.memory_space<vmem>> -> memref<1x25x80xi32, #tpu.memory_space<vmem>>
      %dma_wait3A_1002 = tpu.memref_squeeze %dma_wait3A_1001 : memref<1x25x80xi32, #tpu.memory_space<vmem>> -> memref<25x80xi32, #tpu.memory_space<vmem>>
      %dma_wait3A_1003 = arith.constant 0 : i32
      %dma_wait3A_1004 = tpu.memref_slice %dma_wait3A_1002[%dma_wait3A_998, %dma_wait3A_1003] : memref<25x80xi32, #tpu.memory_space<vmem>> -> memref<1x80xi32, #tpu.memory_space<vmem>>
      %dma_wait3A_1005 = tpu.memref_squeeze %dma_wait3A_1004 : memref<1x80xi32, #tpu.memory_space<vmem>> -> memref<80xi32, #tpu.memory_space<vmem>>
      %dma_wait3A_1006 = arith.constant 0 : i32
      %dma_wait3A_1007 = arith.constant 0 : i32
      %dma_wait3A_1008 = tpu.memref_slice %arg10[%dma_wait3A_1006, %dma_wait3A_1007] : memref<10000x128xf32, #tpu.memory_space<vmem_shared>> -> memref<10000x128xf32, #tpu.memory_space<vmem_shared>>
      tpu.wait_indirect_dma semaphore(%arg12 : memref<!tpu.dma_semaphore, #tpu.memory_space<semaphore_mem>>) src(%arg8 : memref<80x128xf32, #tpu.memory_space<vmem>>) dst(%dma_wait3A_1008 : memref<10000x128xf32, #tpu.memory_space<vmem_shared>>)
      %dma_start3A_1009 = arith.constant 22 : i32
      %dma_start3A_1010 = arith.constant 0 : i32
      %dma_start3A_1011 = arith.constant 0 : i32
      %dma_start3A_1012 = tpu.memref_slice %arg5[%select_n3A_70, %dma_start3A_1010, %dma_start3A_1011] : memref<2x25x80xi32, #tpu.memory_space<vmem>> -> memref<1x25x80xi32, #tpu.memory_space<vmem>>
      %dma_start3A_1013 = tpu.memref_squeeze %dma_start3A_1012 : memref<1x25x80xi32, #tpu.memory_space<vmem>> -> memref<25x80xi32, #tpu.memory_space<vmem>>
      %dma_start3A_1014 = arith.constant 0 : i32
      %dma_start3A_1015 = tpu.memref_slice %dma_start3A_1013[%dma_start3A_1009, %dma_start3A_1014] : memref<25x80xi32, #tpu.memory_space<vmem>> -> memref<1x80xi32, #tpu.memory_space<vmem>>
      %dma_start3A_1016 = tpu.memref_squeeze %dma_start3A_1015 : memref<1x80xi32, #tpu.memory_space<vmem>> -> memref<80xi32, #tpu.memory_space<vmem>>
      %dma_start3A_1017 = arith.constant 0 : i32
      %dma_start3A_1018 = arith.constant 0 : i32
      %dma_start3A_1019 = tpu.memref_slice %arg2[%dma_start3A_1017, %dma_start3A_1018] : memref<10000x128xf32, #tpu.memory_space<hbm>> -> memref<10000x128xf32, #tpu.memory_space<hbm>>
      tpu.enqueue_indirect_dma source(%dma_start3A_1019 : memref<10000x128xf32, #tpu.memory_space<hbm>>) target(%arg8 : memref<80x128xf32, #tpu.memory_space<vmem>>) offsets(%dma_start3A_1016 : memref<80xi32, #tpu.memory_space<vmem>>) semaphore(%arg12 : memref<!tpu.dma_semaphore, #tpu.memory_space<semaphore_mem>>)
      %dma_wait3A_1020 = arith.constant 21 : i32
      %dma_wait3A_1021 = arith.constant 0 : i32
      %dma_wait3A_1022 = arith.constant 0 : i32
      %dma_wait3A_1023 = tpu.memref_slice %arg5[%select_n3A_70, %dma_wait3A_1021, %dma_wait3A_1022] : memref<2x25x80xi32, #tpu.memory_space<vmem>> -> memref<1x25x80xi32, #tpu.memory_space<vmem>>
      %dma_wait3A_1024 = tpu.memref_squeeze %dma_wait3A_1023 : memref<1x25x80xi32, #tpu.memory_space<vmem>> -> memref<25x80xi32, #tpu.memory_space<vmem>>
      %dma_wait3A_1025 = arith.constant 0 : i32
      %dma_wait3A_1026 = tpu.memref_slice %dma_wait3A_1024[%dma_wait3A_1020, %dma_wait3A_1025] : memref<25x80xi32, #tpu.memory_space<vmem>> -> memref<1x80xi32, #tpu.memory_space<vmem>>
      %dma_wait3A_1027 = tpu.memref_squeeze %dma_wait3A_1026 : memref<1x80xi32, #tpu.memory_space<vmem>> -> memref<80xi32, #tpu.memory_space<vmem>>
      %dma_wait3A_1028 = arith.constant 0 : i32
      %dma_wait3A_1029 = arith.constant 0 : i32
      %dma_wait3A_1030 = tpu.memref_slice %arg2[%dma_wait3A_1028, %dma_wait3A_1029] : memref<10000x128xf32, #tpu.memory_space<hbm>> -> memref<10000x128xf32, #tpu.memory_space<hbm>>
      tpu.wait_indirect_dma semaphore(%arg11 : memref<!tpu.dma_semaphore, #tpu.memory_space<semaphore_mem>>) src(%dma_wait3A_1030 : memref<10000x128xf32, #tpu.memory_space<hbm>>) dst(%arg7 : memref<80x128xf32, #tpu.memory_space<vmem>>)
      %dma_start3A_1031 = arith.constant 21 : i32
      %dma_start3A_1032 = arith.constant 0 : i32
      %dma_start3A_1033 = arith.constant 0 : i32
      %dma_start3A_1034 = tpu.memref_slice %arg6[%select_n3A_70, %dma_start3A_1032, %dma_start3A_1033] : memref<2x25x80xi32, #tpu.memory_space<vmem>> -> memref<1x25x80xi32, #tpu.memory_space<vmem>>
      %dma_start3A_1035 = tpu.memref_squeeze %dma_start3A_1034 : memref<1x25x80xi32, #tpu.memory_space<vmem>> -> memref<25x80xi32, #tpu.memory_space<vmem>>
      %dma_start3A_1036 = arith.constant 0 : i32
      %dma_start3A_1037 = tpu.memref_slice %dma_start3A_1035[%dma_start3A_1031, %dma_start3A_1036] : memref<25x80xi32, #tpu.memory_space<vmem>> -> memref<1x80xi32, #tpu.memory_space<vmem>>
      %dma_start3A_1038 = tpu.memref_squeeze %dma_start3A_1037 : memref<1x80xi32, #tpu.memory_space<vmem>> -> memref<80xi32, #tpu.memory_space<vmem>>
      %dma_start3A_1039 = arith.constant 0 : i32
      %dma_start3A_1040 = arith.constant 0 : i32
      %dma_start3A_1041 = tpu.memref_slice %arg10[%dma_start3A_1039, %dma_start3A_1040] : memref<10000x128xf32, #tpu.memory_space<vmem_shared>> -> memref<10000x128xf32, #tpu.memory_space<vmem_shared>>
      tpu.enqueue_indirect_dma source(%arg7 : memref<80x128xf32, #tpu.memory_space<vmem>>) target(%dma_start3A_1041 : memref<10000x128xf32, #tpu.memory_space<vmem_shared>>) offsets(%dma_start3A_1038 : memref<80xi32, #tpu.memory_space<vmem>>) semaphore(%arg11 : memref<!tpu.dma_semaphore, #tpu.memory_space<semaphore_mem>>) {add = true}
      %dma_wait3A_1042 = arith.constant 20 : i32
      %dma_wait3A_1043 = arith.constant 0 : i32
      %dma_wait3A_1044 = arith.constant 0 : i32
      %dma_wait3A_1045 = tpu.memref_slice %arg6[%select_n3A_70, %dma_wait3A_1043, %dma_wait3A_1044] : memref<2x25x80xi32, #tpu.memory_space<vmem>> -> memref<1x25x80xi32, #tpu.memory_space<vmem>>
      %dma_wait3A_1046 = tpu.memref_squeeze %dma_wait3A_1045 : memref<1x25x80xi32, #tpu.memory_space<vmem>> -> memref<25x80xi32, #tpu.memory_space<vmem>>
      %dma_wait3A_1047 = arith.constant 0 : i32
      %dma_wait3A_1048 = tpu.memref_slice %dma_wait3A_1046[%dma_wait3A_1042, %dma_wait3A_1047] : memref<25x80xi32, #tpu.memory_space<vmem>> -> memref<1x80xi32, #tpu.memory_space<vmem>>
      %dma_wait3A_1049 = tpu.memref_squeeze %dma_wait3A_1048 : memref<1x80xi32, #tpu.memory_space<vmem>> -> memref<80xi32, #tpu.memory_space<vmem>>
      %dma_wait3A_1050 = arith.constant 0 : i32
      %dma_wait3A_1051 = arith.constant 0 : i32
      %dma_wait3A_1052 = tpu.memref_slice %arg10[%dma_wait3A_1050, %dma_wait3A_1051] : memref<10000x128xf32, #tpu.memory_space<vmem_shared>> -> memref<10000x128xf32, #tpu.memory_space<vmem_shared>>
      tpu.wait_indirect_dma semaphore(%arg13 : memref<!tpu.dma_semaphore, #tpu.memory_space<semaphore_mem>>) src(%arg9 : memref<80x128xf32, #tpu.memory_space<vmem>>) dst(%dma_wait3A_1052 : memref<10000x128xf32, #tpu.memory_space<vmem_shared>>)
      %dma_start3A_1053 = arith.constant 23 : i32
      %dma_start3A_1054 = arith.constant 0 : i32
      %dma_start3A_1055 = arith.constant 0 : i32
      %dma_start3A_1056 = tpu.memref_slice %arg5[%select_n3A_70, %dma_start3A_1054, %dma_start3A_1055] : memref<2x25x80xi32, #tpu.memory_space<vmem>> -> memref<1x25x80xi32, #tpu.memory_space<vmem>>
      %dma_start3A_1057 = tpu.memref_squeeze %dma_start3A_1056 : memref<1x25x80xi32, #tpu.memory_space<vmem>> -> memref<25x80xi32, #tpu.memory_space<vmem>>
      %dma_start3A_1058 = arith.constant 0 : i32
      %dma_start3A_1059 = tpu.memref_slice %dma_start3A_1057[%dma_start3A_1053, %dma_start3A_1058] : memref<25x80xi32, #tpu.memory_space<vmem>> -> memref<1x80xi32, #tpu.memory_space<vmem>>
      %dma_start3A_1060 = tpu.memref_squeeze %dma_start3A_1059 : memref<1x80xi32, #tpu.memory_space<vmem>> -> memref<80xi32, #tpu.memory_space<vmem>>
      %dma_start3A_1061 = arith.constant 0 : i32
      %dma_start3A_1062 = arith.constant 0 : i32
      %dma_start3A_1063 = tpu.memref_slice %arg2[%dma_start3A_1061, %dma_start3A_1062] : memref<10000x128xf32, #tpu.memory_space<hbm>> -> memref<10000x128xf32, #tpu.memory_space<hbm>>
      tpu.enqueue_indirect_dma source(%dma_start3A_1063 : memref<10000x128xf32, #tpu.memory_space<hbm>>) target(%arg9 : memref<80x128xf32, #tpu.memory_space<vmem>>) offsets(%dma_start3A_1060 : memref<80xi32, #tpu.memory_space<vmem>>) semaphore(%arg13 : memref<!tpu.dma_semaphore, #tpu.memory_space<semaphore_mem>>)
      %dma_wait3A_1064 = arith.constant 22 : i32
      %dma_wait3A_1065 = arith.constant 0 : i32
      %dma_wait3A_1066 = arith.constant 0 : i32
      %dma_wait3A_1067 = tpu.memref_slice %arg5[%select_n3A_70, %dma_wait3A_1065, %dma_wait3A_1066] : memref<2x25x80xi32, #tpu.memory_space<vmem>> -> memref<1x25x80xi32, #tpu.memory_space<vmem>>
      %dma_wait3A_1068 = tpu.memref_squeeze %dma_wait3A_1067 : memref<1x25x80xi32, #tpu.memory_space<vmem>> -> memref<25x80xi32, #tpu.memory_space<vmem>>
      %dma_wait3A_1069 = arith.constant 0 : i32
      %dma_wait3A_1070 = tpu.memref_slice %dma_wait3A_1068[%dma_wait3A_1064, %dma_wait3A_1069] : memref<25x80xi32, #tpu.memory_space<vmem>> -> memref<1x80xi32, #tpu.memory_space<vmem>>
      %dma_wait3A_1071 = tpu.memref_squeeze %dma_wait3A_1070 : memref<1x80xi32, #tpu.memory_space<vmem>> -> memref<80xi32, #tpu.memory_space<vmem>>
      %dma_wait3A_1072 = arith.constant 0 : i32
      %dma_wait3A_1073 = arith.constant 0 : i32
      %dma_wait3A_1074 = tpu.memref_slice %arg2[%dma_wait3A_1072, %dma_wait3A_1073] : memref<10000x128xf32, #tpu.memory_space<hbm>> -> memref<10000x128xf32, #tpu.memory_space<hbm>>
      tpu.wait_indirect_dma semaphore(%arg12 : memref<!tpu.dma_semaphore, #tpu.memory_space<semaphore_mem>>) src(%dma_wait3A_1074 : memref<10000x128xf32, #tpu.memory_space<hbm>>) dst(%arg8 : memref<80x128xf32, #tpu.memory_space<vmem>>)
      %dma_start3A_1075 = arith.constant 22 : i32
      %dma_start3A_1076 = arith.constant 0 : i32
      %dma_start3A_1077 = arith.constant 0 : i32
      %dma_start3A_1078 = tpu.memref_slice %arg6[%select_n3A_70, %dma_start3A_1076, %dma_start3A_1077] : memref<2x25x80xi32, #tpu.memory_space<vmem>> -> memref<1x25x80xi32, #tpu.memory_space<vmem>>
      %dma_start3A_1079 = tpu.memref_squeeze %dma_start3A_1078 : memref<1x25x80xi32, #tpu.memory_space<vmem>> -> memref<25x80xi32, #tpu.memory_space<vmem>>
      %dma_start3A_1080 = arith.constant 0 : i32
      %dma_start3A_1081 = tpu.memref_slice %dma_start3A_1079[%dma_start3A_1075, %dma_start3A_1080] : memref<25x80xi32, #tpu.memory_space<vmem>> -> memref<1x80xi32, #tpu.memory_space<vmem>>
      %dma_start3A_1082 = tpu.memref_squeeze %dma_start3A_1081 : memref<1x80xi32, #tpu.memory_space<vmem>> -> memref<80xi32, #tpu.memory_space<vmem>>
      %dma_start3A_1083 = arith.constant 0 : i32
      %dma_start3A_1084 = arith.constant 0 : i32
      %dma_start3A_1085 = tpu.memref_slice %arg10[%dma_start3A_1083, %dma_start3A_1084] : memref<10000x128xf32, #tpu.memory_space<vmem_shared>> -> memref<10000x128xf32, #tpu.memory_space<vmem_shared>>
      tpu.enqueue_indirect_dma source(%arg8 : memref<80x128xf32, #tpu.memory_space<vmem>>) target(%dma_start3A_1085 : memref<10000x128xf32, #tpu.memory_space<vmem_shared>>) offsets(%dma_start3A_1082 : memref<80xi32, #tpu.memory_space<vmem>>) semaphore(%arg12 : memref<!tpu.dma_semaphore, #tpu.memory_space<semaphore_mem>>) {add = true}
      %dma_wait3A_1086 = arith.constant 21 : i32
      %dma_wait3A_1087 = arith.constant 0 : i32
      %dma_wait3A_1088 = arith.constant 0 : i32
      %dma_wait3A_1089 = tpu.memref_slice %arg6[%select_n3A_70, %dma_wait3A_1087, %dma_wait3A_1088] : memref<2x25x80xi32, #tpu.memory_space<vmem>> -> memref<1x25x80xi32, #tpu.memory_space<vmem>>
      %dma_wait3A_1090 = tpu.memref_squeeze %dma_wait3A_1089 : memref<1x25x80xi32, #tpu.memory_space<vmem>> -> memref<25x80xi32, #tpu.memory_space<vmem>>
      %dma_wait3A_1091 = arith.constant 0 : i32
      %dma_wait3A_1092 = tpu.memref_slice %dma_wait3A_1090[%dma_wait3A_1086, %dma_wait3A_1091] : memref<25x80xi32, #tpu.memory_space<vmem>> -> memref<1x80xi32, #tpu.memory_space<vmem>>
      %dma_wait3A_1093 = tpu.memref_squeeze %dma_wait3A_1092 : memref<1x80xi32, #tpu.memory_space<vmem>> -> memref<80xi32, #tpu.memory_space<vmem>>
      %dma_wait3A_1094 = arith.constant 0 : i32
      %dma_wait3A_1095 = arith.constant 0 : i32
      %dma_wait3A_1096 = tpu.memref_slice %arg10[%dma_wait3A_1094, %dma_wait3A_1095] : memref<10000x128xf32, #tpu.memory_space<vmem_shared>> -> memref<10000x128xf32, #tpu.memory_space<vmem_shared>>
      tpu.wait_indirect_dma semaphore(%arg11 : memref<!tpu.dma_semaphore, #tpu.memory_space<semaphore_mem>>) src(%arg7 : memref<80x128xf32, #tpu.memory_space<vmem>>) dst(%dma_wait3A_1096 : memref<10000x128xf32, #tpu.memory_space<vmem_shared>>)
      %dma_start3A_1097 = arith.constant 24 : i32
      %dma_start3A_1098 = arith.constant 0 : i32
      %dma_start3A_1099 = arith.constant 0 : i32
      %dma_start3A_1100 = tpu.memref_slice %arg5[%select_n3A_70, %dma_start3A_1098, %dma_start3A_1099] : memref<2x25x80xi32, #tpu.memory_space<vmem>> -> memref<1x25x80xi32, #tpu.memory_space<vmem>>
      %dma_start3A_1101 = tpu.memref_squeeze %dma_start3A_1100 : memref<1x25x80xi32, #tpu.memory_space<vmem>> -> memref<25x80xi32, #tpu.memory_space<vmem>>
      %dma_start3A_1102 = arith.constant 0 : i32
      %dma_start3A_1103 = tpu.memref_slice %dma_start3A_1101[%dma_start3A_1097, %dma_start3A_1102] : memref<25x80xi32, #tpu.memory_space<vmem>> -> memref<1x80xi32, #tpu.memory_space<vmem>>
      %dma_start3A_1104 = tpu.memref_squeeze %dma_start3A_1103 : memref<1x80xi32, #tpu.memory_space<vmem>> -> memref<80xi32, #tpu.memory_space<vmem>>
      %dma_start3A_1105 = arith.constant 0 : i32
      %dma_start3A_1106 = arith.constant 0 : i32
      %dma_start3A_1107 = tpu.memref_slice %arg2[%dma_start3A_1105, %dma_start3A_1106] : memref<10000x128xf32, #tpu.memory_space<hbm>> -> memref<10000x128xf32, #tpu.memory_space<hbm>>
      tpu.enqueue_indirect_dma source(%dma_start3A_1107 : memref<10000x128xf32, #tpu.memory_space<hbm>>) target(%arg7 : memref<80x128xf32, #tpu.memory_space<vmem>>) offsets(%dma_start3A_1104 : memref<80xi32, #tpu.memory_space<vmem>>) semaphore(%arg11 : memref<!tpu.dma_semaphore, #tpu.memory_space<semaphore_mem>>)
      %dma_wait3A_1108 = arith.constant 23 : i32
      %dma_wait3A_1109 = arith.constant 0 : i32
      %dma_wait3A_1110 = arith.constant 0 : i32
      %dma_wait3A_1111 = tpu.memref_slice %arg5[%select_n3A_70, %dma_wait3A_1109, %dma_wait3A_1110] : memref<2x25x80xi32, #tpu.memory_space<vmem>> -> memref<1x25x80xi32, #tpu.memory_space<vmem>>
      %dma_wait3A_1112 = tpu.memref_squeeze %dma_wait3A_1111 : memref<1x25x80xi32, #tpu.memory_space<vmem>> -> memref<25x80xi32, #tpu.memory_space<vmem>>
      %dma_wait3A_1113 = arith.constant 0 : i32
      %dma_wait3A_1114 = tpu.memref_slice %dma_wait3A_1112[%dma_wait3A_1108, %dma_wait3A_1113] : memref<25x80xi32, #tpu.memory_space<vmem>> -> memref<1x80xi32, #tpu.memory_space<vmem>>
      %dma_wait3A_1115 = tpu.memref_squeeze %dma_wait3A_1114 : memref<1x80xi32, #tpu.memory_space<vmem>> -> memref<80xi32, #tpu.memory_space<vmem>>
      %dma_wait3A_1116 = arith.constant 0 : i32
      %dma_wait3A_1117 = arith.constant 0 : i32
      %dma_wait3A_1118 = tpu.memref_slice %arg2[%dma_wait3A_1116, %dma_wait3A_1117] : memref<10000x128xf32, #tpu.memory_space<hbm>> -> memref<10000x128xf32, #tpu.memory_space<hbm>>
      tpu.wait_indirect_dma semaphore(%arg13 : memref<!tpu.dma_semaphore, #tpu.memory_space<semaphore_mem>>) src(%dma_wait3A_1118 : memref<10000x128xf32, #tpu.memory_space<hbm>>) dst(%arg9 : memref<80x128xf32, #tpu.memory_space<vmem>>)
      %dma_start3A_1119 = arith.constant 23 : i32
      %dma_start3A_1120 = arith.constant 0 : i32
      %dma_start3A_1121 = arith.constant 0 : i32
      %dma_start3A_1122 = tpu.memref_slice %arg6[%select_n3A_70, %dma_start3A_1120, %dma_start3A_1121] : memref<2x25x80xi32, #tpu.memory_space<vmem>> -> memref<1x25x80xi32, #tpu.memory_space<vmem>>
      %dma_start3A_1123 = tpu.memref_squeeze %dma_start3A_1122 : memref<1x25x80xi32, #tpu.memory_space<vmem>> -> memref<25x80xi32, #tpu.memory_space<vmem>>
      %dma_start3A_1124 = arith.constant 0 : i32
      %dma_start3A_1125 = tpu.memref_slice %dma_start3A_1123[%dma_start3A_1119, %dma_start3A_1124] : memref<25x80xi32, #tpu.memory_space<vmem>> -> memref<1x80xi32, #tpu.memory_space<vmem>>
      %dma_start3A_1126 = tpu.memref_squeeze %dma_start3A_1125 : memref<1x80xi32, #tpu.memory_space<vmem>> -> memref<80xi32, #tpu.memory_space<vmem>>
      %dma_start3A_1127 = arith.constant 0 : i32
      %dma_start3A_1128 = arith.constant 0 : i32
      %dma_start3A_1129 = tpu.memref_slice %arg10[%dma_start3A_1127, %dma_start3A_1128] : memref<10000x128xf32, #tpu.memory_space<vmem_shared>> -> memref<10000x128xf32, #tpu.memory_space<vmem_shared>>
      tpu.enqueue_indirect_dma source(%arg9 : memref<80x128xf32, #tpu.memory_space<vmem>>) target(%dma_start3A_1129 : memref<10000x128xf32, #tpu.memory_space<vmem_shared>>) offsets(%dma_start3A_1126 : memref<80xi32, #tpu.memory_space<vmem>>) semaphore(%arg13 : memref<!tpu.dma_semaphore, #tpu.memory_space<semaphore_mem>>) {add = true}
      %dma_wait3A_1130 = arith.constant 24 : i32
      %dma_wait3A_1131 = arith.constant 0 : i32
      %dma_wait3A_1132 = arith.constant 0 : i32
      %dma_wait3A_1133 = tpu.memref_slice %arg5[%select_n3A_70, %dma_wait3A_1131, %dma_wait3A_1132] : memref<2x25x80xi32, #tpu.memory_space<vmem>> -> memref<1x25x80xi32, #tpu.memory_space<vmem>>
      %dma_wait3A_1134 = tpu.memref_squeeze %dma_wait3A_1133 : memref<1x25x80xi32, #tpu.memory_space<vmem>> -> memref<25x80xi32, #tpu.memory_space<vmem>>
      %dma_wait3A_1135 = arith.constant 0 : i32
      %dma_wait3A_1136 = tpu.memref_slice %dma_wait3A_1134[%dma_wait3A_1130, %dma_wait3A_1135] : memref<25x80xi32, #tpu.memory_space<vmem>> -> memref<1x80xi32, #tpu.memory_space<vmem>>
      %dma_wait3A_1137 = tpu.memref_squeeze %dma_wait3A_1136 : memref<1x80xi32, #tpu.memory_space<vmem>> -> memref<80xi32, #tpu.memory_space<vmem>>
      %dma_wait3A_1138 = arith.constant 0 : i32
      %dma_wait3A_1139 = arith.constant 0 : i32
      %dma_wait3A_1140 = tpu.memref_slice %arg2[%dma_wait3A_1138, %dma_wait3A_1139] : memref<10000x128xf32, #tpu.memory_space<hbm>> -> memref<10000x128xf32, #tpu.memory_space<hbm>>
      tpu.wait_indirect_dma semaphore(%arg11 : memref<!tpu.dma_semaphore, #tpu.memory_space<semaphore_mem>>) src(%dma_wait3A_1140 : memref<10000x128xf32, #tpu.memory_space<hbm>>) dst(%arg7 : memref<80x128xf32, #tpu.memory_space<vmem>>)
      %dma_start3A_1141 = arith.constant 24 : i32
      %dma_start3A_1142 = arith.constant 0 : i32
      %dma_start3A_1143 = arith.constant 0 : i32
      %dma_start3A_1144 = tpu.memref_slice %arg6[%select_n3A_70, %dma_start3A_1142, %dma_start3A_1143] : memref<2x25x80xi32, #tpu.memory_space<vmem>> -> memref<1x25x80xi32, #tpu.memory_space<vmem>>
      %dma_start3A_1145 = tpu.memref_squeeze %dma_start3A_1144 : memref<1x25x80xi32, #tpu.memory_space<vmem>> -> memref<25x80xi32, #tpu.memory_space<vmem>>
      %dma_start3A_1146 = arith.constant 0 : i32
      %dma_start3A_1147 = tpu.memref_slice %dma_start3A_1145[%dma_start3A_1141, %dma_start3A_1146] : memref<25x80xi32, #tpu.memory_space<vmem>> -> memref<1x80xi32, #tpu.memory_space<vmem>>
      %dma_start3A_1148 = tpu.memref_squeeze %dma_start3A_1147 : memref<1x80xi32, #tpu.memory_space<vmem>> -> memref<80xi32, #tpu.memory_space<vmem>>
      %dma_start3A_1149 = arith.constant 0 : i32
      %dma_start3A_1150 = arith.constant 0 : i32
      %dma_start3A_1151 = tpu.memref_slice %arg10[%dma_start3A_1149, %dma_start3A_1150] : memref<10000x128xf32, #tpu.memory_space<vmem_shared>> -> memref<10000x128xf32, #tpu.memory_space<vmem_shared>>
      tpu.enqueue_indirect_dma source(%arg7 : memref<80x128xf32, #tpu.memory_space<vmem>>) target(%dma_start3A_1151 : memref<10000x128xf32, #tpu.memory_space<vmem_shared>>) offsets(%dma_start3A_1148 : memref<80xi32, #tpu.memory_space<vmem>>) semaphore(%arg11 : memref<!tpu.dma_semaphore, #tpu.memory_space<semaphore_mem>>) {add = true}
      %dma_wait3A_1152 = arith.constant 22 : i32
      %dma_wait3A_1153 = arith.constant 0 : i32
      %dma_wait3A_1154 = arith.constant 0 : i32
      %dma_wait3A_1155 = tpu.memref_slice %arg6[%select_n3A_70, %dma_wait3A_1153, %dma_wait3A_1154] : memref<2x25x80xi32, #tpu.memory_space<vmem>> -> memref<1x25x80xi32, #tpu.memory_space<vmem>>
      %dma_wait3A_1156 = tpu.memref_squeeze %dma_wait3A_1155 : memref<1x25x80xi32, #tpu.memory_space<vmem>> -> memref<25x80xi32, #tpu.memory_space<vmem>>
      %dma_wait3A_1157 = arith.constant 0 : i32
      %dma_wait3A_1158 = tpu.memref_slice %dma_wait3A_1156[%dma_wait3A_1152, %dma_wait3A_1157] : memref<25x80xi32, #tpu.memory_space<vmem>> -> memref<1x80xi32, #tpu.memory_space<vmem>>
      %dma_wait3A_1159 = tpu.memref_squeeze %dma_wait3A_1158 : memref<1x80xi32, #tpu.memory_space<vmem>> -> memref<80xi32, #tpu.memory_space<vmem>>
      %dma_wait3A_1160 = arith.constant 0 : i32
      %dma_wait3A_1161 = arith.constant 0 : i32
      %dma_wait3A_1162 = tpu.memref_slice %arg10[%dma_wait3A_1160, %dma_wait3A_1161] : memref<10000x128xf32, #tpu.memory_space<vmem_shared>> -> memref<10000x128xf32, #tpu.memory_space<vmem_shared>>
      tpu.wait_indirect_dma semaphore(%arg12 : memref<!tpu.dma_semaphore, #tpu.memory_space<semaphore_mem>>) src(%arg8 : memref<80x128xf32, #tpu.memory_space<vmem>>) dst(%dma_wait3A_1162 : memref<10000x128xf32, #tpu.memory_space<vmem_shared>>)
      %dma_wait3A_1163 = arith.constant 23 : i32
      %dma_wait3A_1164 = arith.constant 0 : i32
      %dma_wait3A_1165 = arith.constant 0 : i32
      %dma_wait3A_1166 = tpu.memref_slice %arg6[%select_n3A_70, %dma_wait3A_1164, %dma_wait3A_1165] : memref<2x25x80xi32, #tpu.memory_space<vmem>> -> memref<1x25x80xi32, #tpu.memory_space<vmem>>
      %dma_wait3A_1167 = tpu.memref_squeeze %dma_wait3A_1166 : memref<1x25x80xi32, #tpu.memory_space<vmem>> -> memref<25x80xi32, #tpu.memory_space<vmem>>
      %dma_wait3A_1168 = arith.constant 0 : i32
      %dma_wait3A_1169 = tpu.memref_slice %dma_wait3A_1167[%dma_wait3A_1163, %dma_wait3A_1168] : memref<25x80xi32, #tpu.memory_space<vmem>> -> memref<1x80xi32, #tpu.memory_space<vmem>>
      %dma_wait3A_1170 = tpu.memref_squeeze %dma_wait3A_1169 : memref<1x80xi32, #tpu.memory_space<vmem>> -> memref<80xi32, #tpu.memory_space<vmem>>
      %dma_wait3A_1171 = arith.constant 0 : i32
      %dma_wait3A_1172 = arith.constant 0 : i32
      %dma_wait3A_1173 = tpu.memref_slice %arg10[%dma_wait3A_1171, %dma_wait3A_1172] : memref<10000x128xf32, #tpu.memory_space<vmem_shared>> -> memref<10000x128xf32, #tpu.memory_space<vmem_shared>>
      tpu.wait_indirect_dma semaphore(%arg13 : memref<!tpu.dma_semaphore, #tpu.memory_space<semaphore_mem>>) src(%arg9 : memref<80x128xf32, #tpu.memory_space<vmem>>) dst(%dma_wait3A_1173 : memref<10000x128xf32, #tpu.memory_space<vmem_shared>>)
      %dma_wait3A_1174 = arith.constant 24 : i32
      %dma_wait3A_1175 = arith.constant 0 : i32
      %dma_wait3A_1176 = arith.constant 0 : i32
      %dma_wait3A_1177 = tpu.memref_slice %arg6[%select_n3A_70, %dma_wait3A_1175, %dma_wait3A_1176] : memref<2x25x80xi32, #tpu.memory_space<vmem>> -> memref<1x25x80xi32, #tpu.memory_space<vmem>>
      %dma_wait3A_1178 = tpu.memref_squeeze %dma_wait3A_1177 : memref<1x25x80xi32, #tpu.memory_space<vmem>> -> memref<25x80xi32, #tpu.memory_space<vmem>>
      %dma_wait3A_1179 = arith.constant 0 : i32
      %dma_wait3A_1180 = tpu.memref_slice %dma_wait3A_1178[%dma_wait3A_1174, %dma_wait3A_1179] : memref<25x80xi32, #tpu.memory_space<vmem>> -> memref<1x80xi32, #tpu.memory_space<vmem>>
      %dma_wait3A_1181 = tpu.memref_squeeze %dma_wait3A_1180 : memref<1x80xi32, #tpu.memory_space<vmem>> -> memref<80xi32, #tpu.memory_space<vmem>>
      %dma_wait3A_1182 = arith.constant 0 : i32
      %dma_wait3A_1183 = arith.constant 0 : i32
      %dma_wait3A_1184 = tpu.memref_slice %arg10[%dma_wait3A_1182, %dma_wait3A_1183] : memref<10000x128xf32, #tpu.memory_space<vmem_shared>> -> memref<10000x128xf32, #tpu.memory_space<vmem_shared>>
      tpu.wait_indirect_dma semaphore(%arg11 : memref<!tpu.dma_semaphore, #tpu.memory_space<semaphore_mem>>) src(%arg7 : memref<80x128xf32, #tpu.memory_space<vmem>>) dst(%dma_wait3A_1184 : memref<10000x128xf32, #tpu.memory_space<vmem_shared>>)
      %add3A_1185 = arith.constant 2 : i32
      %add3A_1186 = arith.addi %scan3A_61, %add3A_1185 : i32
      %lt3A_1187 = arith.constant 5 : i32
      %lt3A_1188 = arith.cmpi slt, %add3A_1186, %lt3A_1187 : i32
      %eq3A_1189 = arith.constant 0 : i32
      %eq3A_1190 = arith.cmpi eq, %select_n3A_70, %eq3A_1189 : i32
      %and3A_1191 = arith.andi %lt3A_1188, %eq3A_1190 : i1
      %convert_element_type3A_1192 = arith.extui %and3A_1191 : i1 to i32
      %cond3A_1193 = arith.constant 0 : i32
      %cond3A_1194 = arith.cmpi ne, %convert_element_type3A_1192, %cond3A_1193 : i32
      scf.if %cond3A_1194 {
        %add3A_1205 = arith.constant 2 : i32
        %add3A_1206 = arith.addi %scan3A_61, %add3A_1205 : i32
        %dma_start3A_1207 = arith.constant 0 : i32
        %dma_start3A_1208 = arith.constant 0 : i32
        %dma_start3A_1209 = arith.constant 0 : i32
        %dma_start3A_1210 = tpu.memref_slice %arg5[%select_n3A_70, %dma_start3A_1208, %dma_start3A_1209] : memref<2x25x80xi32, #tpu.memory_space<vmem>> -> memref<1x25x80xi32, #tpu.memory_space<vmem>>
        %dma_start3A_1211 = tpu.memref_squeeze %dma_start3A_1210 : memref<1x25x80xi32, #tpu.memory_space<vmem>> -> memref<25x80xi32, #tpu.memory_space<vmem>>
        %dma_start3A_1212 = arith.constant 0 : i32
        %dma_start3A_1213 = arith.constant 0 : i32
        %dma_start3A_1214 = tpu.memref_slice %arg3[%dma_start3A_1207, %arg0, %arg1, %add3A_1206, %dma_start3A_1212, %dma_start3A_1213] : memref<2x2x16x5x25x80xi32, #tpu.memory_space<hbm>> -> memref<1x1x1x1x25x80xi32, #tpu.memory_space<hbm>>
        %dma_start3A_1215 = tpu.memref_squeeze %dma_start3A_1214 : memref<1x1x1x1x25x80xi32, #tpu.memory_space<hbm>> -> memref<25x80xi32, #tpu.memory_space<hbm>>
        %dma_start3A_1216 = arith.constant 0 : i32
        %dma_start3A_1217 = arith.constant 0 : i32
        %dma_start3A_1218 = tpu.memref_slice %arg5[%select_n3A_70, %dma_start3A_1216, %dma_start3A_1217] : memref<2x25x80xi32, #tpu.memory_space<vmem>> -> memref<1x25x80xi32, #tpu.memory_space<vmem>>
        %dma_start3A_1219 = tpu.memref_squeeze %dma_start3A_1218 : memref<1x25x80xi32, #tpu.memory_space<vmem>> -> memref<25x80xi32, #tpu.memory_space<vmem>>
        %dma_start3A_1220 = arith.constant 0 : i32
        %dma_start3A_1221 = arith.constant 0 : i32
        %dma_start3A_1222 = tpu.memref_slice %arg3[%dma_start3A_1207, %arg0, %arg1, %add3A_1206, %dma_start3A_1220, %dma_start3A_1221] : memref<2x2x16x5x25x80xi32, #tpu.memory_space<hbm>> -> memref<1x1x1x1x25x80xi32, #tpu.memory_space<hbm>>
        %dma_start3A_1223 = tpu.memref_squeeze %dma_start3A_1222 : memref<1x1x1x1x25x80xi32, #tpu.memory_space<hbm>> -> memref<25x80xi32, #tpu.memory_space<hbm>>
        tpu.enqueue_dma source(%dma_start3A_1223 : memref<25x80xi32, #tpu.memory_space<hbm>>) target(%dma_start3A_1219 : memref<25x80xi32, #tpu.memory_space<vmem>>) target_semaphore(%arg14 : memref<!tpu.dma_semaphore, #tpu.memory_space<semaphore_mem>>)
        %add3A_1224 = arith.constant 2 : i32
        %add3A_1225 = arith.addi %scan3A_61, %add3A_1224 : i32
        %dma_start3A_1226 = arith.constant 1 : i32
        %dma_start3A_1227 = arith.constant 0 : i32
        %dma_start3A_1228 = arith.constant 0 : i32
        %dma_start3A_1229 = tpu.memref_slice %arg6[%select_n3A_70, %dma_start3A_1227, %dma_start3A_1228] : memref<2x25x80xi32, #tpu.memory_space<vmem>> -> memref<1x25x80xi32, #tpu.memory_space<vmem>>
        %dma_start3A_1230 = tpu.memref_squeeze %dma_start3A_1229 : memref<1x25x80xi32, #tpu.memory_space<vmem>> -> memref<25x80xi32, #tpu.memory_space<vmem>>
        %dma_start3A_1231 = arith.constant 0 : i32
        %dma_start3A_1232 = arith.constant 0 : i32
        %dma_start3A_1233 = tpu.memref_slice %arg3[%dma_start3A_1226, %arg0, %arg1, %add3A_1225, %dma_start3A_1231, %dma_start3A_1232] : memref<2x2x16x5x25x80xi32, #tpu.memory_space<hbm>> -> memref<1x1x1x1x25x80xi32, #tpu.memory_space<hbm>>
        %dma_start3A_1234 = tpu.memref_squeeze %dma_start3A_1233 : memref<1x1x1x1x25x80xi32, #tpu.memory_space<hbm>> -> memref<25x80xi32, #tpu.memory_space<hbm>>
        %dma_start3A_1235 = arith.constant 0 : i32
        %dma_start3A_1236 = arith.constant 0 : i32
        %dma_start3A_1237 = tpu.memref_slice %arg6[%select_n3A_70, %dma_start3A_1235, %dma_start3A_1236] : memref<2x25x80xi32, #tpu.memory_space<vmem>> -> memref<1x25x80xi32, #tpu.memory_space<vmem>>
        %dma_start3A_1238 = tpu.memref_squeeze %dma_start3A_1237 : memref<1x25x80xi32, #tpu.memory_space<vmem>> -> memref<25x80xi32, #tpu.memory_space<vmem>>
        %dma_start3A_1239 = arith.constant 0 : i32
        %dma_start3A_1240 = arith.constant 0 : i32
        %dma_start3A_1241 = tpu.memref_slice %arg3[%dma_start3A_1226, %arg0, %arg1, %add3A_1225, %dma_start3A_1239, %dma_start3A_1240] : memref<2x2x16x5x25x80xi32, #tpu.memory_space<hbm>> -> memref<1x1x1x1x25x80xi32, #tpu.memory_space<hbm>>
        %dma_start3A_1242 = tpu.memref_squeeze %dma_start3A_1241 : memref<1x1x1x1x25x80xi32, #tpu.memory_space<hbm>> -> memref<25x80xi32, #tpu.memory_space<hbm>>
        tpu.enqueue_dma source(%dma_start3A_1242 : memref<25x80xi32, #tpu.memory_space<hbm>>) target(%dma_start3A_1238 : memref<25x80xi32, #tpu.memory_space<vmem>>) target_semaphore(%arg14 : memref<!tpu.dma_semaphore, #tpu.memory_space<semaphore_mem>>)
      } else {
      }
      %add3A_1195 = arith.constant 2 : i32
      %add3A_1196 = arith.addi %scan3A_61, %add3A_1195 : i32
      %lt3A_1197 = arith.constant 5 : i32
      %lt3A_1198 = arith.cmpi slt, %add3A_1196, %lt3A_1197 : i32
      %eq3A_1199 = arith.constant 1 : i32
      %eq3A_1200 = arith.cmpi eq, %select_n3A_70, %eq3A_1199 : i32
      %and3A_1201 = arith.andi %lt3A_1198, %eq3A_1200 : i1
      %convert_element_type3A_1202 = arith.extui %and3A_1201 : i1 to i32
      %cond3A_1203 = arith.constant 0 : i32
      %cond3A_1204 = arith.cmpi ne, %convert_element_type3A_1202, %cond3A_1203 : i32
      scf.if %cond3A_1204 {
        %add3A_1205 = arith.constant 2 : i32
        %add3A_1206 = arith.addi %scan3A_61, %add3A_1205 : i32
        %dma_start3A_1207 = arith.constant 0 : i32
        %dma_start3A_1208 = arith.constant 0 : i32
        %dma_start3A_1209 = arith.constant 0 : i32
        %dma_start3A_1210 = tpu.memref_slice %arg5[%select_n3A_70, %dma_start3A_1208, %dma_start3A_1209] : memref<2x25x80xi32, #tpu.memory_space<vmem>> -> memref<1x25x80xi32, #tpu.memory_space<vmem>>
        %dma_start3A_1211 = tpu.memref_squeeze %dma_start3A_1210 : memref<1x25x80xi32, #tpu.memory_space<vmem>> -> memref<25x80xi32, #tpu.memory_space<vmem>>
        %dma_start3A_1212 = arith.constant 0 : i32
        %dma_start3A_1213 = arith.constant 0 : i32
        %dma_start3A_1214 = tpu.memref_slice %arg3[%dma_start3A_1207, %arg0, %arg1, %add3A_1206, %dma_start3A_1212, %dma_start3A_1213] : memref<2x2x16x5x25x80xi32, #tpu.memory_space<hbm>> -> memref<1x1x1x1x25x80xi32, #tpu.memory_space<hbm>>
        %dma_start3A_1215 = tpu.memref_squeeze %dma_start3A_1214 : memref<1x1x1x1x25x80xi32, #tpu.memory_space<hbm>> -> memref<25x80xi32, #tpu.memory_space<hbm>>
        %dma_start3A_1216 = arith.constant 0 : i32
        %dma_start3A_1217 = arith.constant 0 : i32
        %dma_start3A_1218 = tpu.memref_slice %arg5[%select_n3A_70, %dma_start3A_1216, %dma_start3A_1217] : memref<2x25x80xi32, #tpu.memory_space<vmem>> -> memref<1x25x80xi32, #tpu.memory_space<vmem>>
        %dma_start3A_1219 = tpu.memref_squeeze %dma_start3A_1218 : memref<1x25x80xi32, #tpu.memory_space<vmem>> -> memref<25x80xi32, #tpu.memory_space<vmem>>
        %dma_start3A_1220 = arith.constant 0 : i32
        %dma_start3A_1221 = arith.constant 0 : i32
        %dma_start3A_1222 = tpu.memref_slice %arg3[%dma_start3A_1207, %arg0, %arg1, %add3A_1206, %dma_start3A_1220, %dma_start3A_1221] : memref<2x2x16x5x25x80xi32, #tpu.memory_space<hbm>> -> memref<1x1x1x1x25x80xi32, #tpu.memory_space<hbm>>
        %dma_start3A_1223 = tpu.memref_squeeze %dma_start3A_1222 : memref<1x1x1x1x25x80xi32, #tpu.memory_space<hbm>> -> memref<25x80xi32, #tpu.memory_space<hbm>>
        tpu.enqueue_dma source(%dma_start3A_1223 : memref<25x80xi32, #tpu.memory_space<hbm>>) target(%dma_start3A_1219 : memref<25x80xi32, #tpu.memory_space<vmem>>) target_semaphore(%arg15 : memref<!tpu.dma_semaphore, #tpu.memory_space<semaphore_mem>>)
        %add3A_1224 = arith.constant 2 : i32
        %add3A_1225 = arith.addi %scan3A_61, %add3A_1224 : i32
        %dma_start3A_1226 = arith.constant 1 : i32
        %dma_start3A_1227 = arith.constant 0 : i32
        %dma_start3A_1228 = arith.constant 0 : i32
        %dma_start3A_1229 = tpu.memref_slice %arg6[%select_n3A_70, %dma_start3A_1227, %dma_start3A_1228] : memref<2x25x80xi32, #tpu.memory_space<vmem>> -> memref<1x25x80xi32, #tpu.memory_space<vmem>>
        %dma_start3A_1230 = tpu.memref_squeeze %dma_start3A_1229 : memref<1x25x80xi32, #tpu.memory_space<vmem>> -> memref<25x80xi32, #tpu.memory_space<vmem>>
        %dma_start3A_1231 = arith.constant 0 : i32
        %dma_start3A_1232 = arith.constant 0 : i32
        %dma_start3A_1233 = tpu.memref_slice %arg3[%dma_start3A_1226, %arg0, %arg1, %add3A_1225, %dma_start3A_1231, %dma_start3A_1232] : memref<2x2x16x5x25x80xi32, #tpu.memory_space<hbm>> -> memref<1x1x1x1x25x80xi32, #tpu.memory_space<hbm>>
        %dma_start3A_1234 = tpu.memref_squeeze %dma_start3A_1233 : memref<1x1x1x1x25x80xi32, #tpu.memory_space<hbm>> -> memref<25x80xi32, #tpu.memory_space<hbm>>
        %dma_start3A_1235 = arith.constant 0 : i32
        %dma_start3A_1236 = arith.constant 0 : i32
        %dma_start3A_1237 = tpu.memref_slice %arg6[%select_n3A_70, %dma_start3A_1235, %dma_start3A_1236] : memref<2x25x80xi32, #tpu.memory_space<vmem>> -> memref<1x25x80xi32, #tpu.memory_space<vmem>>
        %dma_start3A_1238 = tpu.memref_squeeze %dma_start3A_1237 : memref<1x25x80xi32, #tpu.memory_space<vmem>> -> memref<25x80xi32, #tpu.memory_space<vmem>>
        %dma_start3A_1239 = arith.constant 0 : i32
        %dma_start3A_1240 = arith.constant 0 : i32
        %dma_start3A_1241 = tpu.memref_slice %arg3[%dma_start3A_1226, %arg0, %arg1, %add3A_1225, %dma_start3A_1239, %dma_start3A_1240] : memref<2x2x16x5x25x80xi32, #tpu.memory_space<hbm>> -> memref<1x1x1x1x25x80xi32, #tpu.memory_space<hbm>>
        %dma_start3A_1242 = tpu.memref_squeeze %dma_start3A_1241 : memref<1x1x1x1x25x80xi32, #tpu.memory_space<hbm>> -> memref<25x80xi32, #tpu.memory_space<hbm>>
        tpu.enqueue_dma source(%dma_start3A_1242 : memref<25x80xi32, #tpu.memory_space<hbm>>) target(%dma_start3A_1238 : memref<25x80xi32, #tpu.memory_space<vmem>>) target_semaphore(%arg15 : memref<!tpu.dma_semaphore, #tpu.memory_space<semaphore_mem>>)
      } else {
      }
    }
    %scan3A_54 = arith.constant 5 : i32
    %barrier3A_55 = arith.constant 0 : index
    tpu.barrier barrier_id(%barrier3A_55)
    "tpu.region"() ({
      %run_scoped3A_61 = tpu.sem_alloc : memref<!tpu.dma_semaphore, #tpu.memory_space<semaphore_mem>>
      %dma_start3A_62 = arith.constant 0 : i32
      %dma_start3A_63 = tpu.memref_slice %arg4[%arg0, %mul3A_0, %dma_start3A_62] : memref<2x10000x128xf32, #tpu.memory_space<hbm>> -> memref<1x624x128xf32, #tpu.memory_space<hbm>>
      %dma_start3A_64 = tpu.memref_squeeze %dma_start3A_63 : memref<1x624x128xf32, #tpu.memory_space<hbm>> -> memref<624x128xf32, #tpu.memory_space<hbm>>
      %dma_start3A_65 = arith.constant 0 : i32
      %dma_start3A_66 = tpu.memref_slice %arg10[%mul3A_0, %dma_start3A_65] : memref<10000x128xf32, #tpu.memory_space<vmem_shared>> -> memref<624x128xf32, #tpu.memory_space<vmem_shared>>
      tpu.enqueue_dma source(%dma_start3A_66 : memref<624x128xf32, #tpu.memory_space<vmem_shared>>) target(%dma_start3A_64 : memref<624x128xf32, #tpu.memory_space<hbm>>) target_semaphore(%run_scoped3A_61 : memref<!tpu.dma_semaphore, #tpu.memory_space<semaphore_mem>>)
      %dma_wait3A = arith.constant 0 : i32
      %dma_wait3A_67 = tpu.memref_slice %arg4[%arg0, %mul3A_0, %dma_wait3A] : memref<2x10000x128xf32, #tpu.memory_space<hbm>> -> memref<1x624x128xf32, #tpu.memory_space<hbm>>
      %dma_wait3A_68 = tpu.memref_squeeze %dma_wait3A_67 : memref<1x624x128xf32, #tpu.memory_space<hbm>> -> memref<624x128xf32, #tpu.memory_space<hbm>>
      %dma_wait3A_69 = arith.constant 0 : i32
      %dma_wait3A_70 = tpu.memref_slice %arg10[%mul3A_0, %dma_wait3A_69] : memref<10000x128xf32, #tpu.memory_space<vmem_shared>> -> memref<624x128xf32, #tpu.memory_space<vmem_shared>>
      tpu.wait_dma2 semaphore(%run_scoped3A_61 : memref<!tpu.dma_semaphore, #tpu.memory_space<semaphore_mem>>) src(%dma_wait3A_70 : memref<624x128xf32, #tpu.memory_space<vmem_shared>>) dst(%dma_wait3A_68 : memref<624x128xf32, #tpu.memory_space<hbm>>)
      tpu.yield
    }) : () -> ()
    %eq3A_56 = arith.constant 0 : i32
    %eq3A_57 = arith.cmpi eq, %arg1, %eq3A_56 : i32
    %convert_element_type3A_58 = arith.extui %eq3A_57 : i1 to i32
    %cond3A_59 = arith.constant 0 : i32
    %cond3A_60 = arith.cmpi ne, %convert_element_type3A_58, %cond3A_59 : i32
    scf.if %cond3A_60 {
      "tpu.region"() ({
        %run_scoped3A_61 = tpu.sem_alloc : memref<!tpu.dma_semaphore, #tpu.memory_space<semaphore_mem>>
        %dma_start3A_62 = arith.constant 9984 : i32
        %dma_start3A_63 = arith.constant 0 : i32
        %dma_start3A_64 = tpu.memref_slice %arg4[%arg0, %dma_start3A_62, %dma_start3A_63] : memref<2x10000x128xf32, #tpu.memory_space<hbm>> -> memref<1x16x128xf32, #tpu.memory_space<hbm>>
        %dma_start3A_65 = tpu.memref_squeeze %dma_start3A_64 : memref<1x16x128xf32, #tpu.memory_space<hbm>> -> memref<16x128xf32, #tpu.memory_space<hbm>>
        %dma_start3A_66 = arith.constant 9984 : i32
        %dma_start3A_67 = arith.constant 0 : i32
        %dma_start3A_68 = tpu.memref_slice %arg10[%dma_start3A_66, %dma_start3A_67] : memref<10000x128xf32, #tpu.memory_space<vmem_shared>> -> memref<16x128xf32, #tpu.memory_space<vmem_shared>>
        tpu.enqueue_dma source(%dma_start3A_68 : memref<16x128xf32, #tpu.memory_space<vmem_shared>>) target(%dma_start3A_65 : memref<16x128xf32, #tpu.memory_space<hbm>>) target_semaphore(%run_scoped3A_61 : memref<!tpu.dma_semaphore, #tpu.memory_space<semaphore_mem>>)
        %dma_wait3A = arith.constant 9984 : i32
        %dma_wait3A_69 = arith.constant 0 : i32
        %dma_wait3A_70 = tpu.memref_slice %arg4[%arg0, %dma_wait3A, %dma_wait3A_69] : memref<2x10000x128xf32, #tpu.memory_space<hbm>> -> memref<1x16x128xf32, #tpu.memory_space<hbm>>
        %dma_wait3A_71 = tpu.memref_squeeze %dma_wait3A_70 : memref<1x16x128xf32, #tpu.memory_space<hbm>> -> memref<16x128xf32, #tpu.memory_space<hbm>>
        %dma_wait3A_72 = arith.constant 9984 : i32
        %dma_wait3A_73 = arith.constant 0 : i32
        %dma_wait3A_74 = tpu.memref_slice %arg10[%dma_wait3A_72, %dma_wait3A_73] : memref<10000x128xf32, #tpu.memory_space<vmem_shared>> -> memref<16x128xf32, #tpu.memory_space<vmem_shared>>
        tpu.wait_dma2 semaphore(%run_scoped3A_61 : memref<!tpu.dma_semaphore, #tpu.memory_space<semaphore_mem>>) src(%dma_wait3A_74 : memref<16x128xf32, #tpu.memory_space<vmem_shared>>) dst(%dma_wait3A_71 : memref<16x128xf32, #tpu.memory_space<hbm>>)
        tpu.yield
      }) : () -> ()
    } else {
    }
    return
  }
}

module attributes {stable_mosaic.version = 14 : i64} {
  func.func @k(%arg0: i32, %arg1: i32, %arg2: memref<2x5000x128xf32, #tpu.memory_space<vmem>>, %arg3: memref<128x128xf32, #tpu.memory_space<vmem>>, %arg4: memref<1x128xf32, #tpu.memory_space<vmem>>, %arg5: memref<1x128xf32, #tpu.memory_space<vmem>>, %arg6: memref<1x128xf32, #tpu.memory_space<vmem>>, %arg7: memref<128x128xf32, #tpu.memory_space<vmem>>, %arg8: memref<1x128xf32, #tpu.memory_space<vmem>>, %arg9: memref<40x128xf32, #tpu.memory_space<vmem>>, %arg10: memref<1x40xf32, #tpu.memory_space<vmem>>, %arg11: memref<5000x40xf32, #tpu.memory_space<vmem>>, %arg12: memref<10000x128xf32, #tpu.memory_space<vmem>>, %arg13: memref<2x128xf32, #tpu.memory_space<vmem>>) attributes {dimension_semantics = [#tpu.dimension_semantics<arbitrary>, #tpu.dimension_semantics<arbitrary>], iteration_bounds = array<i64: 2, 2>, scalar_prefetch = 0 : i64, scratch_operands = 2 : i64, tpu.core_type = #tpu.core_type<tc>, window_params = [{transform_indices = @transform_0, window_bounds = array<i64: 2, 5000, 128>}, {pipeline_mode = #tpu.pipeline_mode<synchronous>, transform_indices = @transform_1, window_bounds = array<i64: 128, 128>}, {pipeline_mode = #tpu.pipeline_mode<synchronous>, transform_indices = @transform_2, window_bounds = array<i64: 1, 128>}, {pipeline_mode = #tpu.pipeline_mode<synchronous>, transform_indices = @transform_3, window_bounds = array<i64: 1, 128>}, {pipeline_mode = #tpu.pipeline_mode<synchronous>, transform_indices = @transform_4, window_bounds = array<i64: 1, 128>}, {pipeline_mode = #tpu.pipeline_mode<synchronous>, transform_indices = @transform_5, window_bounds = array<i64: 128, 128>}, {pipeline_mode = #tpu.pipeline_mode<synchronous>, transform_indices = @transform_6, window_bounds = array<i64: 1, 128>}, {pipeline_mode = #tpu.pipeline_mode<synchronous>, transform_indices = @transform_7, window_bounds = array<i64: 40, 128>}, {pipeline_mode = #tpu.pipeline_mode<synchronous>, transform_indices = @transform_8, window_bounds = array<i64: 1, 40>}, {transform_indices = @transform_9, window_bounds = array<i64: 5000, 40>}]} {
    %eq3A = arith.constant 0 : i32
    %eq3A_0 = arith.cmpi eq, %arg0, %eq3A : i32
    %convert_element_type3A = arith.extui %eq3A_0 : i1 to i32
    %cond3A = arith.constant 0 : i32
    %cond3A_1 = arith.cmpi ne, %convert_element_type3A, %cond3A : i32
    scf.if %cond3A_1 {
      %get3A = arith.constant 0 : index
      %get3A_7 = arith.constant 0 : index
      %get3A_8 = arith.constant 0 : index
      %get3A_9 = vector.load %arg2[%get3A, %get3A_7, %get3A_8] : memref<2x5000x128xf32, #tpu.memory_space<vmem>>, vector<1x5000x128xf32>
      %get3A_10 = vector.shape_cast %get3A_9 : vector<1x5000x128xf32> to vector<5000x128xf32>
      %get3A_11 = arith.constant 1 : index
      %get3A_12 = arith.constant 0 : index
      %get3A_13 = arith.constant 0 : index
      %get3A_14 = vector.load %arg2[%get3A_11, %get3A_12, %get3A_13] : memref<2x5000x128xf32, #tpu.memory_space<vmem>>, vector<1x5000x128xf32>
      %get3A_15 = vector.shape_cast %get3A_14 : vector<1x5000x128xf32> to vector<5000x128xf32>
      %add3A = arith.addf %get3A_10, %get3A_15 : vector<5000x128xf32>
      %get3A_16 = arith.constant 0 : index
      %get3A_17 = arith.constant 0 : index
      %get3A_18 = vector.load %arg3[%get3A_16, %get3A_17] : memref<128x128xf32, #tpu.memory_space<vmem>>, vector<128x128xf32>
      %dot_general3A = arith.constant dense<0.000000e+00> : vector<5000x128xf32>
      %dot_general3A_19 = tpu.matmul %add3A, %get3A_18, %dot_general3A {dimension_numbers = #tpu.dot_dimension_numbers<[1], [1], [0], [0], [0, 0, 1, 0], [], []>, transpose_lhs_hint = false} : vector<5000x128xf32>, vector<128x128xf32>, vector<5000x128xf32> -> vector<5000x128xf32>
      %get3A_20 = arith.constant 0 : index
      %get3A_21 = arith.constant 0 : index
      %get3A_22 = vector.load %arg4[%get3A_20, %get3A_21] : memref<1x128xf32, #tpu.memory_space<vmem>>, vector<1x128xf32>
      %add3A_23 = vector.broadcast %get3A_22 : vector<1x128xf32> to vector<5000x128xf32>
      %add3A_24 = arith.addf %dot_general3A_19, %add3A_23 : vector<5000x128xf32>
      %max3A = arith.constant 0.000000e+00 : f32
      %max3A_25 = vector.broadcast %max3A : f32 to vector<5000x128xf32>
      %max3A_26 = arith.maximumf %add3A_24, %max3A_25 : vector<5000x128xf32>
      %mul3A = arith.constant 5000 : i32
      %mul3A_27 = arith.muli %arg1, %mul3A : i32
      %swap3A = arith.index_cast %mul3A_27 : i32 to index
      %swap3A_28 = arith.constant 0 : index
      %swap3A_29 = vector.load %arg12[%swap3A, %swap3A_28] : memref<10000x128xf32, #tpu.memory_space<vmem>>, vector<5000x128xf32>
      tpu.vector_store %arg12[%swap3A, %swap3A_28], %max3A_26 {strides = array<i32>} : memref<10000x128xf32, #tpu.memory_space<vmem>>, vector<5000x128xf32>,
      %eq3A_30 = arith.constant 0 : i32
      %eq3A_31 = arith.cmpi eq, %arg1, %eq3A_30 : i32
      %convert_element_type3A_32 = arith.extui %eq3A_31 : i1 to i32
      %cond3A_33 = arith.constant 0 : i32
      %cond3A_34 = arith.cmpi ne, %convert_element_type3A_32, %cond3A_33 : i32
      scf.if %cond3A_34 {
        %broadcast_in_dim3A_54 = arith.constant 0.000000e+00 : f32
        %broadcast_in_dim3A_55 = vector.broadcast %broadcast_in_dim3A_54 : f32 to vector<2x128xf32>
        %swap3A_56 = arith.constant 0 : index
        %swap3A_57 = arith.constant 0 : index
        %swap3A_58 = vector.load %arg13[%swap3A_56, %swap3A_57] : memref<2x128xf32, #tpu.memory_space<vmem>>, vector<2x128xf32>
        tpu.vector_store %arg13[%swap3A_56, %swap3A_57], %broadcast_in_dim3A_55 {strides = array<i32>} : memref<2x128xf32, #tpu.memory_space<vmem>>, vector<2x128xf32>,
      } else {
      }
      %get3A_35 = arith.constant 0 : index
      %get3A_36 = arith.constant 0 : index
      %get3A_37 = vector.load %arg13[%get3A_35, %get3A_36] : memref<2x128xf32, #tpu.memory_space<vmem>>, vector<1x128xf32>
      %reduce_sum3A = arith.constant dense<0.000000e+00> : vector<128xf32>
      %reduce_sum3A_38 = vector.multi_reduction <add>, %max3A_26, %reduce_sum3A [0] : vector<5000x128xf32> to vector<128xf32>
      %broadcast_in_dim3A = vector.shape_cast %reduce_sum3A_38 : vector<128xf32> to vector<1x128xf32>
      %add3A_39 = arith.addf %get3A_37, %broadcast_in_dim3A : vector<1x128xf32>
      %swap3A_40 = arith.constant 0 : index
      %swap3A_41 = arith.constant 0 : index
      %swap3A_42 = vector.load %arg13[%swap3A_40, %swap3A_41] : memref<2x128xf32, #tpu.memory_space<vmem>>, vector<1x128xf32>
      tpu.vector_store %arg13[%swap3A_40, %swap3A_41], %add3A_39 {strides = array<i32>} : memref<2x128xf32, #tpu.memory_space<vmem>>, vector<1x128xf32>,
      %get3A_43 = arith.constant 1 : index
      %get3A_44 = arith.constant 0 : index
      %get3A_45 = vector.load %arg13[%get3A_43, %get3A_44] : memref<2x128xf32, #tpu.memory_space<vmem>>, vector<1x128xf32>
      %mul3A_46 = arith.mulf %max3A_26, %max3A_26 : vector<5000x128xf32>
      %reduce_sum3A_47 = arith.constant dense<0.000000e+00> : vector<128xf32>
      %reduce_sum3A_48 = vector.multi_reduction <add>, %mul3A_46, %reduce_sum3A_47 [0] : vector<5000x128xf32> to vector<128xf32>
      %broadcast_in_dim3A_49 = vector.shape_cast %reduce_sum3A_48 : vector<128xf32> to vector<1x128xf32>
      %add3A_50 = arith.addf %get3A_45, %broadcast_in_dim3A_49 : vector<1x128xf32>
      %swap3A_51 = arith.constant 1 : index
      %swap3A_52 = arith.constant 0 : index
      %swap3A_53 = vector.load %arg13[%swap3A_51, %swap3A_52] : memref<2x128xf32, #tpu.memory_space<vmem>>, vector<1x128xf32>
      tpu.vector_store %arg13[%swap3A_51, %swap3A_52], %add3A_50 {strides = array<i32>} : memref<2x128xf32, #tpu.memory_space<vmem>>, vector<1x128xf32>,
    } else {
    }
    %eq3A_2 = arith.constant 1 : i32
    %eq3A_3 = arith.cmpi eq, %arg0, %eq3A_2 : i32
    %convert_element_type3A_4 = arith.extui %eq3A_3 : i1 to i32
    %cond3A_5 = arith.constant 0 : i32
    %cond3A_6 = arith.cmpi ne, %convert_element_type3A_4, %cond3A_5 : i32
    scf.if %cond3A_6 {
      %get3A = arith.constant 0 : index
      %get3A_7 = arith.constant 0 : index
      %get3A_8 = vector.load %arg13[%get3A, %get3A_7] : memref<2x128xf32, #tpu.memory_space<vmem>>, vector<1x128xf32>
      %mul3A = arith.constant 9.99999974E-5 : f32
      %mul3A_9 = vector.broadcast %mul3A : f32 to vector<1x128xf32>
      %mul3A_10 = arith.mulf %get3A_8, %mul3A_9 : vector<1x128xf32>
      %get3A_11 = arith.constant 1 : index
      %get3A_12 = arith.constant 0 : index
      %get3A_13 = vector.load %arg13[%get3A_11, %get3A_12] : memref<2x128xf32, #tpu.memory_space<vmem>>, vector<1x128xf32>
      %mul3A_14 = arith.constant 9.99999974E-5 : f32
      %mul3A_15 = vector.broadcast %mul3A_14 : f32 to vector<1x128xf32>
      %mul3A_16 = arith.mulf %get3A_13, %mul3A_15 : vector<1x128xf32>
      %mul3A_17 = arith.mulf %mul3A_10, %mul3A_10 : vector<1x128xf32>
      %sub3A = arith.subf %mul3A_16, %mul3A_17 : vector<1x128xf32>
      %get3A_18 = arith.constant 0 : index
      %get3A_19 = arith.constant 0 : index
      %get3A_20 = vector.load %arg5[%get3A_18, %get3A_19] : memref<1x128xf32, #tpu.memory_space<vmem>>, vector<1x128xf32>
      %add3A = arith.constant 9.99999974E-6 : f32
      %add3A_21 = vector.broadcast %add3A : f32 to vector<1x128xf32>
      %add3A_22 = arith.addf %sub3A, %add3A_21 : vector<1x128xf32>
      %rsqrt3A = math.rsqrt %add3A_22 : vector<1x128xf32>
      %mul3A_23 = arith.mulf %get3A_20, %rsqrt3A : vector<1x128xf32>
      %get3A_24 = arith.constant 0 : index
      %get3A_25 = arith.constant 0 : index
      %get3A_26 = vector.load %arg6[%get3A_24, %get3A_25] : memref<1x128xf32, #tpu.memory_space<vmem>>, vector<1x128xf32>
      %mul3A_27 = arith.mulf %mul3A_10, %mul3A_23 : vector<1x128xf32>
      %sub3A_28 = arith.subf %get3A_26, %mul3A_27 : vector<1x128xf32>
      %get3A_29 = arith.constant 0 : index
      %get3A_30 = arith.constant 0 : index
      %get3A_31 = vector.load %arg7[%get3A_29, %get3A_30] : memref<128x128xf32, #tpu.memory_space<vmem>>, vector<128x128xf32>
      %get3A_32 = arith.constant 0 : index
      %get3A_33 = arith.constant 0 : index
      %get3A_34 = vector.load %arg9[%get3A_32, %get3A_33] : memref<40x128xf32, #tpu.memory_space<vmem>>, vector<40x128xf32>
      %dot_general3A = arith.constant dense<0.000000e+00> : vector<128x40xf32>
      %dot_general3A_35 = tpu.matmul %get3A_31, %get3A_34, %dot_general3A {dimension_numbers = #tpu.dot_dimension_numbers<[0], [1], [1], [0], [0, 1, 1, 0], [], []>, transpose_lhs_hint = false} : vector<128x128xf32>, vector<40x128xf32>, vector<128x40xf32> -> vector<128x40xf32>
      %get3A_36 = arith.constant 0 : index
      %get3A_37 = arith.constant 0 : index
      %get3A_38 = vector.load %arg8[%get3A_36, %get3A_37] : memref<1x128xf32, #tpu.memory_space<vmem>>, vector<1x128xf32>
      %get3A_39 = arith.constant 0 : index
      %get3A_40 = arith.constant 0 : index
      %get3A_41 = vector.load %arg9[%get3A_39, %get3A_40] : memref<40x128xf32, #tpu.memory_space<vmem>>, vector<40x128xf32>
      %dot_general3A_42 = arith.constant dense<0.000000e+00> : vector<1x40xf32>
      %dot_general3A_43 = tpu.matmul %get3A_38, %get3A_41, %dot_general3A_42 {dimension_numbers = #tpu.dot_dimension_numbers<[1], [1], [0], [0], [0, 0, 1, 0], [], []>, transpose_lhs_hint = false} : vector<1x128xf32>, vector<40x128xf32>, vector<1x40xf32> -> vector<1x40xf32>
      %get3A_44 = arith.constant 0 : index
      %get3A_45 = arith.constant 0 : index
      %get3A_46 = vector.load %arg10[%get3A_44, %get3A_45] : memref<1x40xf32, #tpu.memory_space<vmem>>, vector<1x40xf32>
      %add3A_47 = arith.addf %dot_general3A_43, %get3A_46 : vector<1x40xf32>
      %mul3A_48 = arith.constant 5000 : i32
      %mul3A_49 = arith.muli %arg1, %mul3A_48 : i32
      %get3A_50 = arith.index_cast %mul3A_49 : i32 to index
      %get3A_51 = arith.constant 0 : index
      %get3A_52 = vector.load %arg12[%get3A_50, %get3A_51] : memref<10000x128xf32, #tpu.memory_space<vmem>>, vector<5000x128xf32>
      %mul3A_53 = vector.broadcast %mul3A_23 : vector<1x128xf32> to vector<5000x128xf32>
      %mul3A_54 = arith.mulf %get3A_52, %mul3A_53 : vector<5000x128xf32>
      %add3A_55 = vector.broadcast %sub3A_28 : vector<1x128xf32> to vector<5000x128xf32>
      %add3A_56 = arith.addf %mul3A_54, %add3A_55 : vector<5000x128xf32>
      %dot_general3A_57 = arith.constant dense<0.000000e+00> : vector<5000x40xf32>
      %dot_general3A_58 = tpu.matmul %add3A_56, %dot_general3A_35, %dot_general3A_57 {dimension_numbers = #tpu.dot_dimension_numbers<[1], [0], [0], [1], [0, 0, 1, 1], [], []>, transpose_lhs_hint = false} : vector<5000x128xf32>, vector<128x40xf32>, vector<5000x40xf32> -> vector<5000x40xf32>
      %add3A_59 = vector.broadcast %add3A_47 : vector<1x40xf32> to vector<5000x40xf32>
      %add3A_60 = arith.addf %dot_general3A_58, %add3A_59 : vector<5000x40xf32>
      %swap3A = arith.constant 0 : index
      %swap3A_61 = arith.constant 0 : index
      %swap3A_62 = vector.load %arg11[%swap3A, %swap3A_61] : memref<5000x40xf32, #tpu.memory_space<vmem>>, vector<5000x40xf32>
      tpu.vector_store %arg11[%swap3A, %swap3A_61], %add3A_60 {strides = array<i32>} : memref<5000x40xf32, #tpu.memory_space<vmem>>, vector<5000x40xf32>,
    } else {
    }
    return
  }
  func.func @transform_0(%arg0: i32, %arg1: i32) -> (i32, i32, i32) {
    %eq3A = arith.constant 0 : i32
    %eq3A_0 = arith.cmpi eq, %arg0, %eq3A : i32
    %jit3A = arith.constant 0 : i32
    %select_n3A = arith.select %eq3A_0, %arg1, %jit3A : i32
    %c0_i32 = arith.constant 0 : i32
    %c0_i32_1 = arith.constant 0 : i32
    %c0_i32_2 = arith.constant 0 : i32
    return %c0_i32, %select_n3A, %c0_i32_1 : i32, i32, i32
  }
  func.func @transform_1(%arg0: i32, %arg1: i32) -> (i32, i32) {
    %c0_i32 = arith.constant 0 : i32
    %c0_i32_0 = arith.constant 0 : i32
    %c0_i32_1 = arith.constant 0 : i32
    return %c0_i32, %c0_i32_0 : i32, i32
  }
  func.func @transform_2(%arg0: i32, %arg1: i32) -> (i32, i32) {
    %c0_i32 = arith.constant 0 : i32
    %c0_i32_0 = arith.constant 0 : i32
    %c0_i32_1 = arith.constant 0 : i32
    return %c0_i32, %c0_i32_0 : i32, i32
  }
  func.func @transform_3(%arg0: i32, %arg1: i32) -> (i32, i32) {
    %c0_i32 = arith.constant 0 : i32
    %c0_i32_0 = arith.constant 0 : i32
    %c0_i32_1 = arith.constant 0 : i32
    return %c0_i32, %c0_i32_0 : i32, i32
  }
  func.func @transform_4(%arg0: i32, %arg1: i32) -> (i32, i32) {
    %c0_i32 = arith.constant 0 : i32
    %c0_i32_0 = arith.constant 0 : i32
    %c0_i32_1 = arith.constant 0 : i32
    return %c0_i32, %c0_i32_0 : i32, i32
  }
  func.func @transform_5(%arg0: i32, %arg1: i32) -> (i32, i32) {
    %c0_i32 = arith.constant 0 : i32
    %c0_i32_0 = arith.constant 0 : i32
    %c0_i32_1 = arith.constant 0 : i32
    return %c0_i32, %c0_i32_0 : i32, i32
  }
  func.func @transform_6(%arg0: i32, %arg1: i32) -> (i32, i32) {
    %c0_i32 = arith.constant 0 : i32
    %c0_i32_0 = arith.constant 0 : i32
    %c0_i32_1 = arith.constant 0 : i32
    return %c0_i32, %c0_i32_0 : i32, i32
  }
  func.func @transform_7(%arg0: i32, %arg1: i32) -> (i32, i32) {
    %c0_i32 = arith.constant 0 : i32
    %c0_i32_0 = arith.constant 0 : i32
    %c0_i32_1 = arith.constant 0 : i32
    return %c0_i32, %c0_i32_0 : i32, i32
  }
  func.func @transform_8(%arg0: i32, %arg1: i32) -> (i32, i32) {
    %c0_i32 = arith.constant 0 : i32
    %c0_i32_0 = arith.constant 0 : i32
    %c0_i32_1 = arith.constant 0 : i32
    return %c0_i32, %c0_i32_0 : i32, i32
  }
  func.func @transform_9(%arg0: i32, %arg1: i32) -> (i32, i32) {
    %c0_i32 = arith.constant 0 : i32
    %c0_i32_0 = arith.constant 0 : i32
    return %arg1, %c0_i32 : i32, i32
  }
}

</mosaic_0001>

<sc_bundles>
// kernel: kernel.4.cloned.1.call-start
scs
__scs_entry_jumppad:
0x0: {  	(pc) =	sbr.rel $0x88, $3  }
0x1: {  	(tag) =	ssettag $0x0;
	lr =	simm.s32 $0x1  }
0x2: {  	[smem:$0x3F97] =	sst lr;
	_ =	strace $0xD0000000  }
0x3: {  	_ = 	snop  }
0x4: {  	_ = 	snop  }
0x5: {  	_ = 	snop  }
0x6: {  	_ = 	snop  }
0x7: {  	_ = 	snop  }
__scs_overlays_trampoline_lowered:
0x8: {  	[smem:$0x3FA6] =	sst s0  }
0x9: {  	[smem:$0x3FA7] =	sst s1  }
0xa: {  	[smem:$0x3FA8] =	sst s2  }
0xb: {  	[smem:$0x3FA9] =	sst s3  }
0xc: {  	[smem:$0x3FAA] =	sst s4  }
0xd: {  	[smem:$0x3FAB] =	sst s5  }
0xe: {  	[smem:$0x3FAC] =	sst s6  }
0xf: {  	[smem:$0x3FAD] =	sst s7  }
0x10: {  	[smem:$0x3FAE] =	sst s8  }
0x11: {  	[smem:$0x3FAF] =	sst s9;
	s0 =	simm.s32 @!p0 $0x0  }
0x12: {  	s1 =	sld [smem:$0x3F95];
	s0 =	simm.s32 @p0 $0x1  }
0x13: {  	[smem:$0x3FB0] =	sst s0;
	s0 =	simm.s32 @!p1 $0x0  }
0x14: {  	s2 =	sld [smem:$0x3F94];
	s0 =	simm.s32 @p1 $0x1  }
0x15: {  	[smem:$0x3FB1] =	sst s0;
	s0 =	simm.s32 @!p2 $0x0  }
0x16: {  	s3 =	sld [smem:$0x3FDB];
	s0 =	simm.s32 @p2 $0x1  }
0x17: {  	s4 =	simm.s32 $0x1BF5;
	[smem:$0x3FB3] =	sst s0  }
0x18: {  	s0 =	sld [smem:$0x3F96];
	_ =	swait.ge [sflag:s4], $0x0  }
0x19: {  	s7 =	sld [smem:$0x3F97]  }
0x1a: {  	s8 =	sadd.s32 $0xFFFFE003, lr  }
0x1b: {  	s9 =	sadd.s32 $0xFFFFFEF7, lr;
	s5 =	simm.s32 $0xFFFFFFFF;
	p2 =	slt.u32 s8, $0xFFFFF086  }
0x1c: {  	p1 =	slt.u32 s9, $0xF7A;
	s5 =	simm.s32 @!p2 $0x0  }
0x1d: {  	s5 =	simm.s32 @p1 $0x1;
	p0 =	seq.s32 s7, s2  }
0x1e: {  	s7 =	smul.u32 @!p0 $0xF7A, s2;
	p2 =	seq.s32 @!p0 s5, $0x0  }
0x1f: {  	s9 =	smul.u32 $0xF7A, s1;
	s8 =	simm.s32 @!p0 $0x1BF5;
	p2 =	por !p2, p0  }
0x20: {  	[sflag:s8] =	ssyncset.s32 @!p0 $0xFFFFF086;
	s6 =	sadd.s32 @!p0 s3, s7;
	s7 =	simm.s32 @!p0 $0x108  }
0x21: {  	s3 =	sadd.s32 s3, s9;
	s6 =	sadd.s32 @!p0 $0x88, s6;
	s7 =	simm.s32 @p2 $0x1082  }
0x22: {  	[simem:s7], [sflag:s8] =	dma.local @!p0 [hbm:s6], $0xF7A  }
0x23: {  	s9 =	sor.u32 $0xD0000000, s2;
	s6 =	simm.s32 $0x108;
	_ =	swait.ge @!p0 [sflag:s8], $0x0  }
0x24: {  	s3 =	sadd.s32 $0x88, s3;
	s6 =	simm.s32 @!p1 $0x1082;
	[sflag:s4] =	ssyncset.s32 $0xFFFFF086  }
0x25: {  	[simem:s6], [sflag:s4] =	dma.local [hbm:s3], $0xF7A  }
0x26: {  	[smem:$0x3F97] =	sst s1;
	(tag) =	ssettag s2;
	_ =	strace s9  }
0x27: {  	s1 =	sld [smem:$0x3FA7]  }
0x28: {  	s2 =	sld [smem:$0x3FA8]  }
0x29: {  	s4 =	sld [smem:$0x3FAA]  }
0x2a: {  	p0 =	seq.s32 s5, $0x0;
	s5 =	sld [smem:$0x3FAB]  }
0x2b: {  	s6 =	sld [smem:$0x3FAC]  }
0x2c: {  	s7 =	sld [smem:$0x3FAD]  }
0x2d: {  	s3 =	simm.s32 $0x108;
	s8 =	sld [smem:$0x3FAE]  }
0x2e: {  	s3 =	simm.s32 @!p0 $0x1082;
	s9 =	sld [smem:$0x3FAF]  }
0x2f: {  	lr =	sadd.s32 s0, s3;
	s0 =	sld [smem:$0x3FA6]  }
0x30: {  	s3 =	sld [smem:$0x3FA9]  }
0x31: {  	[smem:$0x3FB2] =	sst s10  }
0x32: {  	s10 =	sld [smem:$0x3FB0];
	_ =	sdelay $0x3  }
0x33: {  	p0 =	seq.s32 s10, $0x1;
	s10 =	sld [smem:$0x3FB2];
	_ =	sdelay $0x3  }
0x34: {  	[smem:$0x3FB2] =	sst s10  }
0x35: {  	s10 =	sld [smem:$0x3FB1];
	_ =	sdelay $0x3  }
0x36: {  	p1 =	seq.s32 s10, $0x1;
	s10 =	sld [smem:$0x3FB2];
	_ =	sdelay $0x3  }
0x37: {  	[smem:$0x3FB2] =	sst s10  }
0x38: {  	s10 =	sld [smem:$0x3FB3]  }
0x39: {  	_ = 	snop;
	(pc) =	sbr.ind lr, $3  }
0x3a: {  	_ = 	snop  }
0x3b: {  	_ = 	snop  }
0x3c: {  	p2 =	seq.s32 s10, $0x1;
	s10 =	sld [smem:$0x3FB2]  }
0x3d: {  	_ =	shalt  }
0x3e: {  	_ =	shalt  }
0x3f: {  	_ =	shalt  }
0x40: {  	_ =	shalt  }
0x41: {  	_ =	shalt  }
0x42: {  	_ =	shalt  }
0x43: {  	_ =	shalt  }
0x44: {  	_ =	shalt  }
0x45: {  	_ =	shalt  }
0x46: {  	_ =	shalt  }
0x47: {  	_ =	shalt  }
0x48: {  	_ =	shalt  }
0x49: {  	_ =	shalt  }
0x4a: {  	_ =	shalt  }
0x4b: {  	_ =	shalt  }
0x4c: {  	_ =	shalt  }
0x4d: {  	_ =	shalt  }
0x4e: {  	_ =	shalt  }
0x4f: {  	_ =	shalt  }
0x50: {  	_ =	shalt  }
0x51: {  	_ =	shalt  }
0x52: {  	_ =	shalt  }
0x53: {  	_ =	shalt  }
0x54: {  	_ =	shalt  }
0x55: {  	_ =	shalt  }
0x56: {  	_ =	shalt  }
0x57: {  	_ =	shalt  }
0x58: {  	_ =	shalt  }
0x59: {  	_ =	shalt  }
0x5a: {  	_ =	shalt  }
0x5b: {  	_ =	shalt  }
0x5c: {  	_ =	shalt  }
0x5d: {  	_ =	shalt  }
0x5e: {  	_ =	shalt  }
0x5f: {  	_ =	shalt  }
0x60: {  	_ =	shalt  }
0x61: {  	_ =	shalt  }
0x62: {  	_ =	shalt  }
0x63: {  	_ =	shalt  }
0x64: {  	_ =	shalt  }
0x65: {  	_ =	shalt  }
0x66: {  	_ =	shalt  }
0x67: {  	_ =	shalt  }
0x68: {  	_ =	shalt  }
0x69: {  	_ =	shalt  }
0x6a: {  	_ =	shalt  }
0x6b: {  	_ =	shalt  }
0x6c: {  	_ =	shalt  }
0x6d: {  	_ =	shalt  }
0x6e: {  	_ =	shalt  }
0x6f: {  	_ =	shalt  }
0x70: {  	_ =	shalt  }
0x71: {  	_ =	shalt  }
0x72: {  	_ =	shalt  }
0x73: {  	_ =	shalt  }
0x74: {  	_ =	shalt  }
0x75: {  	_ =	shalt  }
0x76: {  	_ =	shalt  }
0x77: {  	_ =	shalt  }
0x78: {  	_ =	shalt  }
0x79: {  	_ =	shalt  }
0x7a: {  	_ =	shalt  }
0x7b: {  	_ =	shalt  }
0x7c: {  	_ =	shalt  }
0x7d: {  	_ =	shalt  }
0x7e: {  	_ =	shalt  }
0x7f: {  	_ =	shalt  }
0x80: {  	_ =	shalt  }
0x81: {  	_ =	shalt  }
0x82: {  	_ =	shalt  }
0x83: {  	_ =	shalt  }
0x84: {  	_ =	shalt  }
0x85: {  	_ =	shalt  }
0x86: {  	_ =	shalt  }
0x87: {  	_ =	shalt  }
.Lfunc_end0:
.L_simem_size_0:
called_computation_lowered:
.L_overlay_start_0:
0x88: {  	s2 =	sld [smem:$0x3FD9]  }
0x89: {  	s3 =	sld [smem:$0x3FFE];
	_ =	sdelay $0x1  }
0x8a: {  	s1 =	srdreg.scid  }
0x8b: {  	s0 =	sand.u32 $0x1, s1  }
0x8c: {  	s17 =	sshll.u32 s0, $0xA;
	s2 =	sadd.s32 s3, s2  }
0x8d: {  	s2 =	sadd.s32 s2, s17  }
0x8e: {  	[smem:$0x3FBE] =	sst s2  }
0x8f: {  	_ = 	snop  }
0x90: {  	s2 =	sld [smem:$0x3FC9];
	(tm) =	ssettm $0x1  }
0x91: {  	s18 =	sld [smem:$0x3FFB];
	_ =	sdelay $0x3  }
0x92: {  	_ =	strace s18  }
0x93: {  	s3 =	sld [smem:$0x3FFC];
	_ =	sdelay $0x3  }
0x94: {  	_ =	strace s3  }
0x95: {  	s3 =	sld [smem:$0x3FFD];
	_ =	sdelay $0x3  }
0x96: {  	_ =	strace s3  }
0x97: {  	_ =	strace $0x8FFFFFFF  }
0x98: {  	s19 =	sld [smem:$0x3FDB];
	_ =	sdelay $0x1  }
0x99: {  	s4 =	simm.s32 $_scs_section_size  }
0x9a: {  	s5 =	simm.s32 $_size__tile_overlayer_lowered;
	s6 =	simm.s32 $_tile_overlayer_lowered  }
0x9b: {  	s22 =	simm.s32 $0x1BFF;
	s21 =	sshll.u32 s6, $0x1;
	s3 =	sadd.s32 s4, s19  }
0x9c: {  	s7 =	simm.s32 $0x0;
	s20 =	sshll.u32 s5, $0x1;
	s5 =	sadd.s32 s21, s3  }
0x9d: {  	[timem:s7], [sflag:s22] =	dma.local [hbm:s5], s20  }
0x9e: {  	_ =	swait.ge [sflag:s22], s20  }
0x9f: {  	s4 =	ssub.s32 $0x0, s20;
	[sflag:s22] =	ssyncset.done $0x0  }
0xa0: {  	[sflag:s22] =	ssyncadd.s32 s4;
	_ =	sdelay $0x1  }
0xa1: {  	s23 =	simm.s32 $0x1B8B  }
0xa2: {  	_ =	swait.ge [sflag:s23], $0x1  }
0xa3: {  	[sflag:s23] =	ssyncset.done $0x0  }
0xa4: {  	s25 =	simm.s32 $0x1B8E;
	s24 =	sld [smem:$0x3FFE];
	[sflag:s23] =	ssyncadd.s32 $0xFFFFFFFF  }
0xa5: {  	s26 =	simm.s32 $execute0_lowered;
	[smem:$0x3FD2] =	sst s25  }
0xa6: {  	s5 =	sshll.u32 s26, $0x1;
	_ =	strace $0x80000046;
	[dreg:$0x1] =	wrdreg $0xFFFFFFFF  }
0xa7: {  	s28 =	simm.s32 $_size_execute0_lowered;
	s3 =	sadd.s32 s3, s5;
	[dreg:$0x0] =	wrdreg $0x0  }
0xa8: {  	s5 =	sshll.u32 s28, $0x1;
	[dreg:$0x2] =	wrdreg s3  }
0xa9: {  	[dreg:$0x3] =	wrdreg s5  }
0xaa: {  	[dreg:$0x4] =	wrdreg $0xC0  }
0xab: {  	_ =	task [dreg:s7], $0x5FFFF  }
0xac: {  	[dreg:$0x1] =	wrdreg $0xFFFFFFFF  }
0xad: {  	[dreg:$0x0] =	wrdreg $0x60  }
0xae: {  	[dreg:$0x2] =	wrdreg s2  }
0xaf: {  	[dreg:$0x3] =	wrdreg s24  }
0xb0: {  	[dreg:$0x4] =	wrdreg $0x97400  }
0xb1: {  	[dreg:$0x5] =	wrdreg $0x9  }
0xb2: {  	_ =	task.clear_ibuf [dreg:s7], $0x6FFFF;
	_ =	strace $0x90000046  }
0xb3: {  	s29 =	simm.s32 $0x9;
	_ =	strace $0x80000048  }
0xb4: {  	_ =	swait.ge [sflag:s29], $0x1  }
0xb5: {  	[sflag:s29] =	ssyncadd.s32 $0xFFFFFFFF  }
0xb6: {  	_ =	strace $0x90000048  }
0xb7: {  	_ =	sfence  }
0xb8: {  	s30 =	sld [smem:$0x0];
	_ =	sdelay $0x2  }
0xb9: {  	s31 =	sshll.u32 s1, $0xD;
	s1 =	sshrl.u32 s1, $0x2  }
0xba: {  	s3 =	sand.u32 $0x4000, s31;
	s1 =	sadd.s32 s1, s30  }
0xbb: {  	s0 =	sor.u32 s3, s0;
	s1 =	sshll.u32 s1, $0x11  }
0xbc: {  	s0 =	sor.u32 s1, s0  }
0xbd: {  	s0 =	sadd.s32 $0x8F2B, s0  }
0xbe: {  	[sflag:s0] =	ssyncadd.remote.s32 $0x1  }
0xbf: {  	_ =	sfence.sel $0xFFFF  }
0xc0: {  	[dreg:$0x0] =	wrdreg $0xFFFFFFFF;
	(pc) =	sbr.abs _section_cstart, $3  }
0xc1: {  	[dreg:$0x1] =	wrdreg $0xFFFFFFFF  }
0xc2: {  	_ =	task.clear_ibuf [dreg:s7], $0x2FFFF;
	_ =	strace $0x9FFFFFFF  }
0xc3: {  	(tm) =	ssettm $0x7FFFFFFF  }
tec
execute0_lowered:
.L_overlay_start_1:
0x0: {  	(tag) =	ssettag $0x1  }
0x1: {  	s1 =	rddreg [dreg:$0x0]  }
0x2: {  	s0 =	rddreg [dreg:$0x1]  }
0x3: {  	s2 =	rddreg [dreg:$0x2];
	s3 =	srdreg.scid  }
0x4: {  	s12 =	stileid.u32;
	s5 =	simm.s32 $0x0;
	s28 =	simm.s32 $0x6F40  }
0x5: {  	s29 =	simm.s32 $0x2;
	s30 =	simm.s32 $0x3;
	s31 =	simm.s32 $0x0  }
0x6: {  	s3 =	sand.u32 $0x1, s3;
	s4 =	smul.u32 $0x13800, s12;
	[smem:$0x7FF] =	sst s5  }
0x7: {  	s8 =	smul.u32 $0x2710, s12;
	s9 =	sadd.s32 $0x1600, s0;
	s0 =	sadd.s32 $0x15000, s0  }
0x8: {  	s11 =	sadd.s32 $0x27000, s1;
	s21 =	smul.u32 $0x4E000, s12;
	p1 =	sne.s32 s12, $0x0  }
0x9: {  	s16 =	ssub.s32 $0x2, s3;
	s6 =	smul.u32 $0x27100, s3;
	_ =	strace $0x80000047  }
0xa: {  	p0 =	seq.s32 s3, $0x1;
	s3 =	smul.u32 $0x138800, s3;
	[dreg:$0x5] =	wrdreg s11  }
0xb: {  	s7 =	sshrl.u32 s16, $0x1;
	s5 =	simm.s32 @!p0 $0x0;
	s17 =	sshrl.u32 s4, $0x3  }
0xc: {  	s22 =	sshrl.u32 s21, $0x2;
	s10 =	ssub.s32 s16, s7;
	s5 =	simm.s32 @p0 $0x1  }
0xd: {  	s6 =	sadd.s32 s8, s6;
	s7 =	sadd.s32 s1, s17;
	[smem:$0x7FD] =	sst s5  }
0xe: {  	s16 =	sadd.s32 s22, s2;
	s5 =	sadd.s32 s4, s2;
	[dreg:$0x4] =	wrdreg s7  }
0xf: {  	s8 =	sshrl.u32 s6, $0x3;
	s7 =	sadd.s32 $0x138000, s2;
	s4 =	sadd.s32 s4, s3  }
0x10: {  	s3 =	sshrl.u32 s3, $0x3;
	s15 =	smax.u32 s10, $0x1;
	s23 =	sadd.s32 $0x4F1A0, s6  }
0x11: {  	s24 =	sadd.s32 $0xFA0, s6;
	s8 =	sadd.s32 s9, s8;
	s4 =	sshrl.u32 s4, $0x3  }
0x12: {  	s3 =	sadd.s32 s0, s3;
	s25 =	sshrl.u32 s23, $0x3;
	s26 =	sshrl.u32 s24, $0x3  }
0x13: {  	s24 =	simm.s32 $0x50;
	s18 =	sadd.s32 $0x9C40, s8;
	s19 =	sadd.s32 $0xFA, s8  }
0x14: {  	s20 =	sadd.s32 $0x9D3A, s8;
	s13 =	sadd.s32 s0, s4;
	[dreg:$0x6] =	wrdreg s18  }
0x15: {  	s14 =	sadd.s32 $0x27000, s3;
	s6 =	sadd.s32 s25, s9;
	[dreg:$0x7] =	wrdreg s19  }
0x16: {  	s25 =	simm.s32 $0x4740;
	[dreg:$0x8] =	wrdreg s20;
	s18 =	sadd.s32 s26, s9  }
0x17: {  	v0 =	vimm.f32 $0.0e+00;
	s19 =	simm.s32 $0x1F40;
	s20 =	simm.s32 $0x6;
	s26 =	simm.s32 $0x1  }
.LBB2_1:
0x18: {  	s3 =	sld [smem:$0x7FD];
	_ =	sdelay $0x2  }
0x19: {  	p0 =	seq.s32 s3, $0x1  }
.Ltmp0:
0x1a: {  	_ = 	snop;
	(pc) =	sbr.rel @!p0 .LBB2_2-.Ltmp0, $2  }
0x1b: {  	_ =	sdelay $0x2  }
0x1c: {  	s0 =	sshrl.u32 @!p1 s7, $0x3  }
0x1d: {  	s4 =	simm.s32 $0x0  }
0x1e: {  	s3 =	sand.u32 $0x3E00, s4  }
0x1f: {  	s4 =	sand.u32 $0x70, s4;
	s9 =	sshrl.u32 s3, $0x2  }
0x20: {  	s3 =	simm.s32 $0x40;
	s9 =	sor.u32 s4, s9;
	s4 =	simm.s32 $0x0  }
.LBB2_4:
0x21: {  	p0 =	seq.s32 s3, $0x2FC0  }
0x22: {  	[tilespmem:s9+$0x1F40] =	vst v0;
	s4 =	sadd.s32 $0x10, s4;
	s9 =	smov.u32 s3;
	s3 =	sadd.s32 $0x40, s3  }
.Ltmp1:
0x23: {  	(pc) =	sbr.rel @!p0 .LBB2_4-.Ltmp1, $4  }
0x24: {  	_ = 	snop  }
0x25: {  	s9 =	sand.u32 $0x3E00, s9  }
0x26: {  	s10 =	sand.u32 $0x70, s4;
	s9 =	sshrl.u32 s9, $0x2  }
0x27: {  	s9 =	sor.u32 s10, s9  }
0x28: {  	[tilespmem:s9+$0x1F40] =	vst v0;
	s3 =	sadd.s32 $0x0, s16  }
0x29: {  	[spmem:s3] =	stream.linear.scatter [tilespmem:s19], [sflag:$0x6], $0xC00, $0x38;
	[tilespmem:$0x1CFC0] =	vst v63  }
0x2a: {  	s3 =	simm.s32 $0x3000;
	_ =	swait.ge [sflag:s20], $0xC00  }
.LBB2_6:
0x2b: {  	s4 =	sshra.s32 s3, $0x2;
	[sflag:s20] =	ssyncset.done $0x0;
	p0 =	sne.s32 s3, $0x4B000  }
.Ltmp2:
0x2c: {  	s4 =	sadd.s32 s4, s16;
	[sflag:s20] =	ssyncadd.s32 $0xFFFFF400;
	(pc) =	sbr.rel @p0 .LBB2_6-.Ltmp2, $3  }
0x2d: {  	[spmem:s4] =	stream.linear.scatter [tilespmem:s19], [sflag:$0x6], $0xC00, $0x38;
	[tilespmem:$0x1CFC0] =	vst v63  }
0x2e: {  	s3 =	sadd.s32 $0x3000, s3;
	_ =	sdelay $0x1  }
0x2f: {  	_ =	swait.ge [sflag:s20], $0xC00  }
0x30: {  	[sflag:s20] =	ssyncset.done $0x0  }
0x31: {  	s3 =	simm.s32 @!p1 $0x1F40;
	[sflag:s20] =	ssyncadd.s32 $0xFFFFF400  }
0x32: {  	[spmem:s7] =	stream.linear.scatter @!p1 [tilespmem:s3], [sflag:$0x6], $0x800, $0x38;
	[tilespmem:$0x1CFC0] =	vst v63  }
.Ltmp3:
0x33: {  	_ = 	snop;
	(pc) =	sbr.rel .LBB2_8-.Ltmp3, $4  }
0x34: {  	s3 =	simm.s32 @!p1 $0x6  }
0x35: {  	_ =	swait.ge @!p1 [sflag:s3], $0x800  }
0x36: {  	[sflag:s3] =	ssyncset.done @!p1 $0x0  }
0x37: {  	[sflag:s3] =	ssyncadd.s32 @!p1 $0xFFFFF800  }
.LBB2_2:
0x38: {  	s3 =	stileid.u32  }
0x39: {  	s3 =	sshll.u32 s3, $0x6  }
0x3a: {  	s4 =	sshrl.u32 s5, $0x3;
	s9 =	rddreg [dreg:$0x4];
	s3 =	sor.u32 $0x1C06, s3  }
0x3b: {  	[spmem:s4], [sflag:s3] =	dma.local [hbm:s9], $0x2700  }
0x3c: {  	_ =	swait.ge [sflag:s20], $0x2700  }
0x3d: {  	[sflag:s20] =	ssyncset.done $0x0  }
0x3e: {  	s4 =	rddreg [dreg:$0x5];
	[sflag:s20] =	ssyncadd.s32 $0xFFFFD900  }
0x3f: {  	[spmem:s0], [sflag:s3] =	dma.local @!p1 [hbm:s4], $0x100  }
0x40: {  	s3 =	simm.s32 @!p1 $0x6  }
0x41: {  	_ =	swait.ge @!p1 [sflag:s3], $0x100  }
0x42: {  	[sflag:s3] =	ssyncset.done @!p1 $0x0  }
0x43: {  	[sflag:s3] =	ssyncadd.s32 @!p1 $0xFFFFFF00  }
.LBB2_8:
0x44: {  	s3 =	simm.s32 $0x0  }
0x45: {  	[tilespmem:s3], [sflag:$0x6] =	stream.linear.gather [hbm4b:s8+s3], $0x7D0, $0x38;
	[tilespmem:$0x1CFC0] =	vst v63  }
0x46: {  	_ =	swait.ge [sflag:s20], $0x7D0  }
0x47: {  	[sflag:s20] =	ssyncset.done $0x0  }
0x48: {  	s9 =	simm.s32 $0xFA0;
	s4 =	rddreg [dreg:$0x6];
	[sflag:s20] =	ssyncadd.s32 $0xFFFFF830  }
0x49: {  	[tilespmem:s9], [sflag:$0x6] =	stream.linear.gather [hbm4b:s4+s3], $0x7D0, $0x38;
	[tilespmem:$0x1CFC0] =	vst v63  }
0x4a: {  	_ =	swait.ge [sflag:s20], $0x7D0  }
0x4b: {  	[sflag:s20] =	ssyncset.done $0x0  }
0x4c: {  	s10 =	simm.s32 $0x7D0;
	s9 =	rddreg [dreg:$0x7];
	[sflag:s20] =	ssyncadd.s32 $0xFFFFF830  }
0x4d: {  	[tilespmem:s10], [sflag:$0x5] =	stream.linear.gather [hbm4b:s9+s3], $0x7D0, $0x38;
	[tilespmem:$0x1CFC0] =	vst v63  }
0x4e: {  	s12 =	simm.s32 $0x1770;
	s11 =	rddreg [dreg:$0x8]  }
0x4f: {  	[tilespmem:s12], [sflag:$0x5] =	stream.linear.gather [hbm4b:s11+s3], $0x7D0, $0x38;
	[tilespmem:$0x1CFC0] =	vst v63  }
0x50: {  	p0 =	por $0x1, $0x1;
	s3 =	sand.u32 $0x1, s3  }
0x51: {  	p2 =	sne.s32 @!p0 s3, $0x0  }
0x52: {  	p0 =	por p2, p0  }
0x53: {  	[bflag:$0x0] =	sbarrier.arrive $0xFFFF;
	s4 =	simm.s32 @!p0 $0x4  }
0x54: {  	_ =	swait.ge @!p0 [sflag:s4], $0x7D0  }
0x55: {  	[sflag:s4] =	ssyncset.done @!p0 $0x0  }
0x56: {  	[sflag:s4] =	ssyncadd.s32 @!p0 $0xFFFFF830  }
0x57: {  	_ =	swait.ge @!p0 [sflag:s4], $0x7D0  }
0x58: {  	p2 =	seq.s32 s3, $0x0;
	[sflag:s4] =	ssyncset.done @!p0 $0x0  }
0x59: {  	s9 =	simm.s32 @!p2 $0x5;
	[sflag:s4] =	ssyncadd.s32 @!p0 $0xFFFFF830  }
0x5a: {  	_ =	swait.ge @!p2 [sflag:s9], $0x7D0  }
0x5b: {  	[sflag:s9] =	ssyncset.done @!p2 $0x0  }
0x5c: {  	[sflag:s9] =	ssyncadd.s32 @!p2 $0xFFFFF830  }
0x5d: {  	_ =	swait.ge @!p2 [sflag:s9], $0x7D0  }
0x5e: {  	s4 =	smul.u32 $0x7D0, s3;
	[sflag:s9] =	ssyncset.done @!p2 $0x0  }
0x5f: {  	[sflag:s9] =	ssyncadd.s32 @!p2 $0xFFFFF830  }
0x60: {  	[tilespmem:s19], [sflag:$0x1] =	stream.indirect.gather [hbm4b:s1+s24], $0x80, s4, s24, $0xb8;
	[tilespmem:$0x1CFC0] =	vst v63  }
0x61: {  	s17 =	sadd.s32 $0x50, s4  }
0x62: {  	[tilespmem:s25], [sflag:$0x2] =	stream.indirect.gather [hbm4b:s1+s24], $0x80, s17, s24, $0xb8;
	[tilespmem:$0x1CFC0] =	vst v63  }
0x63: {  	_ =	swait.ge [sflag:s26], $0x2800  }
0x64: {  	[sflag:s26] =	ssyncset.done $0x0  }
0x65: {  	s22 =	sadd.s32 $0xFA0, s4;
	[sflag:s26] =	ssyncadd.s32 $0xFFFFD800  }
0x66: {  	[spmem:s2] =	stream.indirect.scatter.add.f32 [tilespmem:s19], [sflag:$0x1], $0x80, s22, s24, $0xb8;
	[tilespmem:$0x1CFC0] =	vst v63  }
0x67: {  	s21 =	sadd.s32 $0xA0, s4  }
0x68: {  	[tilespmem:s28], [sflag:$0x3] =	stream.indirect.gather [hbm4b:s1+s24], $0x80, s21, s24, $0xb8;
	[tilespmem:$0x1CFC0] =	vst v63  }
0x69: {  	_ =	swait.ge [sflag:s29], $0x2800  }
0x6a: {  	[sflag:s29] =	ssyncset.done $0x0  }
0x6b: {  	s23 =	sadd.s32 $0xFF0, s4;
	[sflag:s29] =	ssyncadd.s32 $0xFFFFD800  }
0x6c: {  	[spmem:s2] =	stream.indirect.scatter.add.f32 [tilespmem:s25], [sflag:$0x2], $0x80, s23, s24, $0xb8;
	[tilespmem:$0x1CFC0] =	vst v63  }
0x6d: {  	_ =	swait.ge [sflag:s26], $0x2800  }
0x6e: {  	[sflag:s26] =	ssyncset.done $0x0  }
0x6f: {  	s10 =	sadd.s32 $0xF0, s4;
	[sflag:s26] =	ssyncadd.s32 $0xFFFFD800  }
0x70: {  	[tilespmem:s19], [sflag:$0x1] =	stream.indirect.gather [hbm4b:s1+s24], $0x80, s10, s24, $0xb8;
	[tilespmem:$0x1CFC0] =	vst v63  }
0x71: {  	_ =	swait.ge [sflag:s30], $0x2800  }
0x72: {  	[sflag:s30] =	ssyncset.done $0x0  }
0x73: {  	s11 =	sadd.s32 $0x1040, s4;
	[sflag:s30] =	ssyncadd.s32 $0xFFFFD800  }
0x74: {  	[spmem:s2] =	stream.indirect.scatter.add.f32 [tilespmem:s28], [sflag:$0x3], $0x80, s11, s24, $0xb8;
	[tilespmem:$0x1CFC0] =	vst v63  }
0x75: {  	_ =	swait.ge [sflag:s29], $0x2800  }
0x76: {  	[sflag:s29] =	ssyncset.done $0x0  }
0x77: {  	s12 =	sadd.s32 $0x140, s4;
	[sflag:s29] =	ssyncadd.s32 $0xFFFFD800  }
0x78: {  	[tilespmem:s25], [sflag:$0x2] =	stream.indirect.gather [hbm4b:s1+s24], $0x80, s12, s24, $0xb8;
	[tilespmem:$0x1CFC0] =	vst v63  }
0x79: {  	_ =	swait.ge [sflag:s26], $0x2800  }
0x7a: {  	[sflag:s26] =	ssyncset.done $0x0  }
0x7b: {  	s17 =	sadd.s32 $0x1090, s4;
	[sflag:s26] =	ssyncadd.s32 $0xFFFFD800  }
0x7c: {  	[spmem:s2] =	stream.indirect.scatter.add.f32 [tilespmem:s19], [sflag:$0x1], $0x80, s17, s24, $0xb8;
	[tilespmem:$0x1CFC0] =	vst v63  }
0x7d: {  	_ =	swait.ge [sflag:s30], $0x2800  }
0x7e: {  	[sflag:s30] =	ssyncset.done $0x0  }
0x7f: {  	s21 =	sadd.s32 $0x190, s4;
	[sflag:s30] =	ssyncadd.s32 $0xFFFFD800  }
0x80: {  	[tilespmem:s28], [sflag:$0x3] =	stream.indirect.gather [hbm4b:s1+s24], $0x80, s21, s24, $0xb8;
	[tilespmem:$0x1CFC0] =	vst v63  }
0x81: {  	_ =	swait.ge [sflag:s29], $0x2800  }
0x82: {  	[sflag:s29] =	ssyncset.done $0x0  }
0x83: {  	s23 =	sadd.s32 $0x10E0, s4;
	[sflag:s29] =	ssyncadd.s32 $0xFFFFD800  }
0x84: {  	[spmem:s2] =	stream.indirect.scatter.add.f32 [tilespmem:s25], [sflag:$0x2], $0x80, s23, s24, $0xb8;
	[tilespmem:$0x1CFC0] =	vst v63  }
0x85: {  	_ =	swait.ge [sflag:s26], $0x2800  }
0x86: {  	[sflag:s26] =	ssyncset.done $0x0  }
0x87: {  	s10 =	sadd.s32 $0x1E0, s4;
	[sflag:s26] =	ssyncadd.s32 $0xFFFFD800  }
0x88: {  	[tilespmem:s19], [sflag:$0x1] =	stream.indirect.gather [hbm4b:s1+s24], $0x80, s10, s24, $0xb8;
	[tilespmem:$0x1CFC0] =	vst v63  }
0x89: {  	_ =	swait.ge [sflag:s30], $0x2800  }
0x8a: {  	[sflag:s30] =	ssyncset.done $0x0  }
0x8b: {  	s11 =	sadd.s32 $0x1130, s4;
	[sflag:s30] =	ssyncadd.s32 $0xFFFFD800  }
0x8c: {  	[spmem:s2] =	stream.indirect.scatter.add.f32 [tilespmem:s28], [sflag:$0x3], $0x80, s11, s24, $0xb8;
	[tilespmem:$0x1CFC0] =	vst v63  }
0x8d: {  	_ =	swait.ge [sflag:s29], $0x2800  }
0x8e: {  	[sflag:s29] =	ssyncset.done $0x0  }
0x8f: {  	s12 =	sadd.s32 $0x230, s4;
	[sflag:s29] =	ssyncadd.s32 $0xFFFFD800  }
0x90: {  	[tilespmem:s25], [sflag:$0x2] =	stream.indirect.gather [hbm4b:s1+s24], $0x80, s12, s24, $0xb8;
	[tilespmem:$0x1CFC0] =	vst v63  }
0x91: {  	_ =	swait.ge [sflag:s26], $0x2800  }
0x92: {  	[sflag:s26] =	ssyncset.done $0x0  }
0x93: {  	s17 =	sadd.s32 $0x1180, s4;
	[sflag:s26] =	ssyncadd.s32 $0xFFFFD800  }
0x94: {  	[spmem:s2] =	stream.indirect.scatter.add.f32 [tilespmem:s19], [sflag:$0x1], $0x80, s17, s24, $0xb8;
	[tilespmem:$0x1CFC0] =	vst v63  }
0x95: {  	_ =	swait.ge [sflag:s30], $0x2800  }
0x96: {  	[sflag:s30] =	ssyncset.done $0x0  }
0x97: {  	s21 =	sadd.s32 $0x280, s4;
	[sflag:s30] =	ssyncadd.s32 $0xFFFFD800  }
0x98: {  	[tilespmem:s28], [sflag:$0x3] =	stream.indirect.gather [hbm4b:s1+s24], $0x80, s21, s24, $0xb8;
	[tilespmem:$0x1CFC0] =	vst v63  }
0x99: {  	_ =	swait.ge [sflag:s29], $0x2800  }
0x9a: {  	[sflag:s29] =	ssyncset.done $0x0  }
0x9b: {  	s23 =	sadd.s32 $0x11D0, s4;
	[sflag:s29] =	ssyncadd.s32 $0xFFFFD800  }
0x9c: {  	[spmem:s2] =	stream.indirect.scatter.add.f32 [tilespmem:s25], [sflag:$0x2], $0x80, s23, s24, $0xb8;
	[tilespmem:$0x1CFC0] =	vst v63  }
0x9d: {  	_ =	swait.ge [sflag:s26], $0x2800  }
0x9e: {  	[sflag:s26] =	ssyncset.done $0x0  }
0x9f: {  	s10 =	sadd.s32 $0x2D0, s4;
	[sflag:s26] =	ssyncadd.s32 $0xFFFFD800  }
0xa0: {  	[tilespmem:s19], [sflag:$0x1] =	stream.indirect.gather [hbm4b:s1+s24], $0x80, s10, s24, $0xb8;
	[tilespmem:$0x1CFC0] =	vst v63  }
0xa1: {  	_ =	swait.ge [sflag:s30], $0x2800  }
0xa2: {  	[sflag:s30] =	ssyncset.done $0x0  }
0xa3: {  	s11 =	sadd.s32 $0x1220, s4;
	[sflag:s30] =	ssyncadd.s32 $0xFFFFD800  }
0xa4: {  	[spmem:s2] =	stream.indirect.scatter.add.f32 [tilespmem:s28], [sflag:$0x3], $0x80, s11, s24, $0xb8;
	[tilespmem:$0x1CFC0] =	vst v63  }
0xa5: {  	_ =	swait.ge [sflag:s29], $0x2800  }
0xa6: {  	[sflag:s29] =	ssyncset.done $0x0  }
0xa7: {  	s12 =	sadd.s32 $0x320, s4;
	[sflag:s29] =	ssyncadd.s32 $0xFFFFD800  }
0xa8: {  	[tilespmem:s25], [sflag:$0x2] =	stream.indirect.gather [hbm4b:s1+s24], $0x80, s12, s24, $0xb8;
	[tilespmem:$0x1CFC0] =	vst v63  }
0xa9: {  	_ =	swait.ge [sflag:s26], $0x2800  }
0xaa: {  	[sflag:s26] =	ssyncset.done $0x0  }
0xab: {  	s17 =	sadd.s32 $0x1270, s4;
	[sflag:s26] =	ssyncadd.s32 $0xFFFFD800  }
0xac: {  	[spmem:s2] =	stream.indirect.scatter.add.f32 [tilespmem:s19], [sflag:$0x1], $0x80, s17, s24, $0xb8;
	[tilespmem:$0x1CFC0] =	vst v63  }
0xad: {  	_ =	swait.ge [sflag:s30], $0x2800  }
0xae: {  	[sflag:s30] =	ssyncset.done $0x0  }
0xaf: {  	s21 =	sadd.s32 $0x370, s4;
	[sflag:s30] =	ssyncadd.s32 $0xFFFFD800  }
0xb0: {  	[tilespmem:s28], [sflag:$0x3] =	stream.indirect.gather [hbm4b:s1+s24], $0x80, s21, s24, $0xb8;
	[tilespmem:$0x1CFC0] =	vst v63  }
0xb1: {  	_ =	swait.ge [sflag:s29], $0x2800  }
0xb2: {  	[sflag:s29] =	ssyncset.done $0x0  }
0xb3: {  	s23 =	sadd.s32 $0x12C0, s4;
	[sflag:s29] =	ssyncadd.s32 $0xFFFFD800  }
0xb4: {  	[spmem:s2] =	stream.indirect.scatter.add.f32 [tilespmem:s25], [sflag:$0x2], $0x80, s23, s24, $0xb8;
	[tilespmem:$0x1CFC0] =	vst v63  }
0xb5: {  	_ =	swait.ge [sflag:s26], $0x2800  }
0xb6: {  	[sflag:s26] =	ssyncset.done $0x0  }
0xb7: {  	s10 =	sadd.s32 $0x3C0, s4;
	[sflag:s26] =	ssyncadd.s32 $0xFFFFD800  }
0xb8: {  	[tilespmem:s19], [sflag:$0x1] =	stream.indirect.gather [hbm4b:s1+s24], $0x80, s10, s24, $0xb8;
	[tilespmem:$0x1CFC0] =	vst v63  }
0xb9: {  	_ =	swait.ge [sflag:s30], $0x2800  }
0xba: {  	[sflag:s30] =	ssyncset.done $0x0  }
0xbb: {  	s11 =	sadd.s32 $0x1310, s4;
	[sflag:s30] =	ssyncadd.s32 $0xFFFFD800  }
0xbc: {  	[spmem:s2] =	stream.indirect.scatter.add.f32 [tilespmem:s28], [sflag:$0x3], $0x80, s11, s24, $0xb8;
	[tilespmem:$0x1CFC0] =	vst v63  }
0xbd: {  	_ =	swait.ge [sflag:s29], $0x2800  }
0xbe: {  	[sflag:s29] =	ssyncset.done $0x0  }
0xbf: {  	s12 =	sadd.s32 $0x410, s4;
	[sflag:s29] =	ssyncadd.s32 $0xFFFFD800  }
0xc0: {  	[tilespmem:s25], [sflag:$0x2] =	stream.indirect.gather [hbm4b:s1+s24], $0x80, s12, s24, $0xb8;
	[tilespmem:$0x1CFC0] =	vst v63  }
0xc1: {  	_ =	swait.ge [sflag:s26], $0x2800  }
0xc2: {  	[sflag:s26] =	ssyncset.done $0x0  }
0xc3: {  	s17 =	sadd.s32 $0x1360, s4;
	[sflag:s26] =	ssyncadd.s32 $0xFFFFD800  }
0xc4: {  	[spmem:s2] =	stream.indirect.scatter.add.f32 [tilespmem:s19], [sflag:$0x1], $0x80, s17, s24, $0xb8;
	[tilespmem:$0x1CFC0] =	vst v63  }
0xc5: {  	_ =	swait.ge [sflag:s30], $0x2800  }
0xc6: {  	[sflag:s30] =	ssyncset.done $0x0  }
0xc7: {  	s21 =	sadd.s32 $0x460, s4;
	[sflag:s30] =	ssyncadd.s32 $0xFFFFD800  }
0xc8: {  	[tilespmem:s28], [sflag:$0x3] =	stream.indirect.gather [hbm4b:s1+s24], $0x80, s21, s24, $0xb8;
	[tilespmem:$0x1CFC0] =	vst v63  }
0xc9: {  	_ =	swait.ge [sflag:s29], $0x2800  }
0xca: {  	[sflag:s29] =	ssyncset.done $0x0  }
0xcb: {  	s23 =	sadd.s32 $0x13B0, s4;
	[sflag:s29] =	ssyncadd.s32 $0xFFFFD800  }
0xcc: {  	[spmem:s2] =	stream.indirect.scatter.add.f32 [tilespmem:s25], [sflag:$0x2], $0x80, s23, s24, $0xb8;
	[tilespmem:$0x1CFC0] =	vst v63  }
0xcd: {  	_ =	swait.ge [sflag:s26], $0x2800  }
0xce: {  	[sflag:s26] =	ssyncset.done $0x0  }
0xcf: {  	s10 =	sadd.s32 $0x4B0, s4;
	[sflag:s26] =	ssyncadd.s32 $0xFFFFD800  }
0xd0: {  	[tilespmem:s19], [sflag:$0x1] =	stream.indirect.gather [hbm4b:s1+s24], $0x80, s10, s24, $0xb8;
	[tilespmem:$0x1CFC0] =	vst v63  }
0xd1: {  	_ =	swait.ge [sflag:s30], $0x2800  }
0xd2: {  	[sflag:s30] =	ssyncset.done $0x0  }
0xd3: {  	s11 =	sadd.s32 $0x1400, s4;
	[sflag:s30] =	ssyncadd.s32 $0xFFFFD800  }
0xd4: {  	[spmem:s2] =	stream.indirect.scatter.add.f32 [tilespmem:s28], [sflag:$0x3], $0x80, s11, s24, $0xb8;
	[tilespmem:$0x1CFC0] =	vst v63  }
0xd5: {  	_ =	swait.ge [sflag:s29], $0x2800  }
0xd6: {  	[sflag:s29] =	ssyncset.done $0x0  }
0xd7: {  	s12 =	sadd.s32 $0x500, s4;
	[sflag:s29] =	ssyncadd.s32 $0xFFFFD800  }
0xd8: {  	[tilespmem:s25], [sflag:$0x2] =	stream.indirect.gather [hbm4b:s1+s24], $0x80, s12, s24, $0xb8;
	[tilespmem:$0x1CFC0] =	vst v63  }
0xd9: {  	_ =	swait.ge [sflag:s26], $0x2800  }
0xda: {  	[sflag:s26] =	ssyncset.done $0x0  }
0xdb: {  	s17 =	sadd.s32 $0x1450, s4;
	[sflag:s26] =	ssyncadd.s32 $0xFFFFD800  }
0xdc: {  	[spmem:s2] =	stream.indirect.scatter.add.f32 [tilespmem:s19], [sflag:$0x1], $0x80, s17, s24, $0xb8;
	[tilespmem:$0x1CFC0] =	vst v63  }
0xdd: {  	_ =	swait.ge [sflag:s30], $0x2800  }
0xde: {  	[sflag:s30] =	ssyncset.done $0x0  }
0xdf: {  	s21 =	sadd.s32 $0x550, s4;
	[sflag:s30] =	ssyncadd.s32 $0xFFFFD800  }
0xe0: {  	[tilespmem:s28], [sflag:$0x3] =	stream.indirect.gather [hbm4b:s1+s24], $0x80, s21, s24, $0xb8;
	[tilespmem:$0x1CFC0] =	vst v63  }
0xe1: {  	_ =	swait.ge [sflag:s29], $0x2800  }
0xe2: {  	[sflag:s29] =	ssyncset.done $0x0  }
0xe3: {  	s23 =	sadd.s32 $0x14A0, s4;
	[sflag:s29] =	ssyncadd.s32 $0xFFFFD800  }
0xe4: {  	[spmem:s2] =	stream.indirect.scatter.add.f32 [tilespmem:s25], [sflag:$0x2], $0x80, s23, s24, $0xb8;
	[tilespmem:$0x1CFC0] =	vst v63  }
0xe5: {  	_ =	swait.ge [sflag:s26], $0x2800  }
0xe6: {  	[sflag:s26] =	ssyncset.done $0x0  }
0xe7: {  	s10 =	sadd.s32 $0x5A0, s4;
	[sflag:s26] =	ssyncadd.s32 $0xFFFFD800  }
0xe8: {  	[tilespmem:s19], [sflag:$0x1] =	stream.indirect.gather [hbm4b:s1+s24], $0x80, s10, s24, $0xb8;
	[tilespmem:$0x1CFC0] =	vst v63  }
0xe9: {  	_ =	swait.ge [sflag:s30], $0x2800  }
0xea: {  	[sflag:s30] =	ssyncset.done $0x0  }
0xeb: {  	s11 =	sadd.s32 $0x14F0, s4;
	[sflag:s30] =	ssyncadd.s32 $0xFFFFD800  }
0xec: {  	[spmem:s2] =	stream.indirect.scatter.add.f32 [tilespmem:s28], [sflag:$0x3], $0x80, s11, s24, $0xb8;
	[tilespmem:$0x1CFC0] =	vst v63  }
0xed: {  	_ =	swait.ge [sflag:s29], $0x2800  }
0xee: {  	[sflag:s29] =	ssyncset.done $0x0  }
0xef: {  	s12 =	sadd.s32 $0x5F0, s4;
	[sflag:s29] =	ssyncadd.s32 $0xFFFFD800  }
0xf0: {  	[tilespmem:s25], [sflag:$0x2] =	stream.indirect.gather [hbm4b:s1+s24], $0x80, s12, s24, $0xb8;
	[tilespmem:$0x1CFC0] =	vst v63  }
0xf1: {  	_ =	swait.ge [sflag:s26], $0x2800  }
0xf2: {  	[sflag:s26] =	ssyncset.done $0x0  }
0xf3: {  	s17 =	sadd.s32 $0x1540, s4;
	[sflag:s26] =	ssyncadd.s32 $0xFFFFD800  }
0xf4: {  	[spmem:s2] =	stream.indirect.scatter.add.f32 [tilespmem:s19], [sflag:$0x1], $0x80, s17, s24, $0xb8;
	[tilespmem:$0x1CFC0] =	vst v63  }
0xf5: {  	_ =	swait.ge [sflag:s30], $0x2800  }
0xf6: {  	[sflag:s30] =	ssyncset.done $0x0  }
0xf7: {  	s21 =	sadd.s32 $0x640, s4;
	[sflag:s30] =	ssyncadd.s32 $0xFFFFD800  }
0xf8: {  	[tilespmem:s28], [sflag:$0x3] =	stream.indirect.gather [hbm4b:s1+s24], $0x80, s21, s24, $0xb8;
	[tilespmem:$0x1CFC0] =	vst v63  }
0xf9: {  	_ =	swait.ge [sflag:s29], $0x2800  }
0xfa: {  	[sflag:s29] =	ssyncset.done $0x0  }
0xfb: {  	s23 =	sadd.s32 $0x1590, s4;
	[sflag:s29] =	ssyncadd.s32 $0xFFFFD800  }
0xfc: {  	[spmem:s2] =	stream.indirect.scatter.add.f32 [tilespmem:s25], [sflag:$0x2], $0x80, s23, s24, $0xb8;
	[tilespmem:$0x1CFC0] =	vst v63  }
0xfd: {  	_ =	swait.ge [sflag:s26], $0x2800  }
0xfe: {  	[sflag:s26] =	ssyncset.done $0x0  }
0xff: {  	s10 =	sadd.s32 $0x690, s4;
	[sflag:s26] =	ssyncadd.s32 $0xFFFFD800  }
0x100: {  	[tilespmem:s19], [sflag:$0x1] =	stream.indirect.gather [hbm4b:s1+s24], $0x80, s10, s24, $0xb8;
	[tilespmem:$0x1CFC0] =	vst v63  }
0x101: {  	_ =	swait.ge [sflag:s30], $0x2800  }
0x102: {  	[sflag:s30] =	ssyncset.done $0x0  }
0x103: {  	s11 =	sadd.s32 $0x15E0, s4;
	[sflag:s30] =	ssyncadd.s32 $0xFFFFD800  }
0x104: {  	[spmem:s2] =	stream.indirect.scatter.add.f32 [tilespmem:s28], [sflag:$0x3], $0x80, s11, s24, $0xb8;
	[tilespmem:$0x1CFC0] =	vst v63  }
0x105: {  	_ =	swait.ge [sflag:s29], $0x2800  }
0x106: {  	[sflag:s29] =	ssyncset.done $0x0  }
0x107: {  	s12 =	sadd.s32 $0x6E0, s4;
	[sflag:s29] =	ssyncadd.s32 $0xFFFFD800  }
0x108: {  	[tilespmem:s25], [sflag:$0x2] =	stream.indirect.gather [hbm4b:s1+s24], $0x80, s12, s24, $0xb8;
	[tilespmem:$0x1CFC0] =	vst v63  }
0x109: {  	_ =	swait.ge [sflag:s26], $0x2800  }
0x10a: {  	[sflag:s26] =	ssyncset.done $0x0  }
0x10b: {  	s17 =	sadd.s32 $0x1630, s4;
	[sflag:s26] =	ssyncadd.s32 $0xFFFFD800  }
0x10c: {  	[spmem:s2] =	stream.indirect.scatter.add.f32 [tilespmem:s19], [sflag:$0x1], $0x80, s17, s24, $0xb8;
	[tilespmem:$0x1CFC0] =	vst v63  }
0x10d: {  	_ =	swait.ge [sflag:s30], $0x2800  }
0x10e: {  	[sflag:s30] =	ssyncset.done $0x0  }
0x10f: {  	s21 =	sadd.s32 $0x730, s4;
	[sflag:s30] =	ssyncadd.s32 $0xFFFFD800  }
0x110: {  	[tilespmem:s28], [sflag:$0x3] =	stream.indirect.gather [hbm4b:s1+s24], $0x80, s21, s24, $0xb8;
	[tilespmem:$0x1CFC0] =	vst v63  }
0x111: {  	_ =	swait.ge [sflag:s29], $0x2800  }
0x112: {  	[sflag:s29] =	ssyncset.done $0x0  }
0x113: {  	s23 =	sadd.s32 $0x1680, s4;
	[sflag:s29] =	ssyncadd.s32 $0xFFFFD800  }
0x114: {  	[spmem:s2] =	stream.indirect.scatter.add.f32 [tilespmem:s25], [sflag:$0x2], $0x80, s23, s24, $0xb8;
	[tilespmem:$0x1CFC0] =	vst v63  }
0x115: {  	_ =	swait.ge [sflag:s26], $0x2800  }
0x116: {  	[sflag:s26] =	ssyncset.done $0x0  }
0x117: {  	s10 =	sadd.s32 $0x780, s4;
	[sflag:s26] =	ssyncadd.s32 $0xFFFFD800  }
0x118: {  	[tilespmem:s19], [sflag:$0x1] =	stream.indirect.gather [hbm4b:s1+s24], $0x80, s10, s24, $0xb8;
	[tilespmem:$0x1CFC0] =	vst v63  }
0x119: {  	_ =	swait.ge [sflag:s30], $0x2800  }
0x11a: {  	[sflag:s30] =	ssyncset.done $0x0  }
0x11b: {  	s11 =	sadd.s32 $0x16D0, s4;
	[sflag:s30] =	ssyncadd.s32 $0xFFFFD800  }
0x11c: {  	[spmem:s2] =	stream.indirect.scatter.add.f32 [tilespmem:s28], [sflag:$0x3], $0x80, s11, s24, $0xb8;
	[tilespmem:$0x1CFC0] =	vst v63  }
0x11d: {  	_ =	swait.ge [sflag:s26], $0x2800  }
0x11e: {  	[sflag:s26] =	ssyncset.done $0x0  }
0x11f: {  	s12 =	sadd.s32 $0x1720, s4;
	[sflag:s26] =	ssyncadd.s32 $0xFFFFD800  }
0x120: {  	[spmem:s2] =	stream.indirect.scatter.add.f32 [tilespmem:s19], [sflag:$0x1], $0x80, s12, s24, $0xb8;
	[tilespmem:$0x1CFC0] =	vst v63  }
0x121: {  	_ =	swait.ge [sflag:s29], $0x2800  }
0x122: {  	[sflag:s29] =	ssyncset.done $0x0  }
0x123: {  	[sflag:s29] =	ssyncadd.s32 $0xFFFFD800  }
0x124: {  	_ =	swait.ge [sflag:s30], $0x2800  }
0x125: {  	[sflag:s30] =	ssyncset.done $0x0  }
0x126: {  	p0 =	por $0x0, $0x0;
	[sflag:s30] =	ssyncadd.s32 $0xFFFFD800  }
0x127: {  	p3 =	seq.s32 s3, $0x1;
	p2 =	sne.s32 @!p0 s3, $0x0;
	_ =	swait.ge [sflag:s26], $0x2800  }
0x128: {  	p3 =	por !p3, !p3;
	p2 =	por p2, p0;
	[sflag:s26] =	ssyncset.done $0x0  }
0x129: {  	p6 =	por p0, p3;
	s3 =	simm.s32 @!p2 $0x0;
	[sflag:s26] =	ssyncadd.s32 $0xFFFFD800  }
0x12a: {  	[tilespmem:s4], [sflag:$0x4] =	stream.linear.gather @!p2 [hbm4b:s18+s3], $0x7D0, $0x38;
	[tilespmem:$0x1CFC0] =	vst v63  }
0x12b: {  	p0 =	por $0x0, $0x0;
	s17 =	simm.s32 $0x1;
	s21 =	sadd.s32 $0xFA, s6  }
0x12c: {  	[tilespmem:s22], [sflag:$0x4] =	stream.linear.gather @!p2 [hbm4b:s6+s3], $0x7D0, $0x38;
	[tilespmem:$0x1CFC0] =	vst v63  }
0x12d: {  	s23 =	simm.s32 $0x2;
	s11 =	sand.u32 $0x1, s17;
	s12 =	simm.s32 @!p6 $0x0  }
0x12e: {  	[tilespmem:s4], [sflag:$0x5] =	stream.linear.gather @!p6 [hbm4b:s18+s12], $0x7D0, $0x38;
	[tilespmem:$0x1CFC0] =	vst v63  }
0x12f: {  	s17 =	smov.u32 s6;
	p2 =	por $0x0, $0x0;
	s4 =	sadd.s32 $0xFA, s18  }
.LBB2_9:
0x130: {  	p3 =	sne.s32 @!p0 s11, $0x0;
	p4 =	seq.s32 s11, $0x1  }
0x131: {  	p5 =	sne.s32 @!p2 s11, $0x0;
	s3 =	smov.u32 s23;
	s9 =	smov.u32 s4  }
0x132: {  	s23 =	sadd.s32 $0x1, s23;
	p0 =	por p3, p0;
	p4 =	por !p4, !p4  }
0x133: {  	p3 =	sne.s32 s23, $0x5;
	s10 =	simm.s32 @!p0 $0x4  }
0x134: {  	[tilespmem:s22], [sflag:$0x5] =	stream.linear.gather @!p6 [hbm4b:s17+s12], $0x7D0, $0x38;
	[tilespmem:$0x1CFC0] =	vst v63  }
0x135: {  	s17 =	smov.u32 s21;
	_ =	swait.ge @!p0 [sflag:s10], $0x7D0  }
0x136: {  	[sflag:s10] =	ssyncset.done @!p0 $0x0  }
0x137: {  	[sflag:s10] =	ssyncadd.s32 @!p0 $0xFFFFF830  }
0x138: {  	_ =	swait.ge @!p0 [sflag:s10], $0x7D0  }
0x139: {  	p6 =	seq.s32 s11, $0x0;
	[sflag:s10] =	ssyncset.done @!p0 $0x0  }
0x13a: {  	s12 =	simm.s32 @!p6 $0x5;
	[sflag:s10] =	ssyncadd.s32 @!p0 $0xFFFFF830  }
0x13b: {  	_ =	swait.ge @!p6 [sflag:s12], $0x7D0  }
0x13c: {  	[sflag:s12] =	ssyncset.done @!p6 $0x0  }
0x13d: {  	[sflag:s12] =	ssyncadd.s32 @!p6 $0xFFFFF830  }
0x13e: {  	_ =	swait.ge @!p6 [sflag:s12], $0x7D0  }
0x13f: {  	s10 =	smul.u32 $0x7D0, s11;
	[sflag:s12] =	ssyncset.done @!p6 $0x0  }
0x140: {  	[sflag:s12] =	ssyncadd.s32 @!p6 $0xFFFFF830  }
0x141: {  	[tilespmem:s19], [sflag:$0x1] =	stream.indirect.gather [hbm4b:s1+s24], $0x80, s10, s24, $0xb8;
	[tilespmem:$0x1CFC0] =	vst v63  }
0x142: {  	s11 =	sadd.s32 $0x50, s10  }
0x143: {  	[tilespmem:s25], [sflag:$0x2] =	stream.indirect.gather [hbm4b:s1+s24], $0x80, s11, s24, $0xb8;
	[tilespmem:$0x1CFC0] =	vst v63  }
0x144: {  	_ =	swait.ge [sflag:s26], $0x2800  }
0x145: {  	[sflag:s26] =	ssyncset.done $0x0  }
0x146: {  	s22 =	sadd.s32 $0xFA0, s10;
	[sflag:s26] =	ssyncadd.s32 $0xFFFFD800  }
0x147: {  	[spmem:s2] =	stream.indirect.scatter.add.f32 [tilespmem:s19], [sflag:$0x1], $0x80, s22, s24, $0xb8;
	[tilespmem:$0x1CFC0] =	vst v63  }
0x148: {  	s11 =	sadd.s32 $0xA0, s10  }
0x149: {  	[tilespmem:s28], [sflag:$0x3] =	stream.indirect.gather [hbm4b:s1+s24], $0x80, s11, s24, $0xb8;
	[tilespmem:$0x1CFC0] =	vst v63  }
0x14a: {  	_ =	swait.ge [sflag:s29], $0x2800  }
0x14b: {  	[sflag:s29] =	ssyncset.done $0x0  }
0x14c: {  	s11 =	sadd.s32 $0xFF0, s10;
	[sflag:s29] =	ssyncadd.s32 $0xFFFFD800  }
0x14d: {  	[spmem:s2] =	stream.indirect.scatter.add.f32 [tilespmem:s25], [sflag:$0x2], $0x80, s11, s24, $0xb8;
	[tilespmem:$0x1CFC0] =	vst v63  }
0x14e: {  	_ =	swait.ge [sflag:s26], $0x2800  }
0x14f: {  	[sflag:s26] =	ssyncset.done $0x0  }
0x150: {  	s11 =	sadd.s32 $0xF0, s10;
	[sflag:s26] =	ssyncadd.s32 $0xFFFFD800  }
0x151: {  	[tilespmem:s19], [sflag:$0x1] =	stream.indirect.gather [hbm4b:s1+s24], $0x80, s11, s24, $0xb8;
	[tilespmem:$0x1CFC0] =	vst v63  }
0x152: {  	_ =	swait.ge [sflag:s30], $0x2800  }
0x153: {  	[sflag:s30] =	ssyncset.done $0x0  }
0x154: {  	s11 =	sadd.s32 $0x1040, s10;
	[sflag:s30] =	ssyncadd.s32 $0xFFFFD800  }
0x155: {  	[spmem:s2] =	stream.indirect.scatter.add.f32 [tilespmem:s28], [sflag:$0x3], $0x80, s11, s24, $0xb8;
	[tilespmem:$0x1CFC0] =	vst v63  }
0x156: {  	_ =	swait.ge [sflag:s29], $0x2800  }
0x157: {  	[sflag:s29] =	ssyncset.done $0x0  }
0x158: {  	s11 =	sadd.s32 $0x140, s10;
	[sflag:s29] =	ssyncadd.s32 $0xFFFFD800  }
0x159: {  	[tilespmem:s25], [sflag:$0x2] =	stream.indirect.gather [hbm4b:s1+s24], $0x80, s11, s24, $0xb8;
	[tilespmem:$0x1CFC0] =	vst v63  }
0x15a: {  	_ =	swait.ge [sflag:s26], $0x2800  }
0x15b: {  	[sflag:s26] =	ssyncset.done $0x0  }
0x15c: {  	s11 =	sadd.s32 $0x1090, s10;
	[sflag:s26] =	ssyncadd.s32 $0xFFFFD800  }
0x15d: {  	[spmem:s2] =	stream.indirect.scatter.add.f32 [tilespmem:s19], [sflag:$0x1], $0x80, s11, s24, $0xb8;
	[tilespmem:$0x1CFC0] =	vst v63  }
0x15e: {  	_ =	swait.ge [sflag:s30], $0x2800  }
0x15f: {  	[sflag:s30] =	ssyncset.done $0x0  }
0x160: {  	s11 =	sadd.s32 $0x190, s10;
	[sflag:s30] =	ssyncadd.s32 $0xFFFFD800  }
0x161: {  	[tilespmem:s28], [sflag:$0x3] =	stream.indirect.gather [hbm4b:s1+s24], $0x80, s11, s24, $0xb8;
	[tilespmem:$0x1CFC0] =	vst v63  }
0x162: {  	_ =	swait.ge [sflag:s29], $0x2800  }
0x163: {  	[sflag:s29] =	ssyncset.done $0x0  }
0x164: {  	s11 =	sadd.s32 $0x10E0, s10;
	[sflag:s29] =	ssyncadd.s32 $0xFFFFD800  }
0x165: {  	[spmem:s2] =	stream.indirect.scatter.add.f32 [tilespmem:s25], [sflag:$0x2], $0x80, s11, s24, $0xb8;
	[tilespmem:$0x1CFC0] =	vst v63  }
0x166: {  	_ =	swait.ge [sflag:s26], $0x2800  }
0x167: {  	[sflag:s26] =	ssyncset.done $0x0  }
0x168: {  	s11 =	sadd.s32 $0x1E0, s10;
	[sflag:s26] =	ssyncadd.s32 $0xFFFFD800  }
0x169: {  	[tilespmem:s19], [sflag:$0x1] =	stream.indirect.gather [hbm4b:s1+s24], $0x80, s11, s24, $0xb8;
	[tilespmem:$0x1CFC0] =	vst v63  }
0x16a: {  	_ =	swait.ge [sflag:s30], $0x2800  }
0x16b: {  	[sflag:s30] =	ssyncset.done $0x0  }
0x16c: {  	s11 =	sadd.s32 $0x1130, s10;
	[sflag:s30] =	ssyncadd.s32 $0xFFFFD800  }
0x16d: {  	[spmem:s2] =	stream.indirect.scatter.add.f32 [tilespmem:s28], [sflag:$0x3], $0x80, s11, s24, $0xb8;
	[tilespmem:$0x1CFC0] =	vst v63  }
0x16e: {  	_ =	swait.ge [sflag:s29], $0x2800  }
0x16f: {  	[sflag:s29] =	ssyncset.done $0x0  }
0x170: {  	s11 =	sadd.s32 $0x230, s10;
	[sflag:s29] =	ssyncadd.s32 $0xFFFFD800  }
0x171: {  	[tilespmem:s25], [sflag:$0x2] =	stream.indirect.gather [hbm4b:s1+s24], $0x80, s11, s24, $0xb8;
	[tilespmem:$0x1CFC0] =	vst v63  }
0x172: {  	_ =	swait.ge [sflag:s26], $0x2800  }
0x173: {  	[sflag:s26] =	ssyncset.done $0x0  }
0x174: {  	s11 =	sadd.s32 $0x1180, s10;
	[sflag:s26] =	ssyncadd.s32 $0xFFFFD800  }
0x175: {  	[spmem:s2] =	stream.indirect.scatter.add.f32 [tilespmem:s19], [sflag:$0x1], $0x80, s11, s24, $0xb8;
	[tilespmem:$0x1CFC0] =	vst v63  }
0x176: {  	_ =	swait.ge [sflag:s30], $0x2800  }
0x177: {  	[sflag:s30] =	ssyncset.done $0x0  }
0x178: {  	s11 =	sadd.s32 $0x280, s10;
	[sflag:s30] =	ssyncadd.s32 $0xFFFFD800  }
0x179: {  	[tilespmem:s28], [sflag:$0x3] =	stream.indirect.gather [hbm4b:s1+s24], $0x80, s11, s24, $0xb8;
	[tilespmem:$0x1CFC0] =	vst v63  }
0x17a: {  	_ =	swait.ge [sflag:s29], $0x2800  }
0x17b: {  	[sflag:s29] =	ssyncset.done $0x0  }
0x17c: {  	s11 =	sadd.s32 $0x11D0, s10;
	[sflag:s29] =	ssyncadd.s32 $0xFFFFD800  }
0x17d: {  	[spmem:s2] =	stream.indirect.scatter.add.f32 [tilespmem:s25], [sflag:$0x2], $0x80, s11, s24, $0xb8;
	[tilespmem:$0x1CFC0] =	vst v63  }
0x17e: {  	_ =	swait.ge [sflag:s26], $0x2800  }
0x17f: {  	[sflag:s26] =	ssyncset.done $0x0  }
0x180: {  	s11 =	sadd.s32 $0x2D0, s10;
	[sflag:s26] =	ssyncadd.s32 $0xFFFFD800  }
0x181: {  	[tilespmem:s19], [sflag:$0x1] =	stream.indirect.gather [hbm4b:s1+s24], $0x80, s11, s24, $0xb8;
	[tilespmem:$0x1CFC0] =	vst v63  }
0x182: {  	_ =	swait.ge [sflag:s30], $0x2800  }
0x183: {  	[sflag:s30] =	ssyncset.done $0x0  }
0x184: {  	s11 =	sadd.s32 $0x1220, s10;
	[sflag:s30] =	ssyncadd.s32 $0xFFFFD800  }
0x185: {  	[spmem:s2] =	stream.indirect.scatter.add.f32 [tilespmem:s28], [sflag:$0x3], $0x80, s11, s24, $0xb8;
	[tilespmem:$0x1CFC0] =	vst v63  }
0x186: {  	_ =	swait.ge [sflag:s29], $0x2800  }
0x187: {  	[sflag:s29] =	ssyncset.done $0x0  }
0x188: {  	s11 =	sadd.s32 $0x320, s10;
	[sflag:s29] =	ssyncadd.s32 $0xFFFFD800  }
0x189: {  	[tilespmem:s25], [sflag:$0x2] =	stream.indirect.gather [hbm4b:s1+s24], $0x80, s11, s24, $0xb8;
	[tilespmem:$0x1CFC0] =	vst v63  }
0x18a: {  	_ =	swait.ge [sflag:s26], $0x2800  }
0x18b: {  	[sflag:s26] =	ssyncset.done $0x0  }
0x18c: {  	s11 =	sadd.s32 $0x1270, s10;
	[sflag:s26] =	ssyncadd.s32 $0xFFFFD800  }
0x18d: {  	[spmem:s2] =	stream.indirect.scatter.add.f32 [tilespmem:s19], [sflag:$0x1], $0x80, s11, s24, $0xb8;
	[tilespmem:$0x1CFC0] =	vst v63  }
0x18e: {  	_ =	swait.ge [sflag:s30], $0x2800  }
0x18f: {  	[sflag:s30] =	ssyncset.done $0x0  }
0x190: {  	s11 =	sadd.s32 $0x370, s10;
	[sflag:s30] =	ssyncadd.s32 $0xFFFFD800  }
0x191: {  	[tilespmem:s28], [sflag:$0x3] =	stream.indirect.gather [hbm4b:s1+s24], $0x80, s11, s24, $0xb8;
	[tilespmem:$0x1CFC0] =	vst v63  }
0x192: {  	_ =	swait.ge [sflag:s29], $0x2800  }
0x193: {  	[sflag:s29] =	ssyncset.done $0x0  }
0x194: {  	s11 =	sadd.s32 $0x12C0, s10;
	[sflag:s29] =	ssyncadd.s32 $0xFFFFD800  }
0x195: {  	[spmem:s2] =	stream.indirect.scatter.add.f32 [tilespmem:s25], [sflag:$0x2], $0x80, s11, s24, $0xb8;
	[tilespmem:$0x1CFC0] =	vst v63  }
0x196: {  	_ =	swait.ge [sflag:s26], $0x2800  }
0x197: {  	[sflag:s26] =	ssyncset.done $0x0  }
0x198: {  	s11 =	sadd.s32 $0x3C0, s10;
	[sflag:s26] =	ssyncadd.s32 $0xFFFFD800  }
0x199: {  	[tilespmem:s19], [sflag:$0x1] =	stream.indirect.gather [hbm4b:s1+s24], $0x80, s11, s24, $0xb8;
	[tilespmem:$0x1CFC0] =	vst v63  }
0x19a: {  	_ =	swait.ge [sflag:s30], $0x2800  }
0x19b: {  	[sflag:s30] =	ssyncset.done $0x0  }
0x19c: {  	s11 =	sadd.s32 $0x1310, s10;
	[sflag:s30] =	ssyncadd.s32 $0xFFFFD800  }
0x19d: {  	[spmem:s2] =	stream.indirect.scatter.add.f32 [tilespmem:s28], [sflag:$0x3], $0x80, s11, s24, $0xb8;
	[tilespmem:$0x1CFC0] =	vst v63  }
0x19e: {  	_ =	swait.ge [sflag:s29], $0x2800  }
0x19f: {  	[sflag:s29] =	ssyncset.done $0x0  }
0x1a0: {  	s11 =	sadd.s32 $0x410, s10;
	[sflag:s29] =	ssyncadd.s32 $0xFFFFD800  }
0x1a1: {  	[tilespmem:s25], [sflag:$0x2] =	stream.indirect.gather [hbm4b:s1+s24], $0x80, s11, s24, $0xb8;
	[tilespmem:$0x1CFC0] =	vst v63  }
0x1a2: {  	_ =	swait.ge [sflag:s26], $0x2800  }
0x1a3: {  	[sflag:s26] =	ssyncset.done $0x0  }
0x1a4: {  	s11 =	sadd.s32 $0x1360, s10;
	[sflag:s26] =	ssyncadd.s32 $0xFFFFD800  }
0x1a5: {  	[spmem:s2] =	stream.indirect.scatter.add.f32 [tilespmem:s19], [sflag:$0x1], $0x80, s11, s24, $0xb8;
	[tilespmem:$0x1CFC0] =	vst v63  }
0x1a6: {  	_ =	swait.ge [sflag:s30], $0x2800  }
0x1a7: {  	[sflag:s30] =	ssyncset.done $0x0  }
0x1a8: {  	s11 =	sadd.s32 $0x460, s10;
	[sflag:s30] =	ssyncadd.s32 $0xFFFFD800  }
0x1a9: {  	[tilespmem:s28], [sflag:$0x3] =	stream.indirect.gather [hbm4b:s1+s24], $0x80, s11, s24, $0xb8;
	[tilespmem:$0x1CFC0] =	vst v63  }
0x1aa: {  	_ =	swait.ge [sflag:s29], $0x2800  }
0x1ab: {  	[sflag:s29] =	ssyncset.done $0x0  }
0x1ac: {  	s11 =	sadd.s32 $0x13B0, s10;
	[sflag:s29] =	ssyncadd.s32 $0xFFFFD800  }
0x1ad: {  	[spmem:s2] =	stream.indirect.scatter.add.f32 [tilespmem:s25], [sflag:$0x2], $0x80, s11, s24, $0xb8;
	[tilespmem:$0x1CFC0] =	vst v63  }
0x1ae: {  	_ =	swait.ge [sflag:s26], $0x2800  }
0x1af: {  	[sflag:s26] =	ssyncset.done $0x0  }
0x1b0: {  	s11 =	sadd.s32 $0x4B0, s10;
	[sflag:s26] =	ssyncadd.s32 $0xFFFFD800  }
0x1b1: {  	[tilespmem:s19], [sflag:$0x1] =	stream.indirect.gather [hbm4b:s1+s24], $0x80, s11, s24, $0xb8;
	[tilespmem:$0x1CFC0] =	vst v63  }
0x1b2: {  	_ =	swait.ge [sflag:s30], $0x2800  }
0x1b3: {  	[sflag:s30] =	ssyncset.done $0x0  }
0x1b4: {  	s11 =	sadd.s32 $0x1400, s10;
	[sflag:s30] =	ssyncadd.s32 $0xFFFFD800  }
0x1b5: {  	[spmem:s2] =	stream.indirect.scatter.add.f32 [tilespmem:s28], [sflag:$0x3], $0x80, s11, s24, $0xb8;
	[tilespmem:$0x1CFC0] =	vst v63  }
0x1b6: {  	_ =	swait.ge [sflag:s29], $0x2800  }
0x1b7: {  	[sflag:s29] =	ssyncset.done $0x0  }
0x1b8: {  	s11 =	sadd.s32 $0x500, s10;
	[sflag:s29] =	ssyncadd.s32 $0xFFFFD800  }
0x1b9: {  	[tilespmem:s25], [sflag:$0x2] =	stream.indirect.gather [hbm4b:s1+s24], $0x80, s11, s24, $0xb8;
	[tilespmem:$0x1CFC0] =	vst v63  }
0x1ba: {  	_ =	swait.ge [sflag:s26], $0x2800  }
0x1bb: {  	[sflag:s26] =	ssyncset.done $0x0  }
0x1bc: {  	s11 =	sadd.s32 $0x1450, s10;
	[sflag:s26] =	ssyncadd.s32 $0xFFFFD800  }
0x1bd: {  	[spmem:s2] =	stream.indirect.scatter.add.f32 [tilespmem:s19], [sflag:$0x1], $0x80, s11, s24, $0xb8;
	[tilespmem:$0x1CFC0] =	vst v63  }
0x1be: {  	_ =	swait.ge [sflag:s30], $0x2800  }
0x1bf: {  	[sflag:s30] =	ssyncset.done $0x0  }
0x1c0: {  	s11 =	sadd.s32 $0x550, s10;
	[sflag:s30] =	ssyncadd.s32 $0xFFFFD800  }
0x1c1: {  	[tilespmem:s28], [sflag:$0x3] =	stream.indirect.gather [hbm4b:s1+s24], $0x80, s11, s24, $0xb8;
	[tilespmem:$0x1CFC0] =	vst v63  }
0x1c2: {  	_ =	swait.ge [sflag:s29], $0x2800  }
0x1c3: {  	[sflag:s29] =	ssyncset.done $0x0  }
0x1c4: {  	s11 =	sadd.s32 $0x14A0, s10;
	[sflag:s29] =	ssyncadd.s32 $0xFFFFD800  }
0x1c5: {  	[spmem:s2] =	stream.indirect.scatter.add.f32 [tilespmem:s25], [sflag:$0x2], $0x80, s11, s24, $0xb8;
	[tilespmem:$0x1CFC0] =	vst v63  }
0x1c6: {  	_ =	swait.ge [sflag:s26], $0x2800  }
0x1c7: {  	[sflag:s26] =	ssyncset.done $0x0  }
0x1c8: {  	s11 =	sadd.s32 $0x5A0, s10;
	[sflag:s26] =	ssyncadd.s32 $0xFFFFD800  }
0x1c9: {  	[tilespmem:s19], [sflag:$0x1] =	stream.indirect.gather [hbm4b:s1+s24], $0x80, s11, s24, $0xb8;
	[tilespmem:$0x1CFC0] =	vst v63  }
0x1ca: {  	_ =	swait.ge [sflag:s30], $0x2800  }
0x1cb: {  	[sflag:s30] =	ssyncset.done $0x0  }
0x1cc: {  	s11 =	sadd.s32 $0x14F0, s10;
	[sflag:s30] =	ssyncadd.s32 $0xFFFFD800  }
0x1cd: {  	[spmem:s2] =	stream.indirect.scatter.add.f32 [tilespmem:s28], [sflag:$0x3], $0x80, s11, s24, $0xb8;
	[tilespmem:$0x1CFC0] =	vst v63  }
0x1ce: {  	_ =	swait.ge [sflag:s29], $0x2800  }
0x1cf: {  	[sflag:s29] =	ssyncset.done $0x0  }
0x1d0: {  	s11 =	sadd.s32 $0x5F0, s10;
	[sflag:s29] =	ssyncadd.s32 $0xFFFFD800  }
0x1d1: {  	[tilespmem:s25], [sflag:$0x2] =	stream.indirect.gather [hbm4b:s1+s24], $0x80, s11, s24, $0xb8;
	[tilespmem:$0x1CFC0] =	vst v63  }
0x1d2: {  	_ =	swait.ge [sflag:s26], $0x2800  }
0x1d3: {  	[sflag:s26] =	ssyncset.done $0x0  }
0x1d4: {  	s11 =	sadd.s32 $0x1540, s10;
	[sflag:s26] =	ssyncadd.s32 $0xFFFFD800  }
0x1d5: {  	[spmem:s2] =	stream.indirect.scatter.add.f32 [tilespmem:s19], [sflag:$0x1], $0x80, s11, s24, $0xb8;
	[tilespmem:$0x1CFC0] =	vst v63  }
0x1d6: {  	_ =	swait.ge [sflag:s30], $0x2800  }
0x1d7: {  	[sflag:s30] =	ssyncset.done $0x0  }
0x1d8: {  	s11 =	sadd.s32 $0x640, s10;
	[sflag:s30] =	ssyncadd.s32 $0xFFFFD800  }
0x1d9: {  	[tilespmem:s28], [sflag:$0x3] =	stream.indirect.gather [hbm4b:s1+s24], $0x80, s11, s24, $0xb8;
	[tilespmem:$0x1CFC0] =	vst v63  }
0x1da: {  	_ =	swait.ge [sflag:s29], $0x2800  }
0x1db: {  	[sflag:s29] =	ssyncset.done $0x0  }
0x1dc: {  	s11 =	sadd.s32 $0x1590, s10;
	[sflag:s29] =	ssyncadd.s32 $0xFFFFD800  }
0x1dd: {  	[spmem:s2] =	stream.indirect.scatter.add.f32 [tilespmem:s25], [sflag:$0x2], $0x80, s11, s24, $0xb8;
	[tilespmem:$0x1CFC0] =	vst v63  }
0x1de: {  	_ =	swait.ge [sflag:s26], $0x2800  }
0x1df: {  	[sflag:s26] =	ssyncset.done $0x0  }
0x1e0: {  	s11 =	sadd.s32 $0x690, s10;
	[sflag:s26] =	ssyncadd.s32 $0xFFFFD800  }
0x1e1: {  	[tilespmem:s19], [sflag:$0x1] =	stream.indirect.gather [hbm4b:s1+s24], $0x80, s11, s24, $0xb8;
	[tilespmem:$0x1CFC0] =	vst v63  }
0x1e2: {  	_ =	swait.ge [sflag:s30], $0x2800  }
0x1e3: {  	[sflag:s30] =	ssyncset.done $0x0  }
0x1e4: {  	s11 =	sadd.s32 $0x15E0, s10;
	[sflag:s30] =	ssyncadd.s32 $0xFFFFD800  }
0x1e5: {  	[spmem:s2] =	stream.indirect.scatter.add.f32 [tilespmem:s28], [sflag:$0x3], $0x80, s11, s24, $0xb8;
	[tilespmem:$0x1CFC0] =	vst v63  }
0x1e6: {  	_ =	swait.ge [sflag:s29], $0x2800  }
0x1e7: {  	[sflag:s29] =	ssyncset.done $0x0  }
0x1e8: {  	s11 =	sadd.s32 $0x6E0, s10;
	[sflag:s29] =	ssyncadd.s32 $0xFFFFD800  }
0x1e9: {  	[tilespmem:s25], [sflag:$0x2] =	stream.indirect.gather [hbm4b:s1+s24], $0x80, s11, s24, $0xb8;
	[tilespmem:$0x1CFC0] =	vst v63  }
0x1ea: {  	_ =	swait.ge [sflag:s26], $0x2800  }
0x1eb: {  	[sflag:s26] =	ssyncset.done $0x0  }
0x1ec: {  	s11 =	sadd.s32 $0x1630, s10;
	[sflag:s26] =	ssyncadd.s32 $0xFFFFD800  }
0x1ed: {  	[spmem:s2] =	stream.indirect.scatter.add.f32 [tilespmem:s19], [sflag:$0x1], $0x80, s11, s24, $0xb8;
	[tilespmem:$0x1CFC0] =	vst v63  }
0x1ee: {  	_ =	swait.ge [sflag:s30], $0x2800  }
0x1ef: {  	[sflag:s30] =	ssyncset.done $0x0  }
0x1f0: {  	s11 =	sadd.s32 $0x730, s10;
	[sflag:s30] =	ssyncadd.s32 $0xFFFFD800  }
0x1f1: {  	[tilespmem:s28], [sflag:$0x3] =	stream.indirect.gather [hbm4b:s1+s24], $0x80, s11, s24, $0xb8;
	[tilespmem:$0x1CFC0] =	vst v63  }
0x1f2: {  	_ =	swait.ge [sflag:s29], $0x2800  }
0x1f3: {  	[sflag:s29] =	ssyncset.done $0x0  }
0x1f4: {  	s11 =	sadd.s32 $0x1680, s10;
	[sflag:s29] =	ssyncadd.s32 $0xFFFFD800  }
0x1f5: {  	[spmem:s2] =	stream.indirect.scatter.add.f32 [tilespmem:s25], [sflag:$0x2], $0x80, s11, s24, $0xb8;
	[tilespmem:$0x1CFC0] =	vst v63  }
0x1f6: {  	_ =	swait.ge [sflag:s26], $0x2800  }
0x1f7: {  	[sflag:s26] =	ssyncset.done $0x0  }
0x1f8: {  	s11 =	sadd.s32 $0x780, s10;
	[sflag:s26] =	ssyncadd.s32 $0xFFFFD800  }
0x1f9: {  	[tilespmem:s19], [sflag:$0x1] =	stream.indirect.gather [hbm4b:s1+s24], $0x80, s11, s24, $0xb8;
	[tilespmem:$0x1CFC0] =	vst v63  }
0x1fa: {  	_ =	swait.ge [sflag:s30], $0x2800  }
0x1fb: {  	[sflag:s30] =	ssyncset.done $0x0  }
0x1fc: {  	s11 =	sadd.s32 $0x16D0, s10;
	[sflag:s30] =	ssyncadd.s32 $0xFFFFD800  }
0x1fd: {  	[spmem:s2] =	stream.indirect.scatter.add.f32 [tilespmem:s28], [sflag:$0x3], $0x80, s11, s24, $0xb8;
	[tilespmem:$0x1CFC0] =	vst v63  }
0x1fe: {  	_ =	swait.ge [sflag:s26], $0x2800  }
0x1ff: {  	[sflag:s26] =	ssyncset.done $0x0  }
0x200: {  	s11 =	sadd.s32 $0x1720, s10;
	[sflag:s26] =	ssyncadd.s32 $0xFFFFD800  }
0x201: {  	[spmem:s2] =	stream.indirect.scatter.add.f32 [tilespmem:s19], [sflag:$0x1], $0x80, s11, s24, $0xb8;
	[tilespmem:$0x1CFC0] =	vst v63  }
0x202: {  	_ =	swait.ge [sflag:s29], $0x2800  }
0x203: {  	[sflag:s29] =	ssyncset.done $0x0  }
0x204: {  	[sflag:s29] =	ssyncadd.s32 $0xFFFFD800  }
0x205: {  	_ =	swait.ge [sflag:s30], $0x2800  }
0x206: {  	[sflag:s30] =	ssyncset.done $0x0  }
0x207: {  	[sflag:s30] =	ssyncadd.s32 $0xFFFFD800  }
0x208: {  	_ =	swait.ge [sflag:s26], $0x2800  }
0x209: {  	p0 =	por p5, p2;
	[sflag:s26] =	ssyncset.done $0x0  }
0x20a: {  	s4 =	sadd.s32 $0xFA, s4;
	s11 =	simm.s32 @!p0 $0x0;
	[sflag:s26] =	ssyncadd.s32 $0xFFFFD800  }
0x20b: {  	[tilespmem:s10], [sflag:$0x4] =	stream.linear.gather @!p0 [hbm4b:s9+s11], $0x7D0, $0x38;
	[tilespmem:$0x1CFC0] =	vst v63  }
.Ltmp4:
0x20c: {  	_ = 	snop;
	(pc) =	sbr.rel @p3 .LBB2_9-.Ltmp4, $4  }
0x20d: {  	s21 =	sadd.s32 $0xFA, s21;
	p6 =	por p2, p4;
	p2 =	sgt.u32 s3, $0x2  }
0x20e: {  	[tilespmem:s22], [sflag:$0x4] =	stream.linear.gather @!p0 [hbm4b:s17+s11], $0x7D0, $0x38;
	[tilespmem:$0x1CFC0] =	vst v63  }
0x20f: {  	s12 =	simm.s32 @!p6 $0x0;
	s11 =	sand.u32 $0x1, s3;
	p0 =	seq.s32 s3, $0x0  }
0x210: {  	[tilespmem:s10], [sflag:$0x5] =	stream.linear.gather @!p6 [hbm4b:s9+s12], $0x7D0, $0x38;
	[tilespmem:$0x1CFC0] =	vst v63  }
0x211: {  	p3 =	sne.s32 @!p0 s11, $0x0  }
0x212: {  	[tilespmem:s22], [sflag:$0x5] =	stream.linear.gather @!p6 [hbm4b:s17+s12], $0x7D0, $0x38;
	[tilespmem:$0x1CFC0] =	vst v63  }
0x213: {  	p0 =	por p3, p0  }
0x214: {  	s3 =	simm.s32 @!p0 $0x4  }
0x215: {  	_ =	swait.ge @!p0 [sflag:s3], $0x7D0  }
0x216: {  	[sflag:s3] =	ssyncset.done @!p0 $0x0  }
0x217: {  	[sflag:s3] =	ssyncadd.s32 @!p0 $0xFFFFF830  }
0x218: {  	_ =	swait.ge @!p0 [sflag:s3], $0x7D0  }
0x219: {  	p3 =	seq.s32 s11, $0x0;
	[sflag:s3] =	ssyncset.done @!p0 $0x0  }
0x21a: {  	s9 =	simm.s32 @!p3 $0x5;
	[sflag:s3] =	ssyncadd.s32 @!p0 $0xFFFFF830  }
0x21b: {  	_ =	swait.ge @!p3 [sflag:s9], $0x7D0  }
0x21c: {  	[sflag:s9] =	ssyncset.done @!p3 $0x0  }
0x21d: {  	[sflag:s9] =	ssyncadd.s32 @!p3 $0xFFFFF830  }
0x21e: {  	_ =	swait.ge @!p3 [sflag:s9], $0x7D0  }
0x21f: {  	s3 =	smul.u32 $0x7D0, s11;
	[sflag:s9] =	ssyncset.done @!p3 $0x0  }
0x220: {  	[sflag:s9] =	ssyncadd.s32 @!p3 $0xFFFFF830  }
0x221: {  	[tilespmem:s19], [sflag:$0x1] =	stream.indirect.gather [hbm4b:s1+s24], $0x80, s3, s24, $0xb8;
	[tilespmem:$0x1CFC0] =	vst v63  }
0x222: {  	s10 =	sadd.s32 $0x50, s3  }
0x223: {  	[tilespmem:s25], [sflag:$0x2] =	stream.indirect.gather [hbm4b:s1+s24], $0x80, s10, s24, $0xb8;
	[tilespmem:$0x1CFC0] =	vst v63  }
0x224: {  	_ =	swait.ge [sflag:s26], $0x2800  }
0x225: {  	[sflag:s26] =	ssyncset.done $0x0  }
0x226: {  	s9 =	sadd.s32 $0xFA0, s3;
	[sflag:s26] =	ssyncadd.s32 $0xFFFFD800  }
0x227: {  	[spmem:s2] =	stream.indirect.scatter.add.f32 [tilespmem:s19], [sflag:$0x1], $0x80, s9, s24, $0xb8;
	[tilespmem:$0x1CFC0] =	vst v63  }
0x228: {  	s10 =	sadd.s32 $0xA0, s3  }
0x229: {  	[tilespmem:s28], [sflag:$0x3] =	stream.indirect.gather [hbm4b:s1+s24], $0x80, s10, s24, $0xb8;
	[tilespmem:$0x1CFC0] =	vst v63  }
0x22a: {  	_ =	swait.ge [sflag:s29], $0x2800  }
0x22b: {  	[sflag:s29] =	ssyncset.done $0x0  }
0x22c: {  	s12 =	sadd.s32 $0xFF0, s3;
	[sflag:s29] =	ssyncadd.s32 $0xFFFFD800  }
0x22d: {  	[spmem:s2] =	stream.indirect.scatter.add.f32 [tilespmem:s25], [sflag:$0x2], $0x80, s12, s24, $0xb8;
	[tilespmem:$0x1CFC0] =	vst v63  }
0x22e: {  	_ =	swait.ge [sflag:s26], $0x2800  }
0x22f: {  	[sflag:s26] =	ssyncset.done $0x0  }
0x230: {  	s17 =	sadd.s32 $0xF0, s3;
	[sflag:s26] =	ssyncadd.s32 $0xFFFFD800  }
0x231: {  	[tilespmem:s19], [sflag:$0x1] =	stream.indirect.gather [hbm4b:s1+s24], $0x80, s17, s24, $0xb8;
	[tilespmem:$0x1CFC0] =	vst v63  }
0x232: {  	_ =	swait.ge [sflag:s30], $0x2800  }
0x233: {  	[sflag:s30] =	ssyncset.done $0x0  }
0x234: {  	s22 =	sadd.s32 $0x1040, s3;
	[sflag:s30] =	ssyncadd.s32 $0xFFFFD800  }
0x235: {  	[spmem:s2] =	stream.indirect.scatter.add.f32 [tilespmem:s28], [sflag:$0x3], $0x80, s22, s24, $0xb8;
	[tilespmem:$0x1CFC0] =	vst v63  }
0x236: {  	_ =	swait.ge [sflag:s29], $0x2800  }
0x237: {  	[sflag:s29] =	ssyncset.done $0x0  }
0x238: {  	s23 =	sadd.s32 $0x140, s3;
	[sflag:s29] =	ssyncadd.s32 $0xFFFFD800  }
0x239: {  	[tilespmem:s25], [sflag:$0x2] =	stream.indirect.gather [hbm4b:s1+s24], $0x80, s23, s24, $0xb8;
	[tilespmem:$0x1CFC0] =	vst v63  }
0x23a: {  	_ =	swait.ge [sflag:s26], $0x2800  }
0x23b: {  	[sflag:s26] =	ssyncset.done $0x0  }
0x23c: {  	s12 =	sadd.s32 $0x1090, s3;
	[sflag:s26] =	ssyncadd.s32 $0xFFFFD800  }
0x23d: {  	[spmem:s2] =	stream.indirect.scatter.add.f32 [tilespmem:s19], [sflag:$0x1], $0x80, s12, s24, $0xb8;
	[tilespmem:$0x1CFC0] =	vst v63  }
0x23e: {  	_ =	swait.ge [sflag:s30], $0x2800  }
0x23f: {  	[sflag:s30] =	ssyncset.done $0x0  }
0x240: {  	s17 =	sadd.s32 $0x190, s3;
	[sflag:s30] =	ssyncadd.s32 $0xFFFFD800  }
0x241: {  	[tilespmem:s28], [sflag:$0x3] =	stream.indirect.gather [hbm4b:s1+s24], $0x80, s17, s24, $0xb8;
	[tilespmem:$0x1CFC0] =	vst v63  }
0x242: {  	_ =	swait.ge [sflag:s29], $0x2800  }
0x243: {  	[sflag:s29] =	ssyncset.done $0x0  }
0x244: {  	s22 =	sadd.s32 $0x10E0, s3;
	[sflag:s29] =	ssyncadd.s32 $0xFFFFD800  }
0x245: {  	[spmem:s2] =	stream.indirect.scatter.add.f32 [tilespmem:s25], [sflag:$0x2], $0x80, s22, s24, $0xb8;
	[tilespmem:$0x1CFC0] =	vst v63  }
0x246: {  	_ =	swait.ge [sflag:s26], $0x2800  }
0x247: {  	[sflag:s26] =	ssyncset.done $0x0  }
0x248: {  	s23 =	sadd.s32 $0x1E0, s3;
	[sflag:s26] =	ssyncadd.s32 $0xFFFFD800  }
0x249: {  	[tilespmem:s19], [sflag:$0x1] =	stream.indirect.gather [hbm4b:s1+s24], $0x80, s23, s24, $0xb8;
	[tilespmem:$0x1CFC0] =	vst v63  }
0x24a: {  	_ =	swait.ge [sflag:s30], $0x2800  }
0x24b: {  	[sflag:s30] =	ssyncset.done $0x0  }
0x24c: {  	s12 =	sadd.s32 $0x1130, s3;
	[sflag:s30] =	ssyncadd.s32 $0xFFFFD800  }
0x24d: {  	[spmem:s2] =	stream.indirect.scatter.add.f32 [tilespmem:s28], [sflag:$0x3], $0x80, s12, s24, $0xb8;
	[tilespmem:$0x1CFC0] =	vst v63  }
0x24e: {  	_ =	swait.ge [sflag:s29], $0x2800  }
0x24f: {  	[sflag:s29] =	ssyncset.done $0x0  }
0x250: {  	s17 =	sadd.s32 $0x230, s3;
	[sflag:s29] =	ssyncadd.s32 $0xFFFFD800  }
0x251: {  	[tilespmem:s25], [sflag:$0x2] =	stream.indirect.gather [hbm4b:s1+s24], $0x80, s17, s24, $0xb8;
	[tilespmem:$0x1CFC0] =	vst v63  }
0x252: {  	_ =	swait.ge [sflag:s26], $0x2800  }
0x253: {  	[sflag:s26] =	ssyncset.done $0x0  }
0x254: {  	s22 =	sadd.s32 $0x1180, s3;
	[sflag:s26] =	ssyncadd.s32 $0xFFFFD800  }
0x255: {  	[spmem:s2] =	stream.indirect.scatter.add.f32 [tilespmem:s19], [sflag:$0x1], $0x80, s22, s24, $0xb8;
	[tilespmem:$0x1CFC0] =	vst v63  }
0x256: {  	_ =	swait.ge [sflag:s30], $0x2800  }
0x257: {  	[sflag:s30] =	ssyncset.done $0x0  }
0x258: {  	s23 =	sadd.s32 $0x280, s3;
	[sflag:s30] =	ssyncadd.s32 $0xFFFFD800  }
0x259: {  	[tilespmem:s28], [sflag:$0x3] =	stream.indirect.gather [hbm4b:s1+s24], $0x80, s23, s24, $0xb8;
	[tilespmem:$0x1CFC0] =	vst v63  }
0x25a: {  	_ =	swait.ge [sflag:s29], $0x2800  }
0x25b: {  	[sflag:s29] =	ssyncset.done $0x0  }
0x25c: {  	s12 =	sadd.s32 $0x11D0, s3;
	[sflag:s29] =	ssyncadd.s32 $0xFFFFD800  }
0x25d: {  	[spmem:s2] =	stream.indirect.scatter.add.f32 [tilespmem:s25], [sflag:$0x2], $0x80, s12, s24, $0xb8;
	[tilespmem:$0x1CFC0] =	vst v63  }
0x25e: {  	_ =	swait.ge [sflag:s26], $0x2800  }
0x25f: {  	[sflag:s26] =	ssyncset.done $0x0  }
0x260: {  	s17 =	sadd.s32 $0x2D0, s3;
	[sflag:s26] =	ssyncadd.s32 $0xFFFFD800  }
0x261: {  	[tilespmem:s19], [sflag:$0x1] =	stream.indirect.gather [hbm4b:s1+s24], $0x80, s17, s24, $0xb8;
	[tilespmem:$0x1CFC0] =	vst v63  }
0x262: {  	_ =	swait.ge [sflag:s30], $0x2800  }
0x263: {  	[sflag:s30] =	ssyncset.done $0x0  }
0x264: {  	s22 =	sadd.s32 $0x1220, s3;
	[sflag:s30] =	ssyncadd.s32 $0xFFFFD800  }
0x265: {  	[spmem:s2] =	stream.indirect.scatter.add.f32 [tilespmem:s28], [sflag:$0x3], $0x80, s22, s24, $0xb8;
	[tilespmem:$0x1CFC0] =	vst v63  }
0x266: {  	_ =	swait.ge [sflag:s29], $0x2800  }
0x267: {  	[sflag:s29] =	ssyncset.done $0x0  }
0x268: {  	s23 =	sadd.s32 $0x320, s3;
	[sflag:s29] =	ssyncadd.s32 $0xFFFFD800  }
0x269: {  	[tilespmem:s25], [sflag:$0x2] =	stream.indirect.gather [hbm4b:s1+s24], $0x80, s23, s24, $0xb8;
	[tilespmem:$0x1CFC0] =	vst v63  }
0x26a: {  	_ =	swait.ge [sflag:s26], $0x2800  }
0x26b: {  	[sflag:s26] =	ssyncset.done $0x0  }
0x26c: {  	s12 =	sadd.s32 $0x1270, s3;
	[sflag:s26] =	ssyncadd.s32 $0xFFFFD800  }
0x26d: {  	[spmem:s2] =	stream.indirect.scatter.add.f32 [tilespmem:s19], [sflag:$0x1], $0x80, s12, s24, $0xb8;
	[tilespmem:$0x1CFC0] =	vst v63  }
0x26e: {  	_ =	swait.ge [sflag:s30], $0x2800  }
0x26f: {  	[sflag:s30] =	ssyncset.done $0x0  }
0x270: {  	s17 =	sadd.s32 $0x370, s3;
	[sflag:s30] =	ssyncadd.s32 $0xFFFFD800  }
0x271: {  	[tilespmem:s28], [sflag:$0x3] =	stream.indirect.gather [hbm4b:s1+s24], $0x80, s17, s24, $0xb8;
	[tilespmem:$0x1CFC0] =	vst v63  }
0x272: {  	_ =	swait.ge [sflag:s29], $0x2800  }
0x273: {  	[sflag:s29] =	ssyncset.done $0x0  }
0x274: {  	s22 =	sadd.s32 $0x12C0, s3;
	[sflag:s29] =	ssyncadd.s32 $0xFFFFD800  }
0x275: {  	[spmem:s2] =	stream.indirect.scatter.add.f32 [tilespmem:s25], [sflag:$0x2], $0x80, s22, s24, $0xb8;
	[tilespmem:$0x1CFC0] =	vst v63  }
0x276: {  	_ =	swait.ge [sflag:s26], $0x2800  }
0x277: {  	[sflag:s26] =	ssyncset.done $0x0  }
0x278: {  	s23 =	sadd.s32 $0x3C0, s3;
	[sflag:s26] =	ssyncadd.s32 $0xFFFFD800  }
0x279: {  	[tilespmem:s19], [sflag:$0x1] =	stream.indirect.gather [hbm4b:s1+s24], $0x80, s23, s24, $0xb8;
	[tilespmem:$0x1CFC0] =	vst v63  }
0x27a: {  	_ =	swait.ge [sflag:s30], $0x2800  }
0x27b: {  	[sflag:s30] =	ssyncset.done $0x0  }
0x27c: {  	s12 =	sadd.s32 $0x1310, s3;
	[sflag:s30] =	ssyncadd.s32 $0xFFFFD800  }
0x27d: {  	[spmem:s2] =	stream.indirect.scatter.add.f32 [tilespmem:s28], [sflag:$0x3], $0x80, s12, s24, $0xb8;
	[tilespmem:$0x1CFC0] =	vst v63  }
0x27e: {  	_ =	swait.ge [sflag:s29], $0x2800  }
0x27f: {  	[sflag:s29] =	ssyncset.done $0x0  }
0x280: {  	s17 =	sadd.s32 $0x410, s3;
	[sflag:s29] =	ssyncadd.s32 $0xFFFFD800  }
0x281: {  	[tilespmem:s25], [sflag:$0x2] =	stream.indirect.gather [hbm4b:s1+s24], $0x80, s17, s24, $0xb8;
	[tilespmem:$0x1CFC0] =	vst v63  }
0x282: {  	_ =	swait.ge [sflag:s26], $0x2800  }
0x283: {  	[sflag:s26] =	ssyncset.done $0x0  }
0x284: {  	s22 =	sadd.s32 $0x1360, s3;
	[sflag:s26] =	ssyncadd.s32 $0xFFFFD800  }
0x285: {  	[spmem:s2] =	stream.indirect.scatter.add.f32 [tilespmem:s19], [sflag:$0x1], $0x80, s22, s24, $0xb8;
	[tilespmem:$0x1CFC0] =	vst v63  }
0x286: {  	_ =	swait.ge [sflag:s30], $0x2800  }
0x287: {  	[sflag:s30] =	ssyncset.done $0x0  }
0x288: {  	s23 =	sadd.s32 $0x460, s3;
	[sflag:s30] =	ssyncadd.s32 $0xFFFFD800  }
0x289: {  	[tilespmem:s28], [sflag:$0x3] =	stream.indirect.gather [hbm4b:s1+s24], $0x80, s23, s24, $0xb8;
	[tilespmem:$0x1CFC0] =	vst v63  }
0x28a: {  	_ =	swait.ge [sflag:s29], $0x2800  }
0x28b: {  	[sflag:s29] =	ssyncset.done $0x0  }
0x28c: {  	s12 =	sadd.s32 $0x13B0, s3;
	[sflag:s29] =	ssyncadd.s32 $0xFFFFD800  }
0x28d: {  	[spmem:s2] =	stream.indirect.scatter.add.f32 [tilespmem:s25], [sflag:$0x2], $0x80, s12, s24, $0xb8;
	[tilespmem:$0x1CFC0] =	vst v63  }
0x28e: {  	_ =	swait.ge [sflag:s26], $0x2800  }
0x28f: {  	[sflag:s26] =	ssyncset.done $0x0  }
0x290: {  	s17 =	sadd.s32 $0x4B0, s3;
	[sflag:s26] =	ssyncadd.s32 $0xFFFFD800  }
0x291: {  	[tilespmem:s19], [sflag:$0x1] =	stream.indirect.gather [hbm4b:s1+s24], $0x80, s17, s24, $0xb8;
	[tilespmem:$0x1CFC0] =	vst v63  }
0x292: {  	_ =	swait.ge [sflag:s30], $0x2800  }
0x293: {  	[sflag:s30] =	ssyncset.done $0x0  }
0x294: {  	s22 =	sadd.s32 $0x1400, s3;
	[sflag:s30] =	ssyncadd.s32 $0xFFFFD800  }
0x295: {  	[spmem:s2] =	stream.indirect.scatter.add.f32 [tilespmem:s28], [sflag:$0x3], $0x80, s22, s24, $0xb8;
	[tilespmem:$0x1CFC0] =	vst v63  }
0x296: {  	_ =	swait.ge [sflag:s29], $0x2800  }
0x297: {  	[sflag:s29] =	ssyncset.done $0x0  }
0x298: {  	s23 =	sadd.s32 $0x500, s3;
	[sflag:s29] =	ssyncadd.s32 $0xFFFFD800  }
0x299: {  	[tilespmem:s25], [sflag:$0x2] =	stream.indirect.gather [hbm4b:s1+s24], $0x80, s23, s24, $0xb8;
	[tilespmem:$0x1CFC0] =	vst v63  }
0x29a: {  	_ =	swait.ge [sflag:s26], $0x2800  }
0x29b: {  	[sflag:s26] =	ssyncset.done $0x0  }
0x29c: {  	s12 =	sadd.s32 $0x1450, s3;
	[sflag:s26] =	ssyncadd.s32 $0xFFFFD800  }
0x29d: {  	[spmem:s2] =	stream.indirect.scatter.add.f32 [tilespmem:s19], [sflag:$0x1], $0x80, s12, s24, $0xb8;
	[tilespmem:$0x1CFC0] =	vst v63  }
0x29e: {  	_ =	swait.ge [sflag:s30], $0x2800  }
0x29f: {  	[sflag:s30] =	ssyncset.done $0x0  }
0x2a0: {  	s17 =	sadd.s32 $0x550, s3;
	[sflag:s30] =	ssyncadd.s32 $0xFFFFD800  }
0x2a1: {  	[tilespmem:s28], [sflag:$0x3] =	stream.indirect.gather [hbm4b:s1+s24], $0x80, s17, s24, $0xb8;
	[tilespmem:$0x1CFC0] =	vst v63  }
0x2a2: {  	_ =	swait.ge [sflag:s29], $0x2800  }
0x2a3: {  	[sflag:s29] =	ssyncset.done $0x0  }
0x2a4: {  	s22 =	sadd.s32 $0x14A0, s3;
	[sflag:s29] =	ssyncadd.s32 $0xFFFFD800  }
0x2a5: {  	[spmem:s2] =	stream.indirect.scatter.add.f32 [tilespmem:s25], [sflag:$0x2], $0x80, s22, s24, $0xb8;
	[tilespmem:$0x1CFC0] =	vst v63  }
0x2a6: {  	_ =	swait.ge [sflag:s26], $0x2800  }
0x2a7: {  	[sflag:s26] =	ssyncset.done $0x0  }
0x2a8: {  	s23 =	sadd.s32 $0x5A0, s3;
	[sflag:s26] =	ssyncadd.s32 $0xFFFFD800  }
0x2a9: {  	[tilespmem:s19], [sflag:$0x1] =	stream.indirect.gather [hbm4b:s1+s24], $0x80, s23, s24, $0xb8;
	[tilespmem:$0x1CFC0] =	vst v63  }
0x2aa: {  	_ =	swait.ge [sflag:s30], $0x2800  }
0x2ab: {  	[sflag:s30] =	ssyncset.done $0x0  }
0x2ac: {  	s12 =	sadd.s32 $0x14F0, s3;
	[sflag:s30] =	ssyncadd.s32 $0xFFFFD800  }
0x2ad: {  	[spmem:s2] =	stream.indirect.scatter.add.f32 [tilespmem:s28], [sflag:$0x3], $0x80, s12, s24, $0xb8;
	[tilespmem:$0x1CFC0] =	vst v63  }
0x2ae: {  	_ =	swait.ge [sflag:s29], $0x2800  }
0x2af: {  	[sflag:s29] =	ssyncset.done $0x0  }
0x2b0: {  	s17 =	sadd.s32 $0x5F0, s3;
	[sflag:s29] =	ssyncadd.s32 $0xFFFFD800  }
0x2b1: {  	[tilespmem:s25], [sflag:$0x2] =	stream.indirect.gather [hbm4b:s1+s24], $0x80, s17, s24, $0xb8;
	[tilespmem:$0x1CFC0] =	vst v63  }
0x2b2: {  	_ =	swait.ge [sflag:s26], $0x2800  }
0x2b3: {  	[sflag:s26] =	ssyncset.done $0x0  }
0x2b4: {  	s22 =	sadd.s32 $0x1540, s3;
	[sflag:s26] =	ssyncadd.s32 $0xFFFFD800  }
0x2b5: {  	[spmem:s2] =	stream.indirect.scatter.add.f32 [tilespmem:s19], [sflag:$0x1], $0x80, s22, s24, $0xb8;
	[tilespmem:$0x1CFC0] =	vst v63  }
0x2b6: {  	_ =	swait.ge [sflag:s30], $0x2800  }
0x2b7: {  	[sflag:s30] =	ssyncset.done $0x0  }
0x2b8: {  	s23 =	sadd.s32 $0x640, s3;
	[sflag:s30] =	ssyncadd.s32 $0xFFFFD800  }
0x2b9: {  	[tilespmem:s28], [sflag:$0x3] =	stream.indirect.gather [hbm4b:s1+s24], $0x80, s23, s24, $0xb8;
	[tilespmem:$0x1CFC0] =	vst v63  }
0x2ba: {  	_ =	swait.ge [sflag:s29], $0x2800  }
0x2bb: {  	[sflag:s29] =	ssyncset.done $0x0  }
0x2bc: {  	s12 =	sadd.s32 $0x1590, s3;
	[sflag:s29] =	ssyncadd.s32 $0xFFFFD800  }
0x2bd: {  	[spmem:s2] =	stream.indirect.scatter.add.f32 [tilespmem:s25], [sflag:$0x2], $0x80, s12, s24, $0xb8;
	[tilespmem:$0x1CFC0] =	vst v63  }
0x2be: {  	_ =	swait.ge [sflag:s26], $0x2800  }
0x2bf: {  	[sflag:s26] =	ssyncset.done $0x0  }
0x2c0: {  	s17 =	sadd.s32 $0x690, s3;
	[sflag:s26] =	ssyncadd.s32 $0xFFFFD800  }
0x2c1: {  	[tilespmem:s19], [sflag:$0x1] =	stream.indirect.gather [hbm4b:s1+s24], $0x80, s17, s24, $0xb8;
	[tilespmem:$0x1CFC0] =	vst v63  }
0x2c2: {  	_ =	swait.ge [sflag:s30], $0x2800  }
0x2c3: {  	[sflag:s30] =	ssyncset.done $0x0  }
0x2c4: {  	s22 =	sadd.s32 $0x15E0, s3;
	[sflag:s30] =	ssyncadd.s32 $0xFFFFD800  }
0x2c5: {  	[spmem:s2] =	stream.indirect.scatter.add.f32 [tilespmem:s28], [sflag:$0x3], $0x80, s22, s24, $0xb8;
	[tilespmem:$0x1CFC0] =	vst v63  }
0x2c6: {  	_ =	swait.ge [sflag:s29], $0x2800  }
0x2c7: {  	[sflag:s29] =	ssyncset.done $0x0  }
0x2c8: {  	s23 =	sadd.s32 $0x6E0, s3;
	[sflag:s29] =	ssyncadd.s32 $0xFFFFD800  }
0x2c9: {  	[tilespmem:s25], [sflag:$0x2] =	stream.indirect.gather [hbm4b:s1+s24], $0x80, s23, s24, $0xb8;
	[tilespmem:$0x1CFC0] =	vst v63  }
0x2ca: {  	_ =	swait.ge [sflag:s26], $0x2800  }
0x2cb: {  	[sflag:s26] =	ssyncset.done $0x0  }
0x2cc: {  	s12 =	sadd.s32 $0x1630, s3;
	[sflag:s26] =	ssyncadd.s32 $0xFFFFD800  }
0x2cd: {  	[spmem:s2] =	stream.indirect.scatter.add.f32 [tilespmem:s19], [sflag:$0x1], $0x80, s12, s24, $0xb8;
	[tilespmem:$0x1CFC0] =	vst v63  }
0x2ce: {  	_ =	swait.ge [sflag:s30], $0x2800  }
0x2cf: {  	[sflag:s30] =	ssyncset.done $0x0  }
0x2d0: {  	s17 =	sadd.s32 $0x730, s3;
	[sflag:s30] =	ssyncadd.s32 $0xFFFFD800  }
0x2d1: {  	[tilespmem:s28], [sflag:$0x3] =	stream.indirect.gather [hbm4b:s1+s24], $0x80, s17, s24, $0xb8;
	[tilespmem:$0x1CFC0] =	vst v63  }
0x2d2: {  	_ =	swait.ge [sflag:s29], $0x2800  }
0x2d3: {  	[sflag:s29] =	ssyncset.done $0x0  }
0x2d4: {  	s22 =	sadd.s32 $0x1680, s3;
	[sflag:s29] =	ssyncadd.s32 $0xFFFFD800  }
0x2d5: {  	[spmem:s2] =	stream.indirect.scatter.add.f32 [tilespmem:s25], [sflag:$0x2], $0x80, s22, s24, $0xb8;
	[tilespmem:$0x1CFC0] =	vst v63  }
0x2d6: {  	_ =	swait.ge [sflag:s26], $0x2800  }
0x2d7: {  	[sflag:s26] =	ssyncset.done $0x0  }
0x2d8: {  	s23 =	sadd.s32 $0x780, s3;
	[sflag:s26] =	ssyncadd.s32 $0xFFFFD800  }
0x2d9: {  	[tilespmem:s19], [sflag:$0x1] =	stream.indirect.gather [hbm4b:s1+s24], $0x80, s23, s24, $0xb8;
	[tilespmem:$0x1CFC0] =	vst v63  }
0x2da: {  	_ =	swait.ge [sflag:s30], $0x2800  }
0x2db: {  	[sflag:s30] =	ssyncset.done $0x0  }
0x2dc: {  	s12 =	sadd.s32 $0x16D0, s3;
	[sflag:s30] =	ssyncadd.s32 $0xFFFFD800  }
0x2dd: {  	[spmem:s2] =	stream.indirect.scatter.add.f32 [tilespmem:s28], [sflag:$0x3], $0x80, s12, s24, $0xb8;
	[tilespmem:$0x1CFC0] =	vst v63  }
0x2de: {  	_ =	swait.ge [sflag:s26], $0x2800  }
0x2df: {  	[sflag:s26] =	ssyncset.done $0x0  }
0x2e0: {  	s17 =	sadd.s32 $0x1720, s3;
	[sflag:s26] =	ssyncadd.s32 $0xFFFFD800  }
0x2e1: {  	[spmem:s2] =	stream.indirect.scatter.add.f32 [tilespmem:s19], [sflag:$0x1], $0x80, s17, s24, $0xb8;
	[tilespmem:$0x1CFC0] =	vst v63  }
0x2e2: {  	_ =	swait.ge [sflag:s29], $0x2800  }
0x2e3: {  	[sflag:s29] =	ssyncset.done $0x0  }
0x2e4: {  	[sflag:s29] =	ssyncadd.s32 $0xFFFFD800  }
0x2e5: {  	_ =	swait.ge [sflag:s30], $0x2800  }
0x2e6: {  	[sflag:s30] =	ssyncset.done $0x0  }
0x2e7: {  	[sflag:s30] =	ssyncadd.s32 $0xFFFFD800  }
0x2e8: {  	p0 =	sne.s32 @!p2 s11, $0x0;
	_ =	swait.ge [sflag:s26], $0x2800  }
0x2e9: {  	p6 =	seq.s32 s11, $0x1;
	p0 =	por p0, p2;
	[sflag:s26] =	ssyncset.done $0x0  }
0x2ea: {  	p3 =	por !p6, !p6;
	s10 =	simm.s32 @!p0 $0x0;
	[sflag:s26] =	ssyncadd.s32 $0xFFFFD800  }
0x2eb: {  	[tilespmem:s3], [sflag:$0x4] =	stream.linear.gather @!p0 [hbm4b:s4+s10], $0x7D0, $0x38;
	[tilespmem:$0x1CFC0] =	vst v63  }
0x2ec: {  	p2 =	por p2, p3  }
0x2ed: {  	[tilespmem:s9], [sflag:$0x4] =	stream.linear.gather @!p0 [hbm4b:s21+s10], $0x7D0, $0x38;
	[tilespmem:$0x1CFC0] =	vst v63  }
0x2ee: {  	s22 =	stileid.u32;
	s10 =	simm.s32 @!p2 $0x0  }
0x2ef: {  	[tilespmem:s3], [sflag:$0x5] =	stream.linear.gather @!p2 [hbm4b:s4+s10], $0x7D0, $0x38;
	[tilespmem:$0x1CFC0] =	vst v63  }
0x2f0: {  	s3 =	sshll.u32 s22, $0x6  }
0x2f1: {  	[tilespmem:s9], [sflag:$0x5] =	stream.linear.gather @!p2 [hbm4b:s21+s10], $0x7D0, $0x38;
	[tilespmem:$0x1CFC0] =	vst v63  }
0x2f2: {  	s23 =	sshrl.u32 s5, $0x3;
	s3 =	sor.u32 $0x1C06, s3;
	[bflag:$0x0] =	sbarrier.arrive $0xFFFF  }
0x2f3: {  	[hbm:s13], [sflag:s3] =	dma.local [spmem:s23], $0x2700  }
0x2f4: {  	_ =	swait.ge [sflag:s20], $0x2700  }
0x2f5: {  	s31 =	sadd.s32 $0x1, s31;
	[sflag:s20] =	ssyncset.done $0x0  }
0x2f6: {  	p0 =	sne.s32 s31, s15;
	[sflag:s20] =	ssyncadd.s32 $0xFFFFD900  }
0x2f7: {  	[hbm:s14], [sflag:s3] =	dma.local @!p1 [spmem:s0], $0x100  }
.Ltmp5:
0x2f8: {  	_ = 	snop;
	(pc) =	sbr.rel @p0 .LBB2_1-.Ltmp5, $4  }
0x2f9: {  	s0 =	simm.s32 @!p1 $0x6  }
0x2fa: {  	_ =	swait.ge @!p1 [sflag:s0], $0x100  }
0x2fb: {  	[sflag:s0] =	ssyncset.done @!p1 $0x0  }
0x2fc: {  	[sflag:s0] =	ssyncadd.s32 @!p1 $0xFFFFFF00  }
0x2fd: {  	_ =	sfence.sel $0x180000  }
0x2fe: {  	[bflag:$0x0] =	sbarrier.arrive $0xFFFF  }
0x2ff: {  	_ =	strace $0x90000047  }
0x300: {  	[bflag:$0x2] =	sbarrier.arrive $0xFFFF  }
0x301: {  	s0 =	rddreg [dreg:$0x3]  }
0x302: {  	s0 =	sadd.s32 @!p1 $0x100000, s0  }
0x303: {  	[sflag:s0] =	ssyncadd.tile.s32 @!p1 $0x1;
	_ =	shalt  }
.Lfunc_end2:
_tile_overlayer_lowered:
.L_overlay_start_2:
0x304: {  	(tag) =	ssettag $0x2  }
0x305: {  	s0 =	rddreg [dreg:$0x0];
	s2 =	stileid.u32  }
0x306: {  	s1 =	rddreg [dreg:$0x1];
	p0 =	sne.s32 s2, $0x0  }
0x307: {  	s3 =	rddreg [dreg:$0x2];
	[bflag:$0x3] =	sbarrier.arrive $0xFFFF;
	s2 =	simm.s32 @!p0 $0x1C06  }
0x308: {  	[timem:s3], [sflag:s2] =	dma.local @!p0 [hbm:s0], s1  }
0x309: {  	s0 =	simm.s32 @!p0 $0x6  }
0x30a: {  	_ =	swait.ge @!p0 [sflag:s0], s1  }
0x30b: {  	s1 =	ssub.s32 @!p0 $0x0, s1;
	[sflag:s0] =	ssyncset.done @!p0 $0x0  }
0x30c: {  	[sflag:s0] =	ssyncadd.s32 @!p0 s1  }
0x30d: {  	[bflag:$0x3] =	sbarrier.arrive $0xFFFF  }
0x30e: {  	_ =	shalt  }

</sc_bundles>
